<compile_context>
chip_gen: v7x
topology: tpu7x:2x2x1
jax: 0.10.2.dev20260603
libtpu: 0.0.44.dev20260713+nightly
codegen_flags: <defaults>
</compile_context>

<pallas_src>
import functools

import jax
import jax.numpy as jnp
from jax import lax
from jax.experimental import pallas as pl
from jax.experimental.pallas import tpu as pltpu
from jax.experimental.pallas import tpu_sc as plsc

NC = 2
NS = 16
K = 80



def _sc_segment_sum(table, src, dst, zeros_acc, with_counts):
    n, d = table.shape
    e = src.shape[0]
    nw = NC * NS
    assert e % (nw * K) == 0
    e_per_w = e // nw
    t_chunks = e_per_w // K
    row_step = (n // NS) // 8 * 8
    row_span = n - row_step * (NS - 1)
    assert row_span % 8 == 0 and row_span >= row_step

    mesh = plsc.VectorSubcoreMesh(core_axis_name="c", subcore_axis_name="s")

    nbuf = 4
    n_pass = 5
    assert t_chunks % n_pass == 0
    cp = t_chunks // n_pass
    pass_e = cp * K
    out_type = [jax.ShapeDtypeStruct((NC, n, d), jnp.float32)]
    scratch = [
        pltpu.VMEM((pass_e,), jnp.int32),
        pltpu.VMEM((cp, K), jnp.int32),
        pltpu.VMEM_SHARED((n, d), jnp.float32),
    ]
    scratch += [pltpu.VMEM((K, d), jnp.float32) for _ in range(nbuf)]
    scratch += [pltpu.SemaphoreType.DMA for _ in range(2 * nbuf + 1)]
    if with_counts:
        out_type.append(jax.ShapeDtypeStruct((NC * n,), jnp.float32))
        scratch.append(pltpu.VMEM((K,), jnp.float32))
        scratch.append(pltpu.VMEM_SHARED((n,), jnp.float32))
        scratch.append(pltpu.VMEM((K,), jnp.float32))

    def body(table_h, src_h, dst_h, zacc_h, out_h, *rest):
        cntrow_v = None
        if with_counts:
            cnt_out_h = rest[0]
            rest = rest[1:]
        src_v, dst_v, acc_s = rest[0], rest[1], rest[2]
        rows = list(rest[3:3 + nbuf])
        gsem = list(rest[3 + nbuf:3 + 2 * nbuf])
        ssem = list(rest[3 + 2 * nbuf:3 + 3 * nbuf])
        csem = rest[3 + 3 * nbuf]
        rows_v = rows[0]
        if with_counts:
            ones_v, cnt_s, cntrow_v = rest[3 + 3 * nbuf + 1:]
        c = lax.axis_index("c")
        s = lax.axis_index("s")
        wid = s * NC + c
        base_e = wid * e_per_w
        r0 = s * row_step
        n_sub = row_span // K

        pltpu.sync_copy(zacc_h.at[pl.ds(0, K)], rows_v)
        if with_counts:
            for i in range(K // 16):
                ones_v[pl.ds(i * 16, 16)] = jnp.full((16,), 1.0, jnp.float32)
                cntrow_v[pl.ds(i * 16, 16)] = jnp.zeros((16,), jnp.float32)

        @pl.loop(0, n_sub)
        def _(j):
            pltpu.sync_copy(rows_v, acc_s.at[pl.ds(r0 + j * K, K)])

        if with_counts:
            @pl.loop(0, n_sub)
            def _(j):
                pltpu.sync_copy(cntrow_v, cnt_s.at[pl.ds(r0 + j * K, K)])

        plsc.subcore_barrier()

        def start_gather(t, b):
            return pltpu.async_copy(
                table_h.at[src_v.at[pl.ds(t * K, K)]], rows[b], gsem[b])

        def start_scatter(t, b):
            sd = pltpu.async_copy(rows[b], acc_s.at[dst_v.at[t]], ssem[b],
                                  add=True)
            cd = (pltpu.async_copy(ones_v, cnt_s.at[dst_v.at[t]], csem,
                                   add=True) if with_counts else None)
            return sd, cd

        def drain_scatter(b):
            pltpu.make_async_copy(rows[b], acc_s.at[dst_v.at[0]],
                                  ssem[b]).wait()
            if with_counts:
                pltpu.make_async_copy(ones_v, cnt_s.at[dst_v.at[0]],
                                      csem).wait()

        n_full = cp // nbuf
        rem = cp - n_full * nbuf

        @pl.loop(0, n_pass)
        def _(p):
            pltpu.sync_copy(src_h.at[pl.ds(base_e + p * pass_e, pass_e)],
                            src_v)
            pltpu.sync_copy(dst_h.at[wid, p], dst_v)

            @pl.loop(0, n_full)
            def _(tt):
                gd = []
                for b in range(nbuf):
                    @pl.when(tt > 0)
                    def _():
                        drain_scatter(b)
                    gd.append(start_gather(tt * nbuf + b, b))
                for b in range(nbuf):
                    gd[b].wait()
                    start_scatter(tt * nbuf + b, b)

            for b in range(rem):
                drain_scatter(b)
                g = start_gather(n_full * nbuf + b, b)
                g.wait()
                start_scatter(n_full * nbuf + b, b)
            for b in range(rem, nbuf):
                drain_scatter(b)
            for b in range(rem):
                drain_scatter(b)

        plsc.subcore_barrier()

        @pl.loop(0, n_sub)
        def _(j):
            pltpu.sync_copy(acc_s.at[pl.ds(r0 + j * K, K)], rows_v)
            pltpu.sync_copy(rows_v, out_h.at[c, pl.ds(r0 + j * K, K)])

        if with_counts:
            @pl.loop(0, n_sub)
            def _(j):
                pltpu.sync_copy(cnt_s.at[pl.ds(r0 + j * K, K)], cntrow_v)
                pltpu.sync_copy(cntrow_v,
                                cnt_out_h.at[pl.ds(c * n + r0 + j * K, K)])

    fn = pl.kernel(body, out_type=tuple(out_type), mesh=mesh,
                   scratch_types=tuple(scratch))
    dst4 = dst.reshape(nw, n_pass, cp, K)
    return fn(table, src, dst4, zeros_acc)



def _tc_layer_body(sp_ref, cnt_ref, x_ref, wl_ref, b_ref, wr_ref, h_ref):
    ssum = sp_ref[0] + sp_ref[1]
    agg = ssum / jnp.maximum(cnt_ref[...], 1.0)
    t = (jnp.dot(agg, wl_ref[...], preferred_element_type=jnp.float32)
         + jnp.dot(x_ref[...], wr_ref[...], preferred_element_type=jnp.float32)
         + b_ref[...])
    nrm = jnp.sqrt(jnp.sum(t * t, axis=1, keepdims=True))
    t = t / jnp.maximum(nrm, 1e-12)
    h_ref[...] = jnp.maximum(t, 0.0)


def _tc_layer(sp, cnt, x, wl, b, wr, block_rows):
    n, d = x.shape
    grid = n // block_rows
    return pl.pallas_call(
        _tc_layer_body,
        grid=(grid,),
        in_specs=[
            pl.BlockSpec((NC, block_rows, d), lambda i: (0, i, 0)),
            pl.BlockSpec((block_rows, 1), lambda i: (i, 0)),
            pl.BlockSpec((block_rows, d), lambda i: (i, 0)),
            pl.BlockSpec((d, d), lambda i: (0, 0)),
            pl.BlockSpec((1, d), lambda i: (0, 0)),
            pl.BlockSpec((d, d), lambda i: (0, 0)),
        ],
        out_specs=pl.BlockSpec((block_rows, d), lambda i: (i, 0)),
        out_shape=jax.ShapeDtypeStruct((n, d), jnp.float32),
    )(sp, cnt, x, wl, b, wr)


def _tc_layer_pool_body(g, sp_ref, cnt_ref, x_ref, wl_ref, b_ref, wr_ref,
                        batch_ref, wlin_ref, blin_ref, out_ref,
                        gsum_ref, gcnt_ref):
    i = pl.program_id(0)
    ssum = sp_ref[0] + sp_ref[1]
    agg = ssum / jnp.maximum(cnt_ref[...], 1.0)
    t = (jnp.dot(agg, wl_ref[...], preferred_element_type=jnp.float32)
         + jnp.dot(x_ref[...], wr_ref[...], preferred_element_type=jnp.float32)
         + b_ref[...])
    nrm = jnp.sqrt(jnp.sum(t * t, axis=1, keepdims=True))
    h = jnp.maximum(t / jnp.maximum(nrm, 1e-12), 0.0)

    @pl.when(i == 0)
    def _():
        gsum_ref[...] = jnp.zeros_like(gsum_ref)
        gcnt_ref[...] = jnp.zeros_like(gcnt_ref)

    bids = batch_ref[0]
    gids = lax.broadcasted_iota(jnp.int32, (gsum_ref.shape[0], h.shape[0]), 0)
    m = (gids == bids).astype(jnp.float32)
    gsum_ref[...] += jnp.dot(m, h, preferred_element_type=jnp.float32)
    gcnt_ref[...] += jnp.sum(m, axis=1, keepdims=True)

    @pl.when(i == g - 1)
    def _():
        gmean = gsum_ref[...] / jnp.maximum(gcnt_ref[...], 1.0)
        out_ref[...] = (jnp.dot(gmean, wlin_ref[...],
                                preferred_element_type=jnp.float32)
                        + blin_ref[...])


def _tc_layer_pool(sp, cnt, x, wl, b, wr, batch3d, wlin, blin, g, block_rows):
    n, d = x.shape
    o = wlin.shape[1]
    grid = n // block_rows
    return pl.pallas_call(
        functools.partial(_tc_layer_pool_body, grid),
        grid=(grid,),
        in_specs=[
            pl.BlockSpec((NC, block_rows, d), lambda i: (0, i, 0)),
            pl.BlockSpec((block_rows, 1), lambda i: (i, 0)),
            pl.BlockSpec((block_rows, d), lambda i: (i, 0)),
            pl.BlockSpec((d, d), lambda i: (0, 0)),
            pl.BlockSpec((1, d), lambda i: (0, 0)),
            pl.BlockSpec((d, d), lambda i: (0, 0)),
            pl.BlockSpec((1, 1, block_rows), lambda i: (i, 0, 0)),
            pl.BlockSpec((d, o), lambda i: (0, 0)),
            pl.BlockSpec((1, o), lambda i: (0, 0)),
        ],
        out_specs=pl.BlockSpec((g, o), lambda i: (0, 0)),
        out_shape=jax.ShapeDtypeStruct((g, o), jnp.float32),
        scratch_shapes=[
            pltpu.VMEM((g, d), jnp.float32),
            pltpu.VMEM((g, 1), jnp.float32),
        ],
    )(sp, cnt, x, wl, b, wr, batch3d, wlin, blin)



BLOCK_ROWS = 1000


def kernel(x, edge_index, batch, W1l, b1, W1r, W2l, b2, W2r, Wlin, blin):
    n, d = x.shape
    src = edge_index[0]
    dst = edge_index[1]
    zeros_acc = jnp.zeros((n, d), jnp.float32)

    s1p, cntflat = _sc_segment_sum(x, src, dst, zeros_acc, with_counts=True)
    cnt = (cntflat[:n] + cntflat[n:]).reshape(n, 1)
    h1 = _tc_layer(s1p, cnt, x, W1l, b1.reshape(1, -1), W1r, BLOCK_ROWS)
    (s2p,) = _sc_segment_sum(h1, src, dst, zeros_acc, with_counts=False)
    batch3d = batch.reshape(n // BLOCK_ROWS, 1, BLOCK_ROWS)
    out = _tc_layer_pool(s2p, cnt, h1, W2l, b2.reshape(1, -1), W2r,
                         batch3d, Wlin, blin.reshape(1, -1),
                         g=64, block_rows=BLOCK_ROWS)
    return out

# --- scband reference (transcript-rebuilt; emitter-appended) ---
"""Pipeline reference for scband-graph-sage-75479755259985 (READ-ONLY COPY).

The authoritative reference and input builder live on the scoring server;
editing this copy changes nothing except your own understanding.
"""

import jax, jax.numpy as jnp
import numpy as np

N = 10000
E = 320000
D = 128
H = 128
O = 64
G = 64


def _segment_mean(data, ids, num_segments):
    s = jax.ops.segment_sum(data, ids, num_segments=num_segments)
    c = jax.ops.segment_sum(jnp.ones((data.shape[0],), data.dtype), ids, num_segments=num_segments)
    return s / jnp.clip(c, 1.0)[:, None]


def _sage_conv(x, edge_index, Wl, bl, Wr):
    # PyG SAGEConv: out = lin_l(mean_{j in N(i)} x_j) + lin_r(x_i); normalize=True -> L2 row norm
    src = edge_index[0]
    dst = edge_index[1]
    msg = jnp.take(x, src, axis=0)
    agg = _segment_mean(msg, dst, x.shape[0])
    out = agg @ Wl + bl + x @ Wr
    nrm = jnp.linalg.norm(out, axis=-1, keepdims=True)
    return out / jnp.clip(nrm, 1e-12)


def setup_inputs(seed: int = 0) -> dict:
    key = jax.random.key(seed)
    ks = jax.random.split(key, 12)
    x = jax.random.normal(ks[0], (N, D), dtype=jnp.float32)
    edge_index = jax.random.randint(ks[1], (2, E), 0, N, dtype=jnp.int32)
    batch = jnp.sort(jax.random.randint(ks[2], (N,), 0, G, dtype=jnp.int32))
    s1 = 1.0 / np.sqrt(D)
    s2 = 1.0 / np.sqrt(H)
    W1l = jax.random.normal(ks[3], (D, H), dtype=jnp.float32) * s1
    b1 = jnp.zeros((H,), dtype=jnp.float32)
    W1r = jax.random.normal(ks[4], (D, H), dtype=jnp.float32) * s1
    W2l = jax.random.normal(ks[5], (H, H), dtype=jnp.float32) * s2
    b2 = jnp.zeros((H,), dtype=jnp.float32)
    W2r = jax.random.normal(ks[6], (H, H), dtype=jnp.float32) * s2
    Wlin = jax.random.normal(ks[7], (H, O), dtype=jnp.float32) * s2
    blin = jnp.zeros((O,), dtype=jnp.float32)
    return {"x": x, "edge_index": edge_index, "batch": batch,
            "W1l": W1l, "b1": b1, "W1r": W1r,
            "W2l": W2l, "b2": b2, "W2r": W2r,
            "Wlin": Wlin, "blin": blin}


def reference(x, edge_index, batch, W1l, b1, W1r, W2l, b2, W2r, Wlin, blin):
    # eval mode: dropout is identity
    h = _sage_conv(x, edge_index, W1l, b1, W1r)
    h = jax.nn.relu(h)
    h = _sage_conv(h, edge_index, W2l, b2, W2r)
    h = jax.nn.relu(h)
    g = _segment_mean(h, batch, G)  # global_mean_pool
    out = g @ Wlin + blin
    return out

if __name__ == "__main__":
    import jax
    _d = setup_inputs()
    print(jax.jit(kernel)(*tuple(_d.values())))

</pallas_src>

<mosaic_0001>
#map = affine_map<(d0, d1) -> (0, 0)>
#map1 = affine_map<(d0, d1) -> (0)>
#map2 = affine_map<(d0, d1) -> (0, 0, 0, 0)>
#map3 = affine_map<(d0, d1) -> (0, 0, 0)>
module attributes {stable_mosaic.version = 14 : i64} {
  func.func @body(%arg0: i32, %arg1: i32, %arg2: memref<10000x128xf32, #tpu.memory_space<hbm>>, %arg3: memref<320000xi32, #tpu.memory_space<hbm>>, %arg4: memref<32x5x25x80xi32, #tpu.memory_space<hbm>>, %arg5: memref<10000x128xf32, #tpu.memory_space<hbm>>, %arg6: memref<2x10000x128xf32, #tpu.memory_space<hbm>>, %arg7: memref<20000xf32, #tpu.memory_space<hbm>>, %arg8: memref<2000xi32, #tpu.memory_space<vmem>>, %arg9: memref<25x80xi32, #tpu.memory_space<vmem>>, %arg10: memref<10000x128xf32, #tpu.memory_space<vmem_shared>>, %arg11: memref<80x128xf32, #tpu.memory_space<vmem>>, %arg12: memref<80x128xf32, #tpu.memory_space<vmem>>, %arg13: memref<80x128xf32, #tpu.memory_space<vmem>>, %arg14: memref<80x128xf32, #tpu.memory_space<vmem>>, %arg15: memref<!tpu.dma_semaphore, #tpu.memory_space<semaphore_mem>>, %arg16: memref<!tpu.dma_semaphore, #tpu.memory_space<semaphore_mem>>, %arg17: memref<!tpu.dma_semaphore, #tpu.memory_space<semaphore_mem>>, %arg18: memref<!tpu.dma_semaphore, #tpu.memory_space<semaphore_mem>>, %arg19: memref<!tpu.dma_semaphore, #tpu.memory_space<semaphore_mem>>, %arg20: memref<!tpu.dma_semaphore, #tpu.memory_space<semaphore_mem>>, %arg21: memref<!tpu.dma_semaphore, #tpu.memory_space<semaphore_mem>>, %arg22: memref<!tpu.dma_semaphore, #tpu.memory_space<semaphore_mem>>, %arg23: memref<!tpu.dma_semaphore, #tpu.memory_space<semaphore_mem>>, %arg24: memref<80xf32, #tpu.memory_space<vmem>>, %arg25: memref<10000xf32, #tpu.memory_space<vmem_shared>>, %arg26: memref<80xf32, #tpu.memory_space<vmem>>) attributes {dimension_semantics = [#tpu.dimension_semantics<core_parallel>, #tpu.dimension_semantics<subcore_parallel>], iteration_bounds = array<i64: 2, 16>, scalar_prefetch = 0 : i64, scratch_operands = 19 : i64, tpu.core_type = #tpu.core_type<sc_vector_subcore>, window_params = [{transform_indices = #map}, {transform_indices = #map1}, {transform_indices = #map2}, {transform_indices = #map}, {transform_indices = #map3}, {transform_indices = #map1}]} {
    %mul3A = arith.constant 2 : i32
    %mul3A_0 = arith.muli %arg1, %mul3A : i32
    %add3A = arith.addi %mul3A_0, %arg0 : i32
    %mul3A_1 = arith.constant 10000 : i32
    %mul3A_2 = arith.muli %add3A, %mul3A_1 : i32
    %mul3A_3 = arith.constant 624 : i32
    %mul3A_4 = arith.muli %arg1, %mul3A_3 : i32
    "tpu.region"() ({
      %run_scoped3A = tpu.sem_alloc : memref<!tpu.dma_semaphore, #tpu.memory_space<semaphore_mem>>
      %dma_start3A = arith.constant 0 : i32
      %dma_start3A_88 = arith.constant 0 : i32
      %dma_start3A_89 = tpu.memref_slice %arg5[%dma_start3A, %dma_start3A_88] : memref<10000x128xf32, #tpu.memory_space<hbm>> -> memref<80x128xf32, #tpu.memory_space<hbm>>
      %dma_start3A_90 = arith.constant 0 : i32
      %dma_start3A_91 = arith.constant 0 : i32
      %dma_start3A_92 = tpu.memref_slice %arg5[%dma_start3A_90, %dma_start3A_91] : memref<10000x128xf32, #tpu.memory_space<hbm>> -> memref<80x128xf32, #tpu.memory_space<hbm>>
      tpu.enqueue_dma source(%dma_start3A_92 : memref<80x128xf32, #tpu.memory_space<hbm>>) target(%arg11 : memref<80x128xf32, #tpu.memory_space<vmem>>) target_semaphore(%run_scoped3A : memref<!tpu.dma_semaphore, #tpu.memory_space<semaphore_mem>>)
      %dma_wait3A = arith.constant 0 : i32
      %dma_wait3A_93 = arith.constant 0 : i32
      %dma_wait3A_94 = tpu.memref_slice %arg5[%dma_wait3A, %dma_wait3A_93] : memref<10000x128xf32, #tpu.memory_space<hbm>> -> memref<80x128xf32, #tpu.memory_space<hbm>>
      %dma_wait3A_95 = arith.constant 0 : i32
      %dma_wait3A_96 = arith.constant 0 : i32
      %dma_wait3A_97 = tpu.memref_slice %arg5[%dma_wait3A_95, %dma_wait3A_96] : memref<10000x128xf32, #tpu.memory_space<hbm>> -> memref<80x128xf32, #tpu.memory_space<hbm>>
      tpu.wait_dma2 semaphore(%run_scoped3A : memref<!tpu.dma_semaphore, #tpu.memory_space<semaphore_mem>>) src(%dma_wait3A_97 : memref<80x128xf32, #tpu.memory_space<hbm>>) dst(%arg11 : memref<80x128xf32, #tpu.memory_space<vmem>>)
      tpu.yield
    }) : () -> ()
    %broadcast_in_dim3A = arith.constant 1.000000e+00 : f32
    %broadcast_in_dim3A_5 = vector.broadcast %broadcast_in_dim3A : f32 to vector<16xf32>
    %swap3A = arith.constant 0 : index
    %swap3A_6 = tpu.vector_load %arg24[%swap3A] {strides = array<i32>} : memref<80xf32, #tpu.memory_space<vmem>>, vector<16xf32>,
    %swap3A_7 = vector.shape_cast %swap3A_6 : vector<16xf32> to vector<16xf32>
    %swap3A_8 = vector.shape_cast %broadcast_in_dim3A_5 : vector<16xf32> to vector<16xf32>
    tpu.vector_store %arg24[%swap3A], %swap3A_8 {strides = array<i32>} : memref<80xf32, #tpu.memory_space<vmem>>, vector<16xf32>,
    %broadcast_in_dim3A_9 = arith.constant 0.000000e+00 : f32
    %broadcast_in_dim3A_10 = vector.broadcast %broadcast_in_dim3A_9 : f32 to vector<16xf32>
    %swap3A_11 = arith.constant 0 : index
    %swap3A_12 = tpu.vector_load %arg26[%swap3A_11] {strides = array<i32>} : memref<80xf32, #tpu.memory_space<vmem>>, vector<16xf32>,
    %swap3A_13 = vector.shape_cast %swap3A_12 : vector<16xf32> to vector<16xf32>
    %swap3A_14 = vector.shape_cast %broadcast_in_dim3A_10 : vector<16xf32> to vector<16xf32>
    tpu.vector_store %arg26[%swap3A_11], %swap3A_14 {strides = array<i32>} : memref<80xf32, #tpu.memory_space<vmem>>, vector<16xf32>,
    %broadcast_in_dim3A_15 = arith.constant 1.000000e+00 : f32
    %broadcast_in_dim3A_16 = vector.broadcast %broadcast_in_dim3A_15 : f32 to vector<16xf32>
    %swap3A_17 = arith.constant 16 : index
    %swap3A_18 = tpu.vector_load %arg24[%swap3A_17] {strides = array<i32>} : memref<80xf32, #tpu.memory_space<vmem>>, vector<16xf32>,
    %swap3A_19 = vector.shape_cast %swap3A_18 : vector<16xf32> to vector<16xf32>
    %swap3A_20 = vector.shape_cast %broadcast_in_dim3A_16 : vector<16xf32> to vector<16xf32>
    tpu.vector_store %arg24[%swap3A_17], %swap3A_20 {strides = array<i32>} : memref<80xf32, #tpu.memory_space<vmem>>, vector<16xf32>,
    %broadcast_in_dim3A_21 = arith.constant 0.000000e+00 : f32
    %broadcast_in_dim3A_22 = vector.broadcast %broadcast_in_dim3A_21 : f32 to vector<16xf32>
    %swap3A_23 = arith.constant 16 : index
    %swap3A_24 = tpu.vector_load %arg26[%swap3A_23] {strides = array<i32>} : memref<80xf32, #tpu.memory_space<vmem>>, vector<16xf32>,
    %swap3A_25 = vector.shape_cast %swap3A_24 : vector<16xf32> to vector<16xf32>
    %swap3A_26 = vector.shape_cast %broadcast_in_dim3A_22 : vector<16xf32> to vector<16xf32>
    tpu.vector_store %arg26[%swap3A_23], %swap3A_26 {strides = array<i32>} : memref<80xf32, #tpu.memory_space<vmem>>, vector<16xf32>,
    %broadcast_in_dim3A_27 = arith.constant 1.000000e+00 : f32
    %broadcast_in_dim3A_28 = vector.broadcast %broadcast_in_dim3A_27 : f32 to vector<16xf32>
    %swap3A_29 = arith.constant 32 : index
    %swap3A_30 = tpu.vector_load %arg24[%swap3A_29] {strides = array<i32>} : memref<80xf32, #tpu.memory_space<vmem>>, vector<16xf32>,
    %swap3A_31 = vector.shape_cast %swap3A_30 : vector<16xf32> to vector<16xf32>
    %swap3A_32 = vector.shape_cast %broadcast_in_dim3A_28 : vector<16xf32> to vector<16xf32>
    tpu.vector_store %arg24[%swap3A_29], %swap3A_32 {strides = array<i32>} : memref<80xf32, #tpu.memory_space<vmem>>, vector<16xf32>,
    %broadcast_in_dim3A_33 = arith.constant 0.000000e+00 : f32
    %broadcast_in_dim3A_34 = vector.broadcast %broadcast_in_dim3A_33 : f32 to vector<16xf32>
    %swap3A_35 = arith.constant 32 : index
    %swap3A_36 = tpu.vector_load %arg26[%swap3A_35] {strides = array<i32>} : memref<80xf32, #tpu.memory_space<vmem>>, vector<16xf32>,
    %swap3A_37 = vector.shape_cast %swap3A_36 : vector<16xf32> to vector<16xf32>
    %swap3A_38 = vector.shape_cast %broadcast_in_dim3A_34 : vector<16xf32> to vector<16xf32>
    tpu.vector_store %arg26[%swap3A_35], %swap3A_38 {strides = array<i32>} : memref<80xf32, #tpu.memory_space<vmem>>, vector<16xf32>,
    %broadcast_in_dim3A_39 = arith.constant 1.000000e+00 : f32
    %broadcast_in_dim3A_40 = vector.broadcast %broadcast_in_dim3A_39 : f32 to vector<16xf32>
    %swap3A_41 = arith.constant 48 : index
    %swap3A_42 = tpu.vector_load %arg24[%swap3A_41] {strides = array<i32>} : memref<80xf32, #tpu.memory_space<vmem>>, vector<16xf32>,
    %swap3A_43 = vector.shape_cast %swap3A_42 : vector<16xf32> to vector<16xf32>
    %swap3A_44 = vector.shape_cast %broadcast_in_dim3A_40 : vector<16xf32> to vector<16xf32>
    tpu.vector_store %arg24[%swap3A_41], %swap3A_44 {strides = array<i32>} : memref<80xf32, #tpu.memory_space<vmem>>, vector<16xf32>,
    %broadcast_in_dim3A_45 = arith.constant 0.000000e+00 : f32
    %broadcast_in_dim3A_46 = vector.broadcast %broadcast_in_dim3A_45 : f32 to vector<16xf32>
    %swap3A_47 = arith.constant 48 : index
    %swap3A_48 = tpu.vector_load %arg26[%swap3A_47] {strides = array<i32>} : memref<80xf32, #tpu.memory_space<vmem>>, vector<16xf32>,
    %swap3A_49 = vector.shape_cast %swap3A_48 : vector<16xf32> to vector<16xf32>
    %swap3A_50 = vector.shape_cast %broadcast_in_dim3A_46 : vector<16xf32> to vector<16xf32>
    tpu.vector_store %arg26[%swap3A_47], %swap3A_50 {strides = array<i32>} : memref<80xf32, #tpu.memory_space<vmem>>, vector<16xf32>,
    %broadcast_in_dim3A_51 = arith.constant 1.000000e+00 : f32
    %broadcast_in_dim3A_52 = vector.broadcast %broadcast_in_dim3A_51 : f32 to vector<16xf32>
    %swap3A_53 = arith.constant 64 : index
    %swap3A_54 = tpu.vector_load %arg24[%swap3A_53] {strides = array<i32>} : memref<80xf32, #tpu.memory_space<vmem>>, vector<16xf32>,
    %swap3A_55 = vector.shape_cast %swap3A_54 : vector<16xf32> to vector<16xf32>
    %swap3A_56 = vector.shape_cast %broadcast_in_dim3A_52 : vector<16xf32> to vector<16xf32>
    tpu.vector_store %arg24[%swap3A_53], %swap3A_56 {strides = array<i32>} : memref<80xf32, #tpu.memory_space<vmem>>, vector<16xf32>,
    %broadcast_in_dim3A_57 = arith.constant 0.000000e+00 : f32
    %broadcast_in_dim3A_58 = vector.broadcast %broadcast_in_dim3A_57 : f32 to vector<16xf32>
    %swap3A_59 = arith.constant 64 : index
    %swap3A_60 = tpu.vector_load %arg26[%swap3A_59] {strides = array<i32>} : memref<80xf32, #tpu.memory_space<vmem>>, vector<16xf32>,
    %swap3A_61 = vector.shape_cast %swap3A_60 : vector<16xf32> to vector<16xf32>
    %swap3A_62 = vector.shape_cast %broadcast_in_dim3A_58 : vector<16xf32> to vector<16xf32>
    tpu.vector_store %arg26[%swap3A_59], %swap3A_62 {strides = array<i32>} : memref<80xf32, #tpu.memory_space<vmem>>, vector<16xf32>,
    %scan3A = arith.constant 0 : i32
    %scan3A_63 = arith.constant 8 : i32
    %scan3A_64 = arith.addi %scan3A, %scan3A_63 : i32
    %scan3A_65 = arith.constant 1 : i32
    scf.for %scan3A_88 = %scan3A to %scan3A_64 step %scan3A_65  : i32 {
      %mul3A_89 = arith.constant 1 : i32
      %mul3A_90 = arith.muli %scan3A_88, %mul3A_89 : i32
      %add3A_91 = arith.constant 0 : i32
      %add3A_92 = arith.addi %add3A_91, %mul3A_90 : i32
      %mul3A_93 = arith.constant 80 : i32
      %mul3A_94 = arith.muli %add3A_92, %mul3A_93 : i32
      %add3A_95 = arith.addi %mul3A_4, %mul3A_94 : i32
      "tpu.region"() ({
        %run_scoped3A = tpu.sem_alloc : memref<!tpu.dma_semaphore, #tpu.memory_space<semaphore_mem>>
        %dma_start3A = arith.constant 0 : i32
        %dma_start3A_96 = tpu.memref_slice %arg10[%add3A_95, %dma_start3A] : memref<10000x128xf32, #tpu.memory_space<vmem_shared>> -> memref<80x128xf32, #tpu.memory_space<vmem_shared>>
        %dma_start3A_97 = arith.constant 0 : i32
        %dma_start3A_98 = tpu.memref_slice %arg10[%add3A_95, %dma_start3A_97] : memref<10000x128xf32, #tpu.memory_space<vmem_shared>> -> memref<80x128xf32, #tpu.memory_space<vmem_shared>>
        tpu.enqueue_dma source(%arg11 : memref<80x128xf32, #tpu.memory_space<vmem>>) target(%dma_start3A_98 : memref<80x128xf32, #tpu.memory_space<vmem_shared>>) target_semaphore(%run_scoped3A : memref<!tpu.dma_semaphore, #tpu.memory_space<semaphore_mem>>)
        %dma_wait3A = arith.constant 0 : i32
        %dma_wait3A_99 = tpu.memref_slice %arg10[%add3A_95, %dma_wait3A] : memref<10000x128xf32, #tpu.memory_space<vmem_shared>> -> memref<80x128xf32, #tpu.memory_space<vmem_shared>>
        %dma_wait3A_100 = arith.constant 0 : i32
        %dma_wait3A_101 = tpu.memref_slice %arg10[%add3A_95, %dma_wait3A_100] : memref<10000x128xf32, #tpu.memory_space<vmem_shared>> -> memref<80x128xf32, #tpu.memory_space<vmem_shared>>
        tpu.wait_dma2 semaphore(%run_scoped3A : memref<!tpu.dma_semaphore, #tpu.memory_space<semaphore_mem>>) src(%arg11 : memref<80x128xf32, #tpu.memory_space<vmem>>) dst(%dma_wait3A_101 : memref<80x128xf32, #tpu.memory_space<vmem_shared>>)
        tpu.yield
      }) : () -> ()
    }
    %scan3A_66 = arith.constant 8 : i32
    %scan3A_67 = arith.constant 0 : i32
    %scan3A_68 = arith.constant 8 : i32
    %scan3A_69 = arith.addi %scan3A_67, %scan3A_68 : i32
    %scan3A_70 = arith.constant 1 : i32
    scf.for %scan3A_88 = %scan3A_67 to %scan3A_69 step %scan3A_70  : i32 {
      %mul3A_89 = arith.constant 1 : i32
      %mul3A_90 = arith.muli %scan3A_88, %mul3A_89 : i32
      %add3A_91 = arith.constant 0 : i32
      %add3A_92 = arith.addi %add3A_91, %mul3A_90 : i32
      %mul3A_93 = arith.constant 80 : i32
      %mul3A_94 = arith.muli %add3A_92, %mul3A_93 : i32
      %add3A_95 = arith.addi %mul3A_4, %mul3A_94 : i32
      "tpu.region"() ({
        %run_scoped3A = tpu.sem_alloc : memref<!tpu.dma_semaphore, #tpu.memory_space<semaphore_mem>>
        %dma_start3A = tpu.memref_slice %arg25[%add3A_95] : memref<10000xf32, #tpu.memory_space<vmem_shared>> -> memref<80xf32, #tpu.memory_space<vmem_shared>>
        %dma_start3A_96 = tpu.memref_slice %arg25[%add3A_95] : memref<10000xf32, #tpu.memory_space<vmem_shared>> -> memref<80xf32, #tpu.memory_space<vmem_shared>>
        tpu.enqueue_dma source(%arg26 : memref<80xf32, #tpu.memory_space<vmem>>) target(%dma_start3A_96 : memref<80xf32, #tpu.memory_space<vmem_shared>>) target_semaphore(%run_scoped3A : memref<!tpu.dma_semaphore, #tpu.memory_space<semaphore_mem>>)
        %dma_wait3A = tpu.memref_slice %arg25[%add3A_95] : memref<10000xf32, #tpu.memory_space<vmem_shared>> -> memref<80xf32, #tpu.memory_space<vmem_shared>>
        %dma_wait3A_97 = tpu.memref_slice %arg25[%add3A_95] : memref<10000xf32, #tpu.memory_space<vmem_shared>> -> memref<80xf32, #tpu.memory_space<vmem_shared>>
        tpu.wait_dma2 semaphore(%run_scoped3A : memref<!tpu.dma_semaphore, #tpu.memory_space<semaphore_mem>>) src(%arg26 : memref<80xf32, #tpu.memory_space<vmem>>) dst(%dma_wait3A_97 : memref<80xf32, #tpu.memory_space<vmem_shared>>)
        tpu.yield
      }) : () -> ()
    }
    %scan3A_71 = arith.constant 8 : i32
    %barrier3A = arith.constant 0 : index
    tpu.barrier barrier_id(%barrier3A)
    %scan3A_72 = arith.constant 0 : i32
    %scan3A_73 = arith.constant 5 : i32
    %scan3A_74 = arith.addi %scan3A_72, %scan3A_73 : i32
    %scan3A_75 = arith.constant 1 : i32
    scf.for %scan3A_88 = %scan3A_72 to %scan3A_74 step %scan3A_75  : i32 {
      %mul3A_89 = arith.constant 1 : i32
      %mul3A_90 = arith.muli %scan3A_88, %mul3A_89 : i32
      %add3A_91 = arith.constant 0 : i32
      %add3A_92 = arith.addi %add3A_91, %mul3A_90 : i32
      %mul3A_93 = arith.constant 2000 : i32
      %mul3A_94 = arith.muli %add3A_92, %mul3A_93 : i32
      %add3A_95 = arith.addi %mul3A_2, %mul3A_94 : i32
      "tpu.region"() ({
        %run_scoped3A = tpu.sem_alloc : memref<!tpu.dma_semaphore, #tpu.memory_space<semaphore_mem>>
        %dma_start3A_187 = tpu.memref_slice %arg3[%add3A_95] : memref<320000xi32, #tpu.memory_space<hbm>> -> memref<2000xi32, #tpu.memory_space<hbm>>
        %dma_start3A_188 = tpu.memref_slice %arg3[%add3A_95] : memref<320000xi32, #tpu.memory_space<hbm>> -> memref<2000xi32, #tpu.memory_space<hbm>>
        tpu.enqueue_dma source(%dma_start3A_188 : memref<2000xi32, #tpu.memory_space<hbm>>) target(%arg8 : memref<2000xi32, #tpu.memory_space<vmem>>) target_semaphore(%run_scoped3A : memref<!tpu.dma_semaphore, #tpu.memory_space<semaphore_mem>>)
        %dma_wait3A_189 = tpu.memref_slice %arg3[%add3A_95] : memref<320000xi32, #tpu.memory_space<hbm>> -> memref<2000xi32, #tpu.memory_space<hbm>>
        %dma_wait3A_190 = tpu.memref_slice %arg3[%add3A_95] : memref<320000xi32, #tpu.memory_space<hbm>> -> memref<2000xi32, #tpu.memory_space<hbm>>
        tpu.wait_dma2 semaphore(%run_scoped3A : memref<!tpu.dma_semaphore, #tpu.memory_space<semaphore_mem>>) src(%dma_wait3A_190 : memref<2000xi32, #tpu.memory_space<hbm>>) dst(%arg8 : memref<2000xi32, #tpu.memory_space<vmem>>)
        tpu.yield
      }) : () -> ()
      "tpu.region"() ({
        %run_scoped3A = tpu.sem_alloc : memref<!tpu.dma_semaphore, #tpu.memory_space<semaphore_mem>>
        %dma_start3A_187 = arith.constant 0 : i32
        %dma_start3A_188 = arith.constant 0 : i32
        %dma_start3A_189 = tpu.memref_slice %arg4[%add3A, %add3A_92, %dma_start3A_187, %dma_start3A_188] : memref<32x5x25x80xi32, #tpu.memory_space<hbm>> -> memref<1x1x25x80xi32, #tpu.memory_space<hbm>>
        %dma_start3A_190 = tpu.memref_squeeze %dma_start3A_189 : memref<1x1x25x80xi32, #tpu.memory_space<hbm>> -> memref<25x80xi32, #tpu.memory_space<hbm>>
        %dma_start3A_191 = arith.constant 0 : i32
        %dma_start3A_192 = arith.constant 0 : i32
        %dma_start3A_193 = tpu.memref_slice %arg4[%add3A, %add3A_92, %dma_start3A_191, %dma_start3A_192] : memref<32x5x25x80xi32, #tpu.memory_space<hbm>> -> memref<1x1x25x80xi32, #tpu.memory_space<hbm>>
        %dma_start3A_194 = tpu.memref_squeeze %dma_start3A_193 : memref<1x1x25x80xi32, #tpu.memory_space<hbm>> -> memref<25x80xi32, #tpu.memory_space<hbm>>
        tpu.enqueue_dma source(%dma_start3A_194 : memref<25x80xi32, #tpu.memory_space<hbm>>) target(%arg9 : memref<25x80xi32, #tpu.memory_space<vmem>>) target_semaphore(%run_scoped3A : memref<!tpu.dma_semaphore, #tpu.memory_space<semaphore_mem>>)
        %dma_wait3A_195 = arith.constant 0 : i32
        %dma_wait3A_196 = arith.constant 0 : i32
        %dma_wait3A_197 = tpu.memref_slice %arg4[%add3A, %add3A_92, %dma_wait3A_195, %dma_wait3A_196] : memref<32x5x25x80xi32, #tpu.memory_space<hbm>> -> memref<1x1x25x80xi32, #tpu.memory_space<hbm>>
        %dma_wait3A_198 = tpu.memref_squeeze %dma_wait3A_197 : memref<1x1x25x80xi32, #tpu.memory_space<hbm>> -> memref<25x80xi32, #tpu.memory_space<hbm>>
        %dma_wait3A_199 = arith.constant 0 : i32
        %dma_wait3A_200 = arith.constant 0 : i32
        %dma_wait3A_201 = tpu.memref_slice %arg4[%add3A, %add3A_92, %dma_wait3A_199, %dma_wait3A_200] : memref<32x5x25x80xi32, #tpu.memory_space<hbm>> -> memref<1x1x25x80xi32, #tpu.memory_space<hbm>>
        %dma_wait3A_202 = tpu.memref_squeeze %dma_wait3A_201 : memref<1x1x25x80xi32, #tpu.memory_space<hbm>> -> memref<25x80xi32, #tpu.memory_space<hbm>>
        tpu.wait_dma2 semaphore(%run_scoped3A : memref<!tpu.dma_semaphore, #tpu.memory_space<semaphore_mem>>) src(%dma_wait3A_202 : memref<25x80xi32, #tpu.memory_space<hbm>>) dst(%arg9 : memref<25x80xi32, #tpu.memory_space<vmem>>)
        tpu.yield
      }) : () -> ()
      %scan3A_96 = arith.constant 0 : i32
      %scan3A_97 = arith.constant 6 : i32
      %scan3A_98 = arith.addi %scan3A_96, %scan3A_97 : i32
      %scan3A_99 = arith.constant 1 : i32
      scf.for %scan3A_187 = %scan3A_96 to %scan3A_98 step %scan3A_99  : i32 {
        %mul3A_188 = arith.constant 1 : i32
        %mul3A_189 = arith.muli %scan3A_187, %mul3A_188 : i32
        %add3A_190 = arith.constant 0 : i32
        %add3A_191 = arith.addi %add3A_190, %mul3A_189 : i32
        %gt3A = arith.constant 0 : i32
        %gt3A_192 = arith.cmpi sgt, %add3A_191, %gt3A : i32
        %convert_element_type3A = arith.extui %gt3A_192 : i1 to i32
        %cond3A = arith.constant 0 : i32
        %cond3A_193 = arith.cmpi ne, %convert_element_type3A, %cond3A : i32
        scf.if %cond3A_193 {
          %dma_wait3A_325 = arith.constant 0 : i32
          %dma_wait3A_326 = arith.constant 0 : i32
          %dma_wait3A_327 = tpu.memref_slice %arg9[%dma_wait3A_325, %dma_wait3A_326] : memref<25x80xi32, #tpu.memory_space<vmem>> -> memref<1x80xi32, #tpu.memory_space<vmem>>
          %dma_wait3A_328 = tpu.memref_squeeze %dma_wait3A_327 : memref<1x80xi32, #tpu.memory_space<vmem>> -> memref<80xi32, #tpu.memory_space<vmem>>
          %dma_wait3A_329 = arith.constant 0 : i32
          %dma_wait3A_330 = arith.constant 0 : i32
          %dma_wait3A_331 = tpu.memref_slice %arg10[%dma_wait3A_329, %dma_wait3A_330] : memref<10000x128xf32, #tpu.memory_space<vmem_shared>> -> memref<10000x128xf32, #tpu.memory_space<vmem_shared>>
          tpu.wait_indirect_dma semaphore(%arg19 : memref<!tpu.dma_semaphore, #tpu.memory_space<semaphore_mem>>) src(%arg11 : memref<80x128xf32, #tpu.memory_space<vmem>>) dst(%dma_wait3A_331 : memref<10000x128xf32, #tpu.memory_space<vmem_shared>>)
          %dma_wait3A_332 = arith.constant 0 : i32
          %dma_wait3A_333 = arith.constant 0 : i32
          %dma_wait3A_334 = tpu.memref_slice %arg9[%dma_wait3A_332, %dma_wait3A_333] : memref<25x80xi32, #tpu.memory_space<vmem>> -> memref<1x80xi32, #tpu.memory_space<vmem>>
          %dma_wait3A_335 = tpu.memref_squeeze %dma_wait3A_334 : memref<1x80xi32, #tpu.memory_space<vmem>> -> memref<80xi32, #tpu.memory_space<vmem>>
          %dma_wait3A_336 = arith.constant 0 : i32
          %dma_wait3A_337 = tpu.memref_slice %arg25[%dma_wait3A_336] : memref<10000xf32, #tpu.memory_space<vmem_shared>> -> memref<10000xf32, #tpu.memory_space<vmem_shared>>
          tpu.wait_indirect_dma semaphore(%arg23 : memref<!tpu.dma_semaphore, #tpu.memory_space<semaphore_mem>>) src(%arg24 : memref<80xf32, #tpu.memory_space<vmem>>) dst(%dma_wait3A_337 : memref<10000xf32, #tpu.memory_space<vmem_shared>>)
        } else {
        }
        %mul3A_194 = arith.constant 4 : i32
        %mul3A_195 = arith.muli %add3A_191, %mul3A_194 : i32
        %add3A_196 = arith.constant 0 : i32
        %add3A_197 = arith.addi %mul3A_195, %add3A_196 : i32
        %mul3A_198 = arith.constant 80 : i32
        %mul3A_199 = arith.muli %add3A_197, %mul3A_198 : i32
        %dma_start3A_200 = tpu.memref_slice %arg8[%mul3A_199] : memref<2000xi32, #tpu.memory_space<vmem>> -> memref<80xi32, #tpu.memory_space<vmem>>
        %dma_start3A_201 = arith.constant 0 : i32
        %dma_start3A_202 = arith.constant 0 : i32
        %dma_start3A_203 = tpu.memref_slice %arg2[%dma_start3A_201, %dma_start3A_202] : memref<10000x128xf32, #tpu.memory_space<hbm>> -> memref<10000x128xf32, #tpu.memory_space<hbm>>
        tpu.enqueue_indirect_dma source(%dma_start3A_203 : memref<10000x128xf32, #tpu.memory_space<hbm>>) target(%arg11 : memref<80x128xf32, #tpu.memory_space<vmem>>) offsets(%dma_start3A_200 : memref<80xi32, #tpu.memory_space<vmem>>) semaphore(%arg15 : memref<!tpu.dma_semaphore, #tpu.memory_space<semaphore_mem>>)
        %gt3A_204 = arith.constant 0 : i32
        %gt3A_205 = arith.cmpi sgt, %add3A_191, %gt3A_204 : i32
        %convert_element_type3A_206 = arith.extui %gt3A_205 : i1 to i32
        %cond3A_207 = arith.constant 0 : i32
        %cond3A_208 = arith.cmpi ne, %convert_element_type3A_206, %cond3A_207 : i32
        scf.if %cond3A_208 {
          %dma_wait3A_325 = arith.constant 0 : i32
          %dma_wait3A_326 = arith.constant 0 : i32
          %dma_wait3A_327 = tpu.memref_slice %arg9[%dma_wait3A_325, %dma_wait3A_326] : memref<25x80xi32, #tpu.memory_space<vmem>> -> memref<1x80xi32, #tpu.memory_space<vmem>>
          %dma_wait3A_328 = tpu.memref_squeeze %dma_wait3A_327 : memref<1x80xi32, #tpu.memory_space<vmem>> -> memref<80xi32, #tpu.memory_space<vmem>>
          %dma_wait3A_329 = arith.constant 0 : i32
          %dma_wait3A_330 = arith.constant 0 : i32
          %dma_wait3A_331 = tpu.memref_slice %arg10[%dma_wait3A_329, %dma_wait3A_330] : memref<10000x128xf32, #tpu.memory_space<vmem_shared>> -> memref<10000x128xf32, #tpu.memory_space<vmem_shared>>
          tpu.wait_indirect_dma semaphore(%arg20 : memref<!tpu.dma_semaphore, #tpu.memory_space<semaphore_mem>>) src(%arg12 : memref<80x128xf32, #tpu.memory_space<vmem>>) dst(%dma_wait3A_331 : memref<10000x128xf32, #tpu.memory_space<vmem_shared>>)
          %dma_wait3A_332 = arith.constant 0 : i32
          %dma_wait3A_333 = arith.constant 0 : i32
          %dma_wait3A_334 = tpu.memref_slice %arg9[%dma_wait3A_332, %dma_wait3A_333] : memref<25x80xi32, #tpu.memory_space<vmem>> -> memref<1x80xi32, #tpu.memory_space<vmem>>
          %dma_wait3A_335 = tpu.memref_squeeze %dma_wait3A_334 : memref<1x80xi32, #tpu.memory_space<vmem>> -> memref<80xi32, #tpu.memory_space<vmem>>
          %dma_wait3A_336 = arith.constant 0 : i32
          %dma_wait3A_337 = tpu.memref_slice %arg25[%dma_wait3A_336] : memref<10000xf32, #tpu.memory_space<vmem_shared>> -> memref<10000xf32, #tpu.memory_space<vmem_shared>>
          tpu.wait_indirect_dma semaphore(%arg23 : memref<!tpu.dma_semaphore, #tpu.memory_space<semaphore_mem>>) src(%arg24 : memref<80xf32, #tpu.memory_space<vmem>>) dst(%dma_wait3A_337 : memref<10000xf32, #tpu.memory_space<vmem_shared>>)
        } else {
        }
        %mul3A_209 = arith.constant 4 : i32
        %mul3A_210 = arith.muli %add3A_191, %mul3A_209 : i32
        %add3A_211 = arith.constant 1 : i32
        %add3A_212 = arith.addi %mul3A_210, %add3A_211 : i32
        %mul3A_213 = arith.constant 80 : i32
        %mul3A_214 = arith.muli %add3A_212, %mul3A_213 : i32
        %dma_start3A_215 = tpu.memref_slice %arg8[%mul3A_214] : memref<2000xi32, #tpu.memory_space<vmem>> -> memref<80xi32, #tpu.memory_space<vmem>>
        %dma_start3A_216 = arith.constant 0 : i32
        %dma_start3A_217 = arith.constant 0 : i32
        %dma_start3A_218 = tpu.memref_slice %arg2[%dma_start3A_216, %dma_start3A_217] : memref<10000x128xf32, #tpu.memory_space<hbm>> -> memref<10000x128xf32, #tpu.memory_space<hbm>>
        tpu.enqueue_indirect_dma source(%dma_start3A_218 : memref<10000x128xf32, #tpu.memory_space<hbm>>) target(%arg12 : memref<80x128xf32, #tpu.memory_space<vmem>>) offsets(%dma_start3A_215 : memref<80xi32, #tpu.memory_space<vmem>>) semaphore(%arg16 : memref<!tpu.dma_semaphore, #tpu.memory_space<semaphore_mem>>)
        %gt3A_219 = arith.constant 0 : i32
        %gt3A_220 = arith.cmpi sgt, %add3A_191, %gt3A_219 : i32
        %convert_element_type3A_221 = arith.extui %gt3A_220 : i1 to i32
        %cond3A_222 = arith.constant 0 : i32
        %cond3A_223 = arith.cmpi ne, %convert_element_type3A_221, %cond3A_222 : i32
        scf.if %cond3A_223 {
          %dma_wait3A_325 = arith.constant 0 : i32
          %dma_wait3A_326 = arith.constant 0 : i32
          %dma_wait3A_327 = tpu.memref_slice %arg9[%dma_wait3A_325, %dma_wait3A_326] : memref<25x80xi32, #tpu.memory_space<vmem>> -> memref<1x80xi32, #tpu.memory_space<vmem>>
          %dma_wait3A_328 = tpu.memref_squeeze %dma_wait3A_327 : memref<1x80xi32, #tpu.memory_space<vmem>> -> memref<80xi32, #tpu.memory_space<vmem>>
          %dma_wait3A_329 = arith.constant 0 : i32
          %dma_wait3A_330 = arith.constant 0 : i32
          %dma_wait3A_331 = tpu.memref_slice %arg10[%dma_wait3A_329, %dma_wait3A_330] : memref<10000x128xf32, #tpu.memory_space<vmem_shared>> -> memref<10000x128xf32, #tpu.memory_space<vmem_shared>>
          tpu.wait_indirect_dma semaphore(%arg21 : memref<!tpu.dma_semaphore, #tpu.memory_space<semaphore_mem>>) src(%arg13 : memref<80x128xf32, #tpu.memory_space<vmem>>) dst(%dma_wait3A_331 : memref<10000x128xf32, #tpu.memory_space<vmem_shared>>)
          %dma_wait3A_332 = arith.constant 0 : i32
          %dma_wait3A_333 = arith.constant 0 : i32
          %dma_wait3A_334 = tpu.memref_slice %arg9[%dma_wait3A_332, %dma_wait3A_333] : memref<25x80xi32, #tpu.memory_space<vmem>> -> memref<1x80xi32, #tpu.memory_space<vmem>>
          %dma_wait3A_335 = tpu.memref_squeeze %dma_wait3A_334 : memref<1x80xi32, #tpu.memory_space<vmem>> -> memref<80xi32, #tpu.memory_space<vmem>>
          %dma_wait3A_336 = arith.constant 0 : i32
          %dma_wait3A_337 = tpu.memref_slice %arg25[%dma_wait3A_336] : memref<10000xf32, #tpu.memory_space<vmem_shared>> -> memref<10000xf32, #tpu.memory_space<vmem_shared>>
          tpu.wait_indirect_dma semaphore(%arg23 : memref<!tpu.dma_semaphore, #tpu.memory_space<semaphore_mem>>) src(%arg24 : memref<80xf32, #tpu.memory_space<vmem>>) dst(%dma_wait3A_337 : memref<10000xf32, #tpu.memory_space<vmem_shared>>)
        } else {
        }
        %mul3A_224 = arith.constant 4 : i32
        %mul3A_225 = arith.muli %add3A_191, %mul3A_224 : i32
        %add3A_226 = arith.constant 2 : i32
        %add3A_227 = arith.addi %mul3A_225, %add3A_226 : i32
        %mul3A_228 = arith.constant 80 : i32
        %mul3A_229 = arith.muli %add3A_227, %mul3A_228 : i32
        %dma_start3A_230 = tpu.memref_slice %arg8[%mul3A_229] : memref<2000xi32, #tpu.memory_space<vmem>> -> memref<80xi32, #tpu.memory_space<vmem>>
        %dma_start3A_231 = arith.constant 0 : i32
        %dma_start3A_232 = arith.constant 0 : i32
        %dma_start3A_233 = tpu.memref_slice %arg2[%dma_start3A_231, %dma_start3A_232] : memref<10000x128xf32, #tpu.memory_space<hbm>> -> memref<10000x128xf32, #tpu.memory_space<hbm>>
        tpu.enqueue_indirect_dma source(%dma_start3A_233 : memref<10000x128xf32, #tpu.memory_space<hbm>>) target(%arg13 : memref<80x128xf32, #tpu.memory_space<vmem>>) offsets(%dma_start3A_230 : memref<80xi32, #tpu.memory_space<vmem>>) semaphore(%arg17 : memref<!tpu.dma_semaphore, #tpu.memory_space<semaphore_mem>>)
        %gt3A_234 = arith.constant 0 : i32
        %gt3A_235 = arith.cmpi sgt, %add3A_191, %gt3A_234 : i32
        %convert_element_type3A_236 = arith.extui %gt3A_235 : i1 to i32
        %cond3A_237 = arith.constant 0 : i32
        %cond3A_238 = arith.cmpi ne, %convert_element_type3A_236, %cond3A_237 : i32
        scf.if %cond3A_238 {
          %dma_wait3A_325 = arith.constant 0 : i32
          %dma_wait3A_326 = arith.constant 0 : i32
          %dma_wait3A_327 = tpu.memref_slice %arg9[%dma_wait3A_325, %dma_wait3A_326] : memref<25x80xi32, #tpu.memory_space<vmem>> -> memref<1x80xi32, #tpu.memory_space<vmem>>
          %dma_wait3A_328 = tpu.memref_squeeze %dma_wait3A_327 : memref<1x80xi32, #tpu.memory_space<vmem>> -> memref<80xi32, #tpu.memory_space<vmem>>
          %dma_wait3A_329 = arith.constant 0 : i32
          %dma_wait3A_330 = arith.constant 0 : i32
          %dma_wait3A_331 = tpu.memref_slice %arg10[%dma_wait3A_329, %dma_wait3A_330] : memref<10000x128xf32, #tpu.memory_space<vmem_shared>> -> memref<10000x128xf32, #tpu.memory_space<vmem_shared>>
          tpu.wait_indirect_dma semaphore(%arg22 : memref<!tpu.dma_semaphore, #tpu.memory_space<semaphore_mem>>) src(%arg14 : memref<80x128xf32, #tpu.memory_space<vmem>>) dst(%dma_wait3A_331 : memref<10000x128xf32, #tpu.memory_space<vmem_shared>>)
          %dma_wait3A_332 = arith.constant 0 : i32
          %dma_wait3A_333 = arith.constant 0 : i32
          %dma_wait3A_334 = tpu.memref_slice %arg9[%dma_wait3A_332, %dma_wait3A_333] : memref<25x80xi32, #tpu.memory_space<vmem>> -> memref<1x80xi32, #tpu.memory_space<vmem>>
          %dma_wait3A_335 = tpu.memref_squeeze %dma_wait3A_334 : memref<1x80xi32, #tpu.memory_space<vmem>> -> memref<80xi32, #tpu.memory_space<vmem>>
          %dma_wait3A_336 = arith.constant 0 : i32
          %dma_wait3A_337 = tpu.memref_slice %arg25[%dma_wait3A_336] : memref<10000xf32, #tpu.memory_space<vmem_shared>> -> memref<10000xf32, #tpu.memory_space<vmem_shared>>
          tpu.wait_indirect_dma semaphore(%arg23 : memref<!tpu.dma_semaphore, #tpu.memory_space<semaphore_mem>>) src(%arg24 : memref<80xf32, #tpu.memory_space<vmem>>) dst(%dma_wait3A_337 : memref<10000xf32, #tpu.memory_space<vmem_shared>>)
        } else {
        }
        %mul3A_239 = arith.constant 4 : i32
        %mul3A_240 = arith.muli %add3A_191, %mul3A_239 : i32
        %add3A_241 = arith.constant 3 : i32
        %add3A_242 = arith.addi %mul3A_240, %add3A_241 : i32
        %mul3A_243 = arith.constant 80 : i32
        %mul3A_244 = arith.muli %add3A_242, %mul3A_243 : i32
        %dma_start3A_245 = tpu.memref_slice %arg8[%mul3A_244] : memref<2000xi32, #tpu.memory_space<vmem>> -> memref<80xi32, #tpu.memory_space<vmem>>
        %dma_start3A_246 = arith.constant 0 : i32
        %dma_start3A_247 = arith.constant 0 : i32
        %dma_start3A_248 = tpu.memref_slice %arg2[%dma_start3A_246, %dma_start3A_247] : memref<10000x128xf32, #tpu.memory_space<hbm>> -> memref<10000x128xf32, #tpu.memory_space<hbm>>
        tpu.enqueue_indirect_dma source(%dma_start3A_248 : memref<10000x128xf32, #tpu.memory_space<hbm>>) target(%arg14 : memref<80x128xf32, #tpu.memory_space<vmem>>) offsets(%dma_start3A_245 : memref<80xi32, #tpu.memory_space<vmem>>) semaphore(%arg18 : memref<!tpu.dma_semaphore, #tpu.memory_space<semaphore_mem>>)
        %dma_wait3A_249 = tpu.memref_slice %arg8[%mul3A_199] : memref<2000xi32, #tpu.memory_space<vmem>> -> memref<80xi32, #tpu.memory_space<vmem>>
        %dma_wait3A_250 = arith.constant 0 : i32
        %dma_wait3A_251 = arith.constant 0 : i32
        %dma_wait3A_252 = tpu.memref_slice %arg2[%dma_wait3A_250, %dma_wait3A_251] : memref<10000x128xf32, #tpu.memory_space<hbm>> -> memref<10000x128xf32, #tpu.memory_space<hbm>>
        tpu.wait_indirect_dma semaphore(%arg15 : memref<!tpu.dma_semaphore, #tpu.memory_space<semaphore_mem>>) src(%dma_wait3A_252 : memref<10000x128xf32, #tpu.memory_space<hbm>>) dst(%arg11 : memref<80x128xf32, #tpu.memory_space<vmem>>)
        %mul3A_253 = arith.constant 4 : i32
        %mul3A_254 = arith.muli %add3A_191, %mul3A_253 : i32
        %add3A_255 = arith.constant 0 : i32
        %add3A_256 = arith.addi %mul3A_254, %add3A_255 : i32
        %dma_start3A_257 = arith.constant 0 : i32
        %dma_start3A_258 = tpu.memref_slice %arg9[%add3A_256, %dma_start3A_257] : memref<25x80xi32, #tpu.memory_space<vmem>> -> memref<1x80xi32, #tpu.memory_space<vmem>>
        %dma_start3A_259 = tpu.memref_squeeze %dma_start3A_258 : memref<1x80xi32, #tpu.memory_space<vmem>> -> memref<80xi32, #tpu.memory_space<vmem>>
        %dma_start3A_260 = arith.constant 0 : i32
        %dma_start3A_261 = arith.constant 0 : i32
        %dma_start3A_262 = tpu.memref_slice %arg10[%dma_start3A_260, %dma_start3A_261] : memref<10000x128xf32, #tpu.memory_space<vmem_shared>> -> memref<10000x128xf32, #tpu.memory_space<vmem_shared>>
        tpu.enqueue_indirect_dma source(%arg11 : memref<80x128xf32, #tpu.memory_space<vmem>>) target(%dma_start3A_262 : memref<10000x128xf32, #tpu.memory_space<vmem_shared>>) offsets(%dma_start3A_259 : memref<80xi32, #tpu.memory_space<vmem>>) semaphore(%arg19 : memref<!tpu.dma_semaphore, #tpu.memory_space<semaphore_mem>>) {add = true}
        %dma_start3A_263 = arith.constant 0 : i32
        %dma_start3A_264 = tpu.memref_slice %arg9[%add3A_256, %dma_start3A_263] : memref<25x80xi32, #tpu.memory_space<vmem>> -> memref<1x80xi32, #tpu.memory_space<vmem>>
        %dma_start3A_265 = tpu.memref_squeeze %dma_start3A_264 : memref<1x80xi32, #tpu.memory_space<vmem>> -> memref<80xi32, #tpu.memory_space<vmem>>
        %dma_start3A_266 = arith.constant 0 : i32
        %dma_start3A_267 = tpu.memref_slice %arg25[%dma_start3A_266] : memref<10000xf32, #tpu.memory_space<vmem_shared>> -> memref<10000xf32, #tpu.memory_space<vmem_shared>>
        tpu.enqueue_indirect_dma source(%arg24 : memref<80xf32, #tpu.memory_space<vmem>>) target(%dma_start3A_267 : memref<10000xf32, #tpu.memory_space<vmem_shared>>) offsets(%dma_start3A_265 : memref<80xi32, #tpu.memory_space<vmem>>) semaphore(%arg23 : memref<!tpu.dma_semaphore, #tpu.memory_space<semaphore_mem>>) {add = true}
        %dma_wait3A_268 = tpu.memref_slice %arg8[%mul3A_214] : memref<2000xi32, #tpu.memory_space<vmem>> -> memref<80xi32, #tpu.memory_space<vmem>>
        %dma_wait3A_269 = arith.constant 0 : i32
        %dma_wait3A_270 = arith.constant 0 : i32
        %dma_wait3A_271 = tpu.memref_slice %arg2[%dma_wait3A_269, %dma_wait3A_270] : memref<10000x128xf32, #tpu.memory_space<hbm>> -> memref<10000x128xf32, #tpu.memory_space<hbm>>
        tpu.wait_indirect_dma semaphore(%arg16 : memref<!tpu.dma_semaphore, #tpu.memory_space<semaphore_mem>>) src(%dma_wait3A_271 : memref<10000x128xf32, #tpu.memory_space<hbm>>) dst(%arg12 : memref<80x128xf32, #tpu.memory_space<vmem>>)
        %mul3A_272 = arith.constant 4 : i32
        %mul3A_273 = arith.muli %add3A_191, %mul3A_272 : i32
        %add3A_274 = arith.constant 1 : i32
        %add3A_275 = arith.addi %mul3A_273, %add3A_274 : i32
        %dma_start3A_276 = arith.constant 0 : i32
        %dma_start3A_277 = tpu.memref_slice %arg9[%add3A_275, %dma_start3A_276] : memref<25x80xi32, #tpu.memory_space<vmem>> -> memref<1x80xi32, #tpu.memory_space<vmem>>
        %dma_start3A_278 = tpu.memref_squeeze %dma_start3A_277 : memref<1x80xi32, #tpu.memory_space<vmem>> -> memref<80xi32, #tpu.memory_space<vmem>>
        %dma_start3A_279 = arith.constant 0 : i32
        %dma_start3A_280 = arith.constant 0 : i32
        %dma_start3A_281 = tpu.memref_slice %arg10[%dma_start3A_279, %dma_start3A_280] : memref<10000x128xf32, #tpu.memory_space<vmem_shared>> -> memref<10000x128xf32, #tpu.memory_space<vmem_shared>>
        tpu.enqueue_indirect_dma source(%arg12 : memref<80x128xf32, #tpu.memory_space<vmem>>) target(%dma_start3A_281 : memref<10000x128xf32, #tpu.memory_space<vmem_shared>>) offsets(%dma_start3A_278 : memref<80xi32, #tpu.memory_space<vmem>>) semaphore(%arg20 : memref<!tpu.dma_semaphore, #tpu.memory_space<semaphore_mem>>) {add = true}
        %dma_start3A_282 = arith.constant 0 : i32
        %dma_start3A_283 = tpu.memref_slice %arg9[%add3A_275, %dma_start3A_282] : memref<25x80xi32, #tpu.memory_space<vmem>> -> memref<1x80xi32, #tpu.memory_space<vmem>>
        %dma_start3A_284 = tpu.memref_squeeze %dma_start3A_283 : memref<1x80xi32, #tpu.memory_space<vmem>> -> memref<80xi32, #tpu.memory_space<vmem>>
        %dma_start3A_285 = arith.constant 0 : i32
        %dma_start3A_286 = tpu.memref_slice %arg25[%dma_start3A_285] : memref<10000xf32, #tpu.memory_space<vmem_shared>> -> memref<10000xf32, #tpu.memory_space<vmem_shared>>
        tpu.enqueue_indirect_dma source(%arg24 : memref<80xf32, #tpu.memory_space<vmem>>) target(%dma_start3A_286 : memref<10000xf32, #tpu.memory_space<vmem_shared>>) offsets(%dma_start3A_284 : memref<80xi32, #tpu.memory_space<vmem>>) semaphore(%arg23 : memref<!tpu.dma_semaphore, #tpu.memory_space<semaphore_mem>>) {add = true}
        %dma_wait3A_287 = tpu.memref_slice %arg8[%mul3A_229] : memref<2000xi32, #tpu.memory_space<vmem>> -> memref<80xi32, #tpu.memory_space<vmem>>
        %dma_wait3A_288 = arith.constant 0 : i32
        %dma_wait3A_289 = arith.constant 0 : i32
        %dma_wait3A_290 = tpu.memref_slice %arg2[%dma_wait3A_288, %dma_wait3A_289] : memref<10000x128xf32, #tpu.memory_space<hbm>> -> memref<10000x128xf32, #tpu.memory_space<hbm>>
        tpu.wait_indirect_dma semaphore(%arg17 : memref<!tpu.dma_semaphore, #tpu.memory_space<semaphore_mem>>) src(%dma_wait3A_290 : memref<10000x128xf32, #tpu.memory_space<hbm>>) dst(%arg13 : memref<80x128xf32, #tpu.memory_space<vmem>>)
        %mul3A_291 = arith.constant 4 : i32
        %mul3A_292 = arith.muli %add3A_191, %mul3A_291 : i32
        %add3A_293 = arith.constant 2 : i32
        %add3A_294 = arith.addi %mul3A_292, %add3A_293 : i32
        %dma_start3A_295 = arith.constant 0 : i32
        %dma_start3A_296 = tpu.memref_slice %arg9[%add3A_294, %dma_start3A_295] : memref<25x80xi32, #tpu.memory_space<vmem>> -> memref<1x80xi32, #tpu.memory_space<vmem>>
        %dma_start3A_297 = tpu.memref_squeeze %dma_start3A_296 : memref<1x80xi32, #tpu.memory_space<vmem>> -> memref<80xi32, #tpu.memory_space<vmem>>
        %dma_start3A_298 = arith.constant 0 : i32
        %dma_start3A_299 = arith.constant 0 : i32
        %dma_start3A_300 = tpu.memref_slice %arg10[%dma_start3A_298, %dma_start3A_299] : memref<10000x128xf32, #tpu.memory_space<vmem_shared>> -> memref<10000x128xf32, #tpu.memory_space<vmem_shared>>
        tpu.enqueue_indirect_dma source(%arg13 : memref<80x128xf32, #tpu.memory_space<vmem>>) target(%dma_start3A_300 : memref<10000x128xf32, #tpu.memory_space<vmem_shared>>) offsets(%dma_start3A_297 : memref<80xi32, #tpu.memory_space<vmem>>) semaphore(%arg21 : memref<!tpu.dma_semaphore, #tpu.memory_space<semaphore_mem>>) {add = true}
        %dma_start3A_301 = arith.constant 0 : i32
        %dma_start3A_302 = tpu.memref_slice %arg9[%add3A_294, %dma_start3A_301] : memref<25x80xi32, #tpu.memory_space<vmem>> -> memref<1x80xi32, #tpu.memory_space<vmem>>
        %dma_start3A_303 = tpu.memref_squeeze %dma_start3A_302 : memref<1x80xi32, #tpu.memory_space<vmem>> -> memref<80xi32, #tpu.memory_space<vmem>>
        %dma_start3A_304 = arith.constant 0 : i32
        %dma_start3A_305 = tpu.memref_slice %arg25[%dma_start3A_304] : memref<10000xf32, #tpu.memory_space<vmem_shared>> -> memref<10000xf32, #tpu.memory_space<vmem_shared>>
        tpu.enqueue_indirect_dma source(%arg24 : memref<80xf32, #tpu.memory_space<vmem>>) target(%dma_start3A_305 : memref<10000xf32, #tpu.memory_space<vmem_shared>>) offsets(%dma_start3A_303 : memref<80xi32, #tpu.memory_space<vmem>>) semaphore(%arg23 : memref<!tpu.dma_semaphore, #tpu.memory_space<semaphore_mem>>) {add = true}
        %dma_wait3A_306 = tpu.memref_slice %arg8[%mul3A_244] : memref<2000xi32, #tpu.memory_space<vmem>> -> memref<80xi32, #tpu.memory_space<vmem>>
        %dma_wait3A_307 = arith.constant 0 : i32
        %dma_wait3A_308 = arith.constant 0 : i32
        %dma_wait3A_309 = tpu.memref_slice %arg2[%dma_wait3A_307, %dma_wait3A_308] : memref<10000x128xf32, #tpu.memory_space<hbm>> -> memref<10000x128xf32, #tpu.memory_space<hbm>>
        tpu.wait_indirect_dma semaphore(%arg18 : memref<!tpu.dma_semaphore, #tpu.memory_space<semaphore_mem>>) src(%dma_wait3A_309 : memref<10000x128xf32, #tpu.memory_space<hbm>>) dst(%arg14 : memref<80x128xf32, #tpu.memory_space<vmem>>)
        %mul3A_310 = arith.constant 4 : i32
        %mul3A_311 = arith.muli %add3A_191, %mul3A_310 : i32
        %add3A_312 = arith.constant 3 : i32
        %add3A_313 = arith.addi %mul3A_311, %add3A_312 : i32
        %dma_start3A_314 = arith.constant 0 : i32
        %dma_start3A_315 = tpu.memref_slice %arg9[%add3A_313, %dma_start3A_314] : memref<25x80xi32, #tpu.memory_space<vmem>> -> memref<1x80xi32, #tpu.memory_space<vmem>>
        %dma_start3A_316 = tpu.memref_squeeze %dma_start3A_315 : memref<1x80xi32, #tpu.memory_space<vmem>> -> memref<80xi32, #tpu.memory_space<vmem>>
        %dma_start3A_317 = arith.constant 0 : i32
        %dma_start3A_318 = arith.constant 0 : i32
        %dma_start3A_319 = tpu.memref_slice %arg10[%dma_start3A_317, %dma_start3A_318] : memref<10000x128xf32, #tpu.memory_space<vmem_shared>> -> memref<10000x128xf32, #tpu.memory_space<vmem_shared>>
        tpu.enqueue_indirect_dma source(%arg14 : memref<80x128xf32, #tpu.memory_space<vmem>>) target(%dma_start3A_319 : memref<10000x128xf32, #tpu.memory_space<vmem_shared>>) offsets(%dma_start3A_316 : memref<80xi32, #tpu.memory_space<vmem>>) semaphore(%arg22 : memref<!tpu.dma_semaphore, #tpu.memory_space<semaphore_mem>>) {add = true}
        %dma_start3A_320 = arith.constant 0 : i32
        %dma_start3A_321 = tpu.memref_slice %arg9[%add3A_313, %dma_start3A_320] : memref<25x80xi32, #tpu.memory_space<vmem>> -> memref<1x80xi32, #tpu.memory_space<vmem>>
        %dma_start3A_322 = tpu.memref_squeeze %dma_start3A_321 : memref<1x80xi32, #tpu.memory_space<vmem>> -> memref<80xi32, #tpu.memory_space<vmem>>
        %dma_start3A_323 = arith.constant 0 : i32
        %dma_start3A_324 = tpu.memref_slice %arg25[%dma_start3A_323] : memref<10000xf32, #tpu.memory_space<vmem_shared>> -> memref<10000xf32, #tpu.memory_space<vmem_shared>>
        tpu.enqueue_indirect_dma source(%arg24 : memref<80xf32, #tpu.memory_space<vmem>>) target(%dma_start3A_324 : memref<10000xf32, #tpu.memory_space<vmem_shared>>) offsets(%dma_start3A_322 : memref<80xi32, #tpu.memory_space<vmem>>) semaphore(%arg23 : memref<!tpu.dma_semaphore, #tpu.memory_space<semaphore_mem>>) {add = true}
      }
      %scan3A_100 = arith.constant 6 : i32
      %dma_wait3A = arith.constant 0 : i32
      %dma_wait3A_101 = arith.constant 0 : i32
      %dma_wait3A_102 = tpu.memref_slice %arg9[%dma_wait3A, %dma_wait3A_101] : memref<25x80xi32, #tpu.memory_space<vmem>> -> memref<1x80xi32, #tpu.memory_space<vmem>>
      %dma_wait3A_103 = tpu.memref_squeeze %dma_wait3A_102 : memref<1x80xi32, #tpu.memory_space<vmem>> -> memref<80xi32, #tpu.memory_space<vmem>>
      %dma_wait3A_104 = arith.constant 0 : i32
      %dma_wait3A_105 = arith.constant 0 : i32
      %dma_wait3A_106 = tpu.memref_slice %arg10[%dma_wait3A_104, %dma_wait3A_105] : memref<10000x128xf32, #tpu.memory_space<vmem_shared>> -> memref<10000x128xf32, #tpu.memory_space<vmem_shared>>
      tpu.wait_indirect_dma semaphore(%arg19 : memref<!tpu.dma_semaphore, #tpu.memory_space<semaphore_mem>>) src(%arg11 : memref<80x128xf32, #tpu.memory_space<vmem>>) dst(%dma_wait3A_106 : memref<10000x128xf32, #tpu.memory_space<vmem_shared>>)
      %dma_wait3A_107 = arith.constant 0 : i32
      %dma_wait3A_108 = arith.constant 0 : i32
      %dma_wait3A_109 = tpu.memref_slice %arg9[%dma_wait3A_107, %dma_wait3A_108] : memref<25x80xi32, #tpu.memory_space<vmem>> -> memref<1x80xi32, #tpu.memory_space<vmem>>
      %dma_wait3A_110 = tpu.memref_squeeze %dma_wait3A_109 : memref<1x80xi32, #tpu.memory_space<vmem>> -> memref<80xi32, #tpu.memory_space<vmem>>
      %dma_wait3A_111 = arith.constant 0 : i32
      %dma_wait3A_112 = tpu.memref_slice %arg25[%dma_wait3A_111] : memref<10000xf32, #tpu.memory_space<vmem_shared>> -> memref<10000xf32, #tpu.memory_space<vmem_shared>>
      tpu.wait_indirect_dma semaphore(%arg23 : memref<!tpu.dma_semaphore, #tpu.memory_space<semaphore_mem>>) src(%arg24 : memref<80xf32, #tpu.memory_space<vmem>>) dst(%dma_wait3A_112 : memref<10000xf32, #tpu.memory_space<vmem_shared>>)
      %dma_start3A = arith.constant 1920 : i32
      %dma_start3A_113 = tpu.memref_slice %arg8[%dma_start3A] : memref<2000xi32, #tpu.memory_space<vmem>> -> memref<80xi32, #tpu.memory_space<vmem>>
      %dma_start3A_114 = arith.constant 0 : i32
      %dma_start3A_115 = arith.constant 0 : i32
      %dma_start3A_116 = tpu.memref_slice %arg2[%dma_start3A_114, %dma_start3A_115] : memref<10000x128xf32, #tpu.memory_space<hbm>> -> memref<10000x128xf32, #tpu.memory_space<hbm>>
      tpu.enqueue_indirect_dma source(%dma_start3A_116 : memref<10000x128xf32, #tpu.memory_space<hbm>>) target(%arg11 : memref<80x128xf32, #tpu.memory_space<vmem>>) offsets(%dma_start3A_113 : memref<80xi32, #tpu.memory_space<vmem>>) semaphore(%arg15 : memref<!tpu.dma_semaphore, #tpu.memory_space<semaphore_mem>>)
      %dma_wait3A_117 = arith.constant 1920 : i32
      %dma_wait3A_118 = tpu.memref_slice %arg8[%dma_wait3A_117] : memref<2000xi32, #tpu.memory_space<vmem>> -> memref<80xi32, #tpu.memory_space<vmem>>
      %dma_wait3A_119 = arith.constant 0 : i32
      %dma_wait3A_120 = arith.constant 0 : i32
      %dma_wait3A_121 = tpu.memref_slice %arg2[%dma_wait3A_119, %dma_wait3A_120] : memref<10000x128xf32, #tpu.memory_space<hbm>> -> memref<10000x128xf32, #tpu.memory_space<hbm>>
      tpu.wait_indirect_dma semaphore(%arg15 : memref<!tpu.dma_semaphore, #tpu.memory_space<semaphore_mem>>) src(%dma_wait3A_121 : memref<10000x128xf32, #tpu.memory_space<hbm>>) dst(%arg11 : memref<80x128xf32, #tpu.memory_space<vmem>>)
      %dma_start3A_122 = arith.constant 24 : i32
      %dma_start3A_123 = arith.constant 0 : i32
      %dma_start3A_124 = tpu.memref_slice %arg9[%dma_start3A_122, %dma_start3A_123] : memref<25x80xi32, #tpu.memory_space<vmem>> -> memref<1x80xi32, #tpu.memory_space<vmem>>
      %dma_start3A_125 = tpu.memref_squeeze %dma_start3A_124 : memref<1x80xi32, #tpu.memory_space<vmem>> -> memref<80xi32, #tpu.memory_space<vmem>>
      %dma_start3A_126 = arith.constant 0 : i32
      %dma_start3A_127 = arith.constant 0 : i32
      %dma_start3A_128 = tpu.memref_slice %arg10[%dma_start3A_126, %dma_start3A_127] : memref<10000x128xf32, #tpu.memory_space<vmem_shared>> -> memref<10000x128xf32, #tpu.memory_space<vmem_shared>>
      tpu.enqueue_indirect_dma source(%arg11 : memref<80x128xf32, #tpu.memory_space<vmem>>) target(%dma_start3A_128 : memref<10000x128xf32, #tpu.memory_space<vmem_shared>>) offsets(%dma_start3A_125 : memref<80xi32, #tpu.memory_space<vmem>>) semaphore(%arg19 : memref<!tpu.dma_semaphore, #tpu.memory_space<semaphore_mem>>) {add = true}
      %dma_start3A_129 = arith.constant 24 : i32
      %dma_start3A_130 = arith.constant 0 : i32
      %dma_start3A_131 = tpu.memref_slice %arg9[%dma_start3A_129, %dma_start3A_130] : memref<25x80xi32, #tpu.memory_space<vmem>> -> memref<1x80xi32, #tpu.memory_space<vmem>>
      %dma_start3A_132 = tpu.memref_squeeze %dma_start3A_131 : memref<1x80xi32, #tpu.memory_space<vmem>> -> memref<80xi32, #tpu.memory_space<vmem>>
      %dma_start3A_133 = arith.constant 0 : i32
      %dma_start3A_134 = tpu.memref_slice %arg25[%dma_start3A_133] : memref<10000xf32, #tpu.memory_space<vmem_shared>> -> memref<10000xf32, #tpu.memory_space<vmem_shared>>
      tpu.enqueue_indirect_dma source(%arg24 : memref<80xf32, #tpu.memory_space<vmem>>) target(%dma_start3A_134 : memref<10000xf32, #tpu.memory_space<vmem_shared>>) offsets(%dma_start3A_132 : memref<80xi32, #tpu.memory_space<vmem>>) semaphore(%arg23 : memref<!tpu.dma_semaphore, #tpu.memory_space<semaphore_mem>>) {add = true}
      %dma_wait3A_135 = arith.constant 0 : i32
      %dma_wait3A_136 = arith.constant 0 : i32
      %dma_wait3A_137 = tpu.memref_slice %arg9[%dma_wait3A_135, %dma_wait3A_136] : memref<25x80xi32, #tpu.memory_space<vmem>> -> memref<1x80xi32, #tpu.memory_space<vmem>>
      %dma_wait3A_138 = tpu.memref_squeeze %dma_wait3A_137 : memref<1x80xi32, #tpu.memory_space<vmem>> -> memref<80xi32, #tpu.memory_space<vmem>>
      %dma_wait3A_139 = arith.constant 0 : i32
      %dma_wait3A_140 = arith.constant 0 : i32
      %dma_wait3A_141 = tpu.memref_slice %arg10[%dma_wait3A_139, %dma_wait3A_140] : memref<10000x128xf32, #tpu.memory_space<vmem_shared>> -> memref<10000x128xf32, #tpu.memory_space<vmem_shared>>
      tpu.wait_indirect_dma semaphore(%arg20 : memref<!tpu.dma_semaphore, #tpu.memory_space<semaphore_mem>>) src(%arg12 : memref<80x128xf32, #tpu.memory_space<vmem>>) dst(%dma_wait3A_141 : memref<10000x128xf32, #tpu.memory_space<vmem_shared>>)
      %dma_wait3A_142 = arith.constant 0 : i32
      %dma_wait3A_143 = arith.constant 0 : i32
      %dma_wait3A_144 = tpu.memref_slice %arg9[%dma_wait3A_142, %dma_wait3A_143] : memref<25x80xi32, #tpu.memory_space<vmem>> -> memref<1x80xi32, #tpu.memory_space<vmem>>
      %dma_wait3A_145 = tpu.memref_squeeze %dma_wait3A_144 : memref<1x80xi32, #tpu.memory_space<vmem>> -> memref<80xi32, #tpu.memory_space<vmem>>
      %dma_wait3A_146 = arith.constant 0 : i32
      %dma_wait3A_147 = tpu.memref_slice %arg25[%dma_wait3A_146] : memref<10000xf32, #tpu.memory_space<vmem_shared>> -> memref<10000xf32, #tpu.memory_space<vmem_shared>>
      tpu.wait_indirect_dma semaphore(%arg23 : memref<!tpu.dma_semaphore, #tpu.memory_space<semaphore_mem>>) src(%arg24 : memref<80xf32, #tpu.memory_space<vmem>>) dst(%dma_wait3A_147 : memref<10000xf32, #tpu.memory_space<vmem_shared>>)
      %dma_wait3A_148 = arith.constant 0 : i32
      %dma_wait3A_149 = arith.constant 0 : i32
      %dma_wait3A_150 = tpu.memref_slice %arg9[%dma_wait3A_148, %dma_wait3A_149] : memref<25x80xi32, #tpu.memory_space<vmem>> -> memref<1x80xi32, #tpu.memory_space<vmem>>
      %dma_wait3A_151 = tpu.memref_squeeze %dma_wait3A_150 : memref<1x80xi32, #tpu.memory_space<vmem>> -> memref<80xi32, #tpu.memory_space<vmem>>
      %dma_wait3A_152 = arith.constant 0 : i32
      %dma_wait3A_153 = arith.constant 0 : i32
      %dma_wait3A_154 = tpu.memref_slice %arg10[%dma_wait3A_152, %dma_wait3A_153] : memref<10000x128xf32, #tpu.memory_space<vmem_shared>> -> memref<10000x128xf32, #tpu.memory_space<vmem_shared>>
      tpu.wait_indirect_dma semaphore(%arg21 : memref<!tpu.dma_semaphore, #tpu.memory_space<semaphore_mem>>) src(%arg13 : memref<80x128xf32, #tpu.memory_space<vmem>>) dst(%dma_wait3A_154 : memref<10000x128xf32, #tpu.memory_space<vmem_shared>>)
      %dma_wait3A_155 = arith.constant 0 : i32
      %dma_wait3A_156 = arith.constant 0 : i32
      %dma_wait3A_157 = tpu.memref_slice %arg9[%dma_wait3A_155, %dma_wait3A_156] : memref<25x80xi32, #tpu.memory_space<vmem>> -> memref<1x80xi32, #tpu.memory_space<vmem>>
      %dma_wait3A_158 = tpu.memref_squeeze %dma_wait3A_157 : memref<1x80xi32, #tpu.memory_space<vmem>> -> memref<80xi32, #tpu.memory_space<vmem>>
      %dma_wait3A_159 = arith.constant 0 : i32
      %dma_wait3A_160 = tpu.memref_slice %arg25[%dma_wait3A_159] : memref<10000xf32, #tpu.memory_space<vmem_shared>> -> memref<10000xf32, #tpu.memory_space<vmem_shared>>
      tpu.wait_indirect_dma semaphore(%arg23 : memref<!tpu.dma_semaphore, #tpu.memory_space<semaphore_mem>>) src(%arg24 : memref<80xf32, #tpu.memory_space<vmem>>) dst(%dma_wait3A_160 : memref<10000xf32, #tpu.memory_space<vmem_shared>>)
      %dma_wait3A_161 = arith.constant 0 : i32
      %dma_wait3A_162 = arith.constant 0 : i32
      %dma_wait3A_163 = tpu.memref_slice %arg9[%dma_wait3A_161, %dma_wait3A_162] : memref<25x80xi32, #tpu.memory_space<vmem>> -> memref<1x80xi32, #tpu.memory_space<vmem>>
      %dma_wait3A_164 = tpu.memref_squeeze %dma_wait3A_163 : memref<1x80xi32, #tpu.memory_space<vmem>> -> memref<80xi32, #tpu.memory_space<vmem>>
      %dma_wait3A_165 = arith.constant 0 : i32
      %dma_wait3A_166 = arith.constant 0 : i32
      %dma_wait3A_167 = tpu.memref_slice %arg10[%dma_wait3A_165, %dma_wait3A_166] : memref<10000x128xf32, #tpu.memory_space<vmem_shared>> -> memref<10000x128xf32, #tpu.memory_space<vmem_shared>>
      tpu.wait_indirect_dma semaphore(%arg22 : memref<!tpu.dma_semaphore, #tpu.memory_space<semaphore_mem>>) src(%arg14 : memref<80x128xf32, #tpu.memory_space<vmem>>) dst(%dma_wait3A_167 : memref<10000x128xf32, #tpu.memory_space<vmem_shared>>)
      %dma_wait3A_168 = arith.constant 0 : i32
      %dma_wait3A_169 = arith.constant 0 : i32
      %dma_wait3A_170 = tpu.memref_slice %arg9[%dma_wait3A_168, %dma_wait3A_169] : memref<25x80xi32, #tpu.memory_space<vmem>> -> memref<1x80xi32, #tpu.memory_space<vmem>>
      %dma_wait3A_171 = tpu.memref_squeeze %dma_wait3A_170 : memref<1x80xi32, #tpu.memory_space<vmem>> -> memref<80xi32, #tpu.memory_space<vmem>>
      %dma_wait3A_172 = arith.constant 0 : i32
      %dma_wait3A_173 = tpu.memref_slice %arg25[%dma_wait3A_172] : memref<10000xf32, #tpu.memory_space<vmem_shared>> -> memref<10000xf32, #tpu.memory_space<vmem_shared>>
      tpu.wait_indirect_dma semaphore(%arg23 : memref<!tpu.dma_semaphore, #tpu.memory_space<semaphore_mem>>) src(%arg24 : memref<80xf32, #tpu.memory_space<vmem>>) dst(%dma_wait3A_173 : memref<10000xf32, #tpu.memory_space<vmem_shared>>)
      %dma_wait3A_174 = arith.constant 0 : i32
      %dma_wait3A_175 = arith.constant 0 : i32
      %dma_wait3A_176 = tpu.memref_slice %arg9[%dma_wait3A_174, %dma_wait3A_175] : memref<25x80xi32, #tpu.memory_space<vmem>> -> memref<1x80xi32, #tpu.memory_space<vmem>>
      %dma_wait3A_177 = tpu.memref_squeeze %dma_wait3A_176 : memref<1x80xi32, #tpu.memory_space<vmem>> -> memref<80xi32, #tpu.memory_space<vmem>>
      %dma_wait3A_178 = arith.constant 0 : i32
      %dma_wait3A_179 = arith.constant 0 : i32
      %dma_wait3A_180 = tpu.memref_slice %arg10[%dma_wait3A_178, %dma_wait3A_179] : memref<10000x128xf32, #tpu.memory_space<vmem_shared>> -> memref<10000x128xf32, #tpu.memory_space<vmem_shared>>
      tpu.wait_indirect_dma semaphore(%arg19 : memref<!tpu.dma_semaphore, #tpu.memory_space<semaphore_mem>>) src(%arg11 : memref<80x128xf32, #tpu.memory_space<vmem>>) dst(%dma_wait3A_180 : memref<10000x128xf32, #tpu.memory_space<vmem_shared>>)
      %dma_wait3A_181 = arith.constant 0 : i32
      %dma_wait3A_182 = arith.constant 0 : i32
      %dma_wait3A_183 = tpu.memref_slice %arg9[%dma_wait3A_181, %dma_wait3A_182] : memref<25x80xi32, #tpu.memory_space<vmem>> -> memref<1x80xi32, #tpu.memory_space<vmem>>
      %dma_wait3A_184 = tpu.memref_squeeze %dma_wait3A_183 : memref<1x80xi32, #tpu.memory_space<vmem>> -> memref<80xi32, #tpu.memory_space<vmem>>
      %dma_wait3A_185 = arith.constant 0 : i32
      %dma_wait3A_186 = tpu.memref_slice %arg25[%dma_wait3A_185] : memref<10000xf32, #tpu.memory_space<vmem_shared>> -> memref<10000xf32, #tpu.memory_space<vmem_shared>>
      tpu.wait_indirect_dma semaphore(%arg23 : memref<!tpu.dma_semaphore, #tpu.memory_space<semaphore_mem>>) src(%arg24 : memref<80xf32, #tpu.memory_space<vmem>>) dst(%dma_wait3A_186 : memref<10000xf32, #tpu.memory_space<vmem_shared>>)
    }
    %scan3A_76 = arith.constant 5 : i32
    %barrier3A_77 = arith.constant 0 : index
    tpu.barrier barrier_id(%barrier3A_77)
    %scan3A_78 = arith.constant 0 : i32
    %scan3A_79 = arith.constant 8 : i32
    %scan3A_80 = arith.addi %scan3A_78, %scan3A_79 : i32
    %scan3A_81 = arith.constant 1 : i32
    scf.for %scan3A_88 = %scan3A_78 to %scan3A_80 step %scan3A_81  : i32 {
      %mul3A_89 = arith.constant 1 : i32
      %mul3A_90 = arith.muli %scan3A_88, %mul3A_89 : i32
      %add3A_91 = arith.constant 0 : i32
      %add3A_92 = arith.addi %add3A_91, %mul3A_90 : i32
      %mul3A_93 = arith.constant 80 : i32
      %mul3A_94 = arith.muli %add3A_92, %mul3A_93 : i32
      %add3A_95 = arith.addi %mul3A_4, %mul3A_94 : i32
      "tpu.region"() ({
        %run_scoped3A = tpu.sem_alloc : memref<!tpu.dma_semaphore, #tpu.memory_space<semaphore_mem>>
        %dma_start3A = arith.constant 0 : i32
        %dma_start3A_99 = tpu.memref_slice %arg10[%add3A_95, %dma_start3A] : memref<10000x128xf32, #tpu.memory_space<vmem_shared>> -> memref<80x128xf32, #tpu.memory_space<vmem_shared>>
        %dma_start3A_100 = arith.constant 0 : i32
        %dma_start3A_101 = tpu.memref_slice %arg10[%add3A_95, %dma_start3A_100] : memref<10000x128xf32, #tpu.memory_space<vmem_shared>> -> memref<80x128xf32, #tpu.memory_space<vmem_shared>>
        tpu.enqueue_dma source(%dma_start3A_101 : memref<80x128xf32, #tpu.memory_space<vmem_shared>>) target(%arg11 : memref<80x128xf32, #tpu.memory_space<vmem>>) target_semaphore(%run_scoped3A : memref<!tpu.dma_semaphore, #tpu.memory_space<semaphore_mem>>)
        %dma_wait3A = arith.constant 0 : i32
        %dma_wait3A_102 = tpu.memref_slice %arg10[%add3A_95, %dma_wait3A] : memref<10000x128xf32, #tpu.memory_space<vmem_shared>> -> memref<80x128xf32, #tpu.memory_space<vmem_shared>>
        %dma_wait3A_103 = arith.constant 0 : i32
        %dma_wait3A_104 = tpu.memref_slice %arg10[%add3A_95, %dma_wait3A_103] : memref<10000x128xf32, #tpu.memory_space<vmem_shared>> -> memref<80x128xf32, #tpu.memory_space<vmem_shared>>
        tpu.wait_dma2 semaphore(%run_scoped3A : memref<!tpu.dma_semaphore, #tpu.memory_space<semaphore_mem>>) src(%dma_wait3A_104 : memref<80x128xf32, #tpu.memory_space<vmem_shared>>) dst(%arg11 : memref<80x128xf32, #tpu.memory_space<vmem>>)
        tpu.yield
      }) : () -> ()
      %mul3A_96 = arith.constant 80 : i32
      %mul3A_97 = arith.muli %add3A_92, %mul3A_96 : i32
      %add3A_98 = arith.addi %mul3A_4, %mul3A_97 : i32
      "tpu.region"() ({
        %run_scoped3A = tpu.sem_alloc : memref<!tpu.dma_semaphore, #tpu.memory_space<semaphore_mem>>
        %dma_start3A = arith.constant 0 : i32
        %dma_start3A_99 = tpu.memref_slice %arg6[%arg0, %add3A_98, %dma_start3A] : memref<2x10000x128xf32, #tpu.memory_space<hbm>> -> memref<1x80x128xf32, #tpu.memory_space<hbm>>
        %dma_start3A_100 = tpu.memref_squeeze %dma_start3A_99 : memref<1x80x128xf32, #tpu.memory_space<hbm>> -> memref<80x128xf32, #tpu.memory_space<hbm>>
        %dma_start3A_101 = arith.constant 0 : i32
        %dma_start3A_102 = tpu.memref_slice %arg6[%arg0, %add3A_98, %dma_start3A_101] : memref<2x10000x128xf32, #tpu.memory_space<hbm>> -> memref<1x80x128xf32, #tpu.memory_space<hbm>>
        %dma_start3A_103 = tpu.memref_squeeze %dma_start3A_102 : memref<1x80x128xf32, #tpu.memory_space<hbm>> -> memref<80x128xf32, #tpu.memory_space<hbm>>
        tpu.enqueue_dma source(%arg11 : memref<80x128xf32, #tpu.memory_space<vmem>>) target(%dma_start3A_103 : memref<80x128xf32, #tpu.memory_space<hbm>>) target_semaphore(%run_scoped3A : memref<!tpu.dma_semaphore, #tpu.memory_space<semaphore_mem>>)
        %dma_wait3A = arith.constant 0 : i32
        %dma_wait3A_104 = tpu.memref_slice %arg6[%arg0, %add3A_98, %dma_wait3A] : memref<2x10000x128xf32, #tpu.memory_space<hbm>> -> memref<1x80x128xf32, #tpu.memory_space<hbm>>
        %dma_wait3A_105 = tpu.memref_squeeze %dma_wait3A_104 : memref<1x80x128xf32, #tpu.memory_space<hbm>> -> memref<80x128xf32, #tpu.memory_space<hbm>>
        %dma_wait3A_106 = arith.constant 0 : i32
        %dma_wait3A_107 = tpu.memref_slice %arg6[%arg0, %add3A_98, %dma_wait3A_106] : memref<2x10000x128xf32, #tpu.memory_space<hbm>> -> memref<1x80x128xf32, #tpu.memory_space<hbm>>
        %dma_wait3A_108 = tpu.memref_squeeze %dma_wait3A_107 : memref<1x80x128xf32, #tpu.memory_space<hbm>> -> memref<80x128xf32, #tpu.memory_space<hbm>>
        tpu.wait_dma2 semaphore(%run_scoped3A : memref<!tpu.dma_semaphore, #tpu.memory_space<semaphore_mem>>) src(%arg11 : memref<80x128xf32, #tpu.memory_space<vmem>>) dst(%dma_wait3A_108 : memref<80x128xf32, #tpu.memory_space<hbm>>)
        tpu.yield
      }) : () -> ()
    }
    %scan3A_82 = arith.constant 8 : i32
    %scan3A_83 = arith.constant 0 : i32
    %scan3A_84 = arith.constant 8 : i32
    %scan3A_85 = arith.addi %scan3A_83, %scan3A_84 : i32
    %scan3A_86 = arith.constant 1 : i32
    scf.for %scan3A_88 = %scan3A_83 to %scan3A_85 step %scan3A_86  : i32 {
      %mul3A_89 = arith.constant 1 : i32
      %mul3A_90 = arith.muli %scan3A_88, %mul3A_89 : i32
      %add3A_91 = arith.constant 0 : i32
      %add3A_92 = arith.addi %add3A_91, %mul3A_90 : i32
      %mul3A_93 = arith.constant 80 : i32
      %mul3A_94 = arith.muli %add3A_92, %mul3A_93 : i32
      %add3A_95 = arith.addi %mul3A_4, %mul3A_94 : i32
      "tpu.region"() ({
        %run_scoped3A = tpu.sem_alloc : memref<!tpu.dma_semaphore, #tpu.memory_space<semaphore_mem>>
        %dma_start3A = tpu.memref_slice %arg25[%add3A_95] : memref<10000xf32, #tpu.memory_space<vmem_shared>> -> memref<80xf32, #tpu.memory_space<vmem_shared>>
        %dma_start3A_102 = tpu.memref_slice %arg25[%add3A_95] : memref<10000xf32, #tpu.memory_space<vmem_shared>> -> memref<80xf32, #tpu.memory_space<vmem_shared>>
        tpu.enqueue_dma source(%dma_start3A_102 : memref<80xf32, #tpu.memory_space<vmem_shared>>) target(%arg26 : memref<80xf32, #tpu.memory_space<vmem>>) target_semaphore(%run_scoped3A : memref<!tpu.dma_semaphore, #tpu.memory_space<semaphore_mem>>)
        %dma_wait3A = tpu.memref_slice %arg25[%add3A_95] : memref<10000xf32, #tpu.memory_space<vmem_shared>> -> memref<80xf32, #tpu.memory_space<vmem_shared>>
        %dma_wait3A_103 = tpu.memref_slice %arg25[%add3A_95] : memref<10000xf32, #tpu.memory_space<vmem_shared>> -> memref<80xf32, #tpu.memory_space<vmem_shared>>
        tpu.wait_dma2 semaphore(%run_scoped3A : memref<!tpu.dma_semaphore, #tpu.memory_space<semaphore_mem>>) src(%dma_wait3A_103 : memref<80xf32, #tpu.memory_space<vmem_shared>>) dst(%arg26 : memref<80xf32, #tpu.memory_space<vmem>>)
        tpu.yield
      }) : () -> ()
      %mul3A_96 = arith.constant 10000 : i32
      %mul3A_97 = arith.muli %arg0, %mul3A_96 : i32
      %add3A_98 = arith.addi %mul3A_97, %mul3A_4 : i32
      %mul3A_99 = arith.constant 80 : i32
      %mul3A_100 = arith.muli %add3A_92, %mul3A_99 : i32
      %add3A_101 = arith.addi %add3A_98, %mul3A_100 : i32
      "tpu.region"() ({
        %run_scoped3A = tpu.sem_alloc : memref<!tpu.dma_semaphore, #tpu.memory_space<semaphore_mem>>
        %dma_start3A = tpu.memref_slice %arg7[%add3A_101] : memref<20000xf32, #tpu.memory_space<hbm>> -> memref<80xf32, #tpu.memory_space<hbm>>
        %dma_start3A_102 = tpu.memref_slice %arg7[%add3A_101] : memref<20000xf32, #tpu.memory_space<hbm>> -> memref<80xf32, #tpu.memory_space<hbm>>
        tpu.enqueue_dma source(%arg26 : memref<80xf32, #tpu.memory_space<vmem>>) target(%dma_start3A_102 : memref<80xf32, #tpu.memory_space<hbm>>) target_semaphore(%run_scoped3A : memref<!tpu.dma_semaphore, #tpu.memory_space<semaphore_mem>>)
        %dma_wait3A = tpu.memref_slice %arg7[%add3A_101] : memref<20000xf32, #tpu.memory_space<hbm>> -> memref<80xf32, #tpu.memory_space<hbm>>
        %dma_wait3A_103 = tpu.memref_slice %arg7[%add3A_101] : memref<20000xf32, #tpu.memory_space<hbm>> -> memref<80xf32, #tpu.memory_space<hbm>>
        tpu.wait_dma2 semaphore(%run_scoped3A : memref<!tpu.dma_semaphore, #tpu.memory_space<semaphore_mem>>) src(%arg26 : memref<80xf32, #tpu.memory_space<vmem>>) dst(%dma_wait3A_103 : memref<80xf32, #tpu.memory_space<hbm>>)
        tpu.yield
      }) : () -> ()
    }
    %scan3A_87 = arith.constant 8 : i32
    return
  }
}

#map = affine_map<(d0, d1) -> (0, 0)>
#map1 = affine_map<(d0, d1) -> (0)>
#map2 = affine_map<(d0, d1) -> (0, 0, 0, 0)>
#map3 = affine_map<(d0, d1) -> (0, 0, 0)>
module attributes {stable_mosaic.version = 14 : i64} {
  func.func @body(%arg0: i32, %arg1: i32, %arg2: memref<10000x128xf32, #tpu.memory_space<hbm>>, %arg3: memref<320000xi32, #tpu.memory_space<hbm>>, %arg4: memref<32x5x25x80xi32, #tpu.memory_space<hbm>>, %arg5: memref<10000x128xf32, #tpu.memory_space<hbm>>, %arg6: memref<2x10000x128xf32, #tpu.memory_space<hbm>>, %arg7: memref<2000xi32, #tpu.memory_space<vmem>>, %arg8: memref<25x80xi32, #tpu.memory_space<vmem>>, %arg9: memref<10000x128xf32, #tpu.memory_space<vmem_shared>>, %arg10: memref<80x128xf32, #tpu.memory_space<vmem>>, %arg11: memref<80x128xf32, #tpu.memory_space<vmem>>, %arg12: memref<80x128xf32, #tpu.memory_space<vmem>>, %arg13: memref<80x128xf32, #tpu.memory_space<vmem>>, %arg14: memref<!tpu.dma_semaphore, #tpu.memory_space<semaphore_mem>>, %arg15: memref<!tpu.dma_semaphore, #tpu.memory_space<semaphore_mem>>, %arg16: memref<!tpu.dma_semaphore, #tpu.memory_space<semaphore_mem>>, %arg17: memref<!tpu.dma_semaphore, #tpu.memory_space<semaphore_mem>>, %arg18: memref<!tpu.dma_semaphore, #tpu.memory_space<semaphore_mem>>, %arg19: memref<!tpu.dma_semaphore, #tpu.memory_space<semaphore_mem>>, %arg20: memref<!tpu.dma_semaphore, #tpu.memory_space<semaphore_mem>>, %arg21: memref<!tpu.dma_semaphore, #tpu.memory_space<semaphore_mem>>, %arg22: memref<!tpu.dma_semaphore, #tpu.memory_space<semaphore_mem>>) attributes {dimension_semantics = [#tpu.dimension_semantics<core_parallel>, #tpu.dimension_semantics<subcore_parallel>], iteration_bounds = array<i64: 2, 16>, scalar_prefetch = 0 : i64, scratch_operands = 16 : i64, tpu.core_type = #tpu.core_type<sc_vector_subcore>, window_params = [{transform_indices = #map}, {transform_indices = #map1}, {transform_indices = #map2}, {transform_indices = #map}, {transform_indices = #map3}]} {
    %mul3A = arith.constant 2 : i32
    %mul3A_0 = arith.muli %arg1, %mul3A : i32
    %add3A = arith.addi %mul3A_0, %arg0 : i32
    %mul3A_1 = arith.constant 10000 : i32
    %mul3A_2 = arith.muli %add3A, %mul3A_1 : i32
    %mul3A_3 = arith.constant 624 : i32
    %mul3A_4 = arith.muli %arg1, %mul3A_3 : i32
    "tpu.region"() ({
      %run_scoped3A = tpu.sem_alloc : memref<!tpu.dma_semaphore, #tpu.memory_space<semaphore_mem>>
      %dma_start3A = arith.constant 0 : i32
      %dma_start3A_20 = arith.constant 0 : i32
      %dma_start3A_21 = tpu.memref_slice %arg5[%dma_start3A, %dma_start3A_20] : memref<10000x128xf32, #tpu.memory_space<hbm>> -> memref<80x128xf32, #tpu.memory_space<hbm>>
      %dma_start3A_22 = arith.constant 0 : i32
      %dma_start3A_23 = arith.constant 0 : i32
      %dma_start3A_24 = tpu.memref_slice %arg5[%dma_start3A_22, %dma_start3A_23] : memref<10000x128xf32, #tpu.memory_space<hbm>> -> memref<80x128xf32, #tpu.memory_space<hbm>>
      tpu.enqueue_dma source(%dma_start3A_24 : memref<80x128xf32, #tpu.memory_space<hbm>>) target(%arg10 : memref<80x128xf32, #tpu.memory_space<vmem>>) target_semaphore(%run_scoped3A : memref<!tpu.dma_semaphore, #tpu.memory_space<semaphore_mem>>)
      %dma_wait3A = arith.constant 0 : i32
      %dma_wait3A_25 = arith.constant 0 : i32
      %dma_wait3A_26 = tpu.memref_slice %arg5[%dma_wait3A, %dma_wait3A_25] : memref<10000x128xf32, #tpu.memory_space<hbm>> -> memref<80x128xf32, #tpu.memory_space<hbm>>
      %dma_wait3A_27 = arith.constant 0 : i32
      %dma_wait3A_28 = arith.constant 0 : i32
      %dma_wait3A_29 = tpu.memref_slice %arg5[%dma_wait3A_27, %dma_wait3A_28] : memref<10000x128xf32, #tpu.memory_space<hbm>> -> memref<80x128xf32, #tpu.memory_space<hbm>>
      tpu.wait_dma2 semaphore(%run_scoped3A : memref<!tpu.dma_semaphore, #tpu.memory_space<semaphore_mem>>) src(%dma_wait3A_29 : memref<80x128xf32, #tpu.memory_space<hbm>>) dst(%arg10 : memref<80x128xf32, #tpu.memory_space<vmem>>)
      tpu.yield
    }) : () -> ()
    %scan3A = arith.constant 0 : i32
    %scan3A_5 = arith.constant 8 : i32
    %scan3A_6 = arith.addi %scan3A, %scan3A_5 : i32
    %scan3A_7 = arith.constant 1 : i32
    scf.for %scan3A_20 = %scan3A to %scan3A_6 step %scan3A_7  : i32 {
      %mul3A_21 = arith.constant 1 : i32
      %mul3A_22 = arith.muli %scan3A_20, %mul3A_21 : i32
      %add3A_23 = arith.constant 0 : i32
      %add3A_24 = arith.addi %add3A_23, %mul3A_22 : i32
      %mul3A_25 = arith.constant 80 : i32
      %mul3A_26 = arith.muli %add3A_24, %mul3A_25 : i32
      %add3A_27 = arith.addi %mul3A_4, %mul3A_26 : i32
      "tpu.region"() ({
        %run_scoped3A = tpu.sem_alloc : memref<!tpu.dma_semaphore, #tpu.memory_space<semaphore_mem>>
        %dma_start3A = arith.constant 0 : i32
        %dma_start3A_28 = tpu.memref_slice %arg9[%add3A_27, %dma_start3A] : memref<10000x128xf32, #tpu.memory_space<vmem_shared>> -> memref<80x128xf32, #tpu.memory_space<vmem_shared>>
        %dma_start3A_29 = arith.constant 0 : i32
        %dma_start3A_30 = tpu.memref_slice %arg9[%add3A_27, %dma_start3A_29] : memref<10000x128xf32, #tpu.memory_space<vmem_shared>> -> memref<80x128xf32, #tpu.memory_space<vmem_shared>>
        tpu.enqueue_dma source(%arg10 : memref<80x128xf32, #tpu.memory_space<vmem>>) target(%dma_start3A_30 : memref<80x128xf32, #tpu.memory_space<vmem_shared>>) target_semaphore(%run_scoped3A : memref<!tpu.dma_semaphore, #tpu.memory_space<semaphore_mem>>)
        %dma_wait3A = arith.constant 0 : i32
        %dma_wait3A_31 = tpu.memref_slice %arg9[%add3A_27, %dma_wait3A] : memref<10000x128xf32, #tpu.memory_space<vmem_shared>> -> memref<80x128xf32, #tpu.memory_space<vmem_shared>>
        %dma_wait3A_32 = arith.constant 0 : i32
        %dma_wait3A_33 = tpu.memref_slice %arg9[%add3A_27, %dma_wait3A_32] : memref<10000x128xf32, #tpu.memory_space<vmem_shared>> -> memref<80x128xf32, #tpu.memory_space<vmem_shared>>
        tpu.wait_dma2 semaphore(%run_scoped3A : memref<!tpu.dma_semaphore, #tpu.memory_space<semaphore_mem>>) src(%arg10 : memref<80x128xf32, #tpu.memory_space<vmem>>) dst(%dma_wait3A_33 : memref<80x128xf32, #tpu.memory_space<vmem_shared>>)
        tpu.yield
      }) : () -> ()
    }
    %scan3A_8 = arith.constant 8 : i32
    %barrier3A = arith.constant 0 : index
    tpu.barrier barrier_id(%barrier3A)
    %scan3A_9 = arith.constant 0 : i32
    %scan3A_10 = arith.constant 5 : i32
    %scan3A_11 = arith.addi %scan3A_9, %scan3A_10 : i32
    %scan3A_12 = arith.constant 1 : i32
    scf.for %scan3A_20 = %scan3A_9 to %scan3A_11 step %scan3A_12  : i32 {
      %mul3A_21 = arith.constant 1 : i32
      %mul3A_22 = arith.muli %scan3A_20, %mul3A_21 : i32
      %add3A_23 = arith.constant 0 : i32
      %add3A_24 = arith.addi %add3A_23, %mul3A_22 : i32
      %mul3A_25 = arith.constant 2000 : i32
      %mul3A_26 = arith.muli %add3A_24, %mul3A_25 : i32
      %add3A_27 = arith.addi %mul3A_2, %mul3A_26 : i32
      "tpu.region"() ({
        %run_scoped3A = tpu.sem_alloc : memref<!tpu.dma_semaphore, #tpu.memory_space<semaphore_mem>>
        %dma_start3A_83 = tpu.memref_slice %arg3[%add3A_27] : memref<320000xi32, #tpu.memory_space<hbm>> -> memref<2000xi32, #tpu.memory_space<hbm>>
        %dma_start3A_84 = tpu.memref_slice %arg3[%add3A_27] : memref<320000xi32, #tpu.memory_space<hbm>> -> memref<2000xi32, #tpu.memory_space<hbm>>
        tpu.enqueue_dma source(%dma_start3A_84 : memref<2000xi32, #tpu.memory_space<hbm>>) target(%arg7 : memref<2000xi32, #tpu.memory_space<vmem>>) target_semaphore(%run_scoped3A : memref<!tpu.dma_semaphore, #tpu.memory_space<semaphore_mem>>)
        %dma_wait3A_85 = tpu.memref_slice %arg3[%add3A_27] : memref<320000xi32, #tpu.memory_space<hbm>> -> memref<2000xi32, #tpu.memory_space<hbm>>
        %dma_wait3A_86 = tpu.memref_slice %arg3[%add3A_27] : memref<320000xi32, #tpu.memory_space<hbm>> -> memref<2000xi32, #tpu.memory_space<hbm>>
        tpu.wait_dma2 semaphore(%run_scoped3A : memref<!tpu.dma_semaphore, #tpu.memory_space<semaphore_mem>>) src(%dma_wait3A_86 : memref<2000xi32, #tpu.memory_space<hbm>>) dst(%arg7 : memref<2000xi32, #tpu.memory_space<vmem>>)
        tpu.yield
      }) : () -> ()
      "tpu.region"() ({
        %run_scoped3A = tpu.sem_alloc : memref<!tpu.dma_semaphore, #tpu.memory_space<semaphore_mem>>
        %dma_start3A_83 = arith.constant 0 : i32
        %dma_start3A_84 = arith.constant 0 : i32
        %dma_start3A_85 = tpu.memref_slice %arg4[%add3A, %add3A_24, %dma_start3A_83, %dma_start3A_84] : memref<32x5x25x80xi32, #tpu.memory_space<hbm>> -> memref<1x1x25x80xi32, #tpu.memory_space<hbm>>
        %dma_start3A_86 = tpu.memref_squeeze %dma_start3A_85 : memref<1x1x25x80xi32, #tpu.memory_space<hbm>> -> memref<25x80xi32, #tpu.memory_space<hbm>>
        %dma_start3A_87 = arith.constant 0 : i32
        %dma_start3A_88 = arith.constant 0 : i32
        %dma_start3A_89 = tpu.memref_slice %arg4[%add3A, %add3A_24, %dma_start3A_87, %dma_start3A_88] : memref<32x5x25x80xi32, #tpu.memory_space<hbm>> -> memref<1x1x25x80xi32, #tpu.memory_space<hbm>>
        %dma_start3A_90 = tpu.memref_squeeze %dma_start3A_89 : memref<1x1x25x80xi32, #tpu.memory_space<hbm>> -> memref<25x80xi32, #tpu.memory_space<hbm>>
        tpu.enqueue_dma source(%dma_start3A_90 : memref<25x80xi32, #tpu.memory_space<hbm>>) target(%arg8 : memref<25x80xi32, #tpu.memory_space<vmem>>) target_semaphore(%run_scoped3A : memref<!tpu.dma_semaphore, #tpu.memory_space<semaphore_mem>>)
        %dma_wait3A_91 = arith.constant 0 : i32
        %dma_wait3A_92 = arith.constant 0 : i32
        %dma_wait3A_93 = tpu.memref_slice %arg4[%add3A, %add3A_24, %dma_wait3A_91, %dma_wait3A_92] : memref<32x5x25x80xi32, #tpu.memory_space<hbm>> -> memref<1x1x25x80xi32, #tpu.memory_space<hbm>>
        %dma_wait3A_94 = tpu.memref_squeeze %dma_wait3A_93 : memref<1x1x25x80xi32, #tpu.memory_space<hbm>> -> memref<25x80xi32, #tpu.memory_space<hbm>>
        %dma_wait3A_95 = arith.constant 0 : i32
        %dma_wait3A_96 = arith.constant 0 : i32
        %dma_wait3A_97 = tpu.memref_slice %arg4[%add3A, %add3A_24, %dma_wait3A_95, %dma_wait3A_96] : memref<32x5x25x80xi32, #tpu.memory_space<hbm>> -> memref<1x1x25x80xi32, #tpu.memory_space<hbm>>
        %dma_wait3A_98 = tpu.memref_squeeze %dma_wait3A_97 : memref<1x1x25x80xi32, #tpu.memory_space<hbm>> -> memref<25x80xi32, #tpu.memory_space<hbm>>
        tpu.wait_dma2 semaphore(%run_scoped3A : memref<!tpu.dma_semaphore, #tpu.memory_space<semaphore_mem>>) src(%dma_wait3A_98 : memref<25x80xi32, #tpu.memory_space<hbm>>) dst(%arg8 : memref<25x80xi32, #tpu.memory_space<vmem>>)
        tpu.yield
      }) : () -> ()
      %scan3A_28 = arith.constant 0 : i32
      %scan3A_29 = arith.constant 6 : i32
      %scan3A_30 = arith.addi %scan3A_28, %scan3A_29 : i32
      %scan3A_31 = arith.constant 1 : i32
      scf.for %scan3A_83 = %scan3A_28 to %scan3A_30 step %scan3A_31  : i32 {
        %mul3A_84 = arith.constant 1 : i32
        %mul3A_85 = arith.muli %scan3A_83, %mul3A_84 : i32
        %add3A_86 = arith.constant 0 : i32
        %add3A_87 = arith.addi %add3A_86, %mul3A_85 : i32
        %gt3A = arith.constant 0 : i32
        %gt3A_88 = arith.cmpi sgt, %add3A_87, %gt3A : i32
        %convert_element_type3A = arith.extui %gt3A_88 : i1 to i32
        %cond3A = arith.constant 0 : i32
        %cond3A_89 = arith.cmpi ne, %convert_element_type3A, %cond3A : i32
        scf.if %cond3A_89 {
          %dma_wait3A_201 = arith.constant 0 : i32
          %dma_wait3A_202 = arith.constant 0 : i32
          %dma_wait3A_203 = tpu.memref_slice %arg8[%dma_wait3A_201, %dma_wait3A_202] : memref<25x80xi32, #tpu.memory_space<vmem>> -> memref<1x80xi32, #tpu.memory_space<vmem>>
          %dma_wait3A_204 = tpu.memref_squeeze %dma_wait3A_203 : memref<1x80xi32, #tpu.memory_space<vmem>> -> memref<80xi32, #tpu.memory_space<vmem>>
          %dma_wait3A_205 = arith.constant 0 : i32
          %dma_wait3A_206 = arith.constant 0 : i32
          %dma_wait3A_207 = tpu.memref_slice %arg9[%dma_wait3A_205, %dma_wait3A_206] : memref<10000x128xf32, #tpu.memory_space<vmem_shared>> -> memref<10000x128xf32, #tpu.memory_space<vmem_shared>>
          tpu.wait_indirect_dma semaphore(%arg18 : memref<!tpu.dma_semaphore, #tpu.memory_space<semaphore_mem>>) src(%arg10 : memref<80x128xf32, #tpu.memory_space<vmem>>) dst(%dma_wait3A_207 : memref<10000x128xf32, #tpu.memory_space<vmem_shared>>)
        } else {
        }
        %mul3A_90 = arith.constant 4 : i32
        %mul3A_91 = arith.muli %add3A_87, %mul3A_90 : i32
        %add3A_92 = arith.constant 0 : i32
        %add3A_93 = arith.addi %mul3A_91, %add3A_92 : i32
        %mul3A_94 = arith.constant 80 : i32
        %mul3A_95 = arith.muli %add3A_93, %mul3A_94 : i32
        %dma_start3A_96 = tpu.memref_slice %arg7[%mul3A_95] : memref<2000xi32, #tpu.memory_space<vmem>> -> memref<80xi32, #tpu.memory_space<vmem>>
        %dma_start3A_97 = arith.constant 0 : i32
        %dma_start3A_98 = arith.constant 0 : i32
        %dma_start3A_99 = tpu.memref_slice %arg2[%dma_start3A_97, %dma_start3A_98] : memref<10000x128xf32, #tpu.memory_space<hbm>> -> memref<10000x128xf32, #tpu.memory_space<hbm>>
        tpu.enqueue_indirect_dma source(%dma_start3A_99 : memref<10000x128xf32, #tpu.memory_space<hbm>>) target(%arg10 : memref<80x128xf32, #tpu.memory_space<vmem>>) offsets(%dma_start3A_96 : memref<80xi32, #tpu.memory_space<vmem>>) semaphore(%arg14 : memref<!tpu.dma_semaphore, #tpu.memory_space<semaphore_mem>>)
        %gt3A_100 = arith.constant 0 : i32
        %gt3A_101 = arith.cmpi sgt, %add3A_87, %gt3A_100 : i32
        %convert_element_type3A_102 = arith.extui %gt3A_101 : i1 to i32
        %cond3A_103 = arith.constant 0 : i32
        %cond3A_104 = arith.cmpi ne, %convert_element_type3A_102, %cond3A_103 : i32
        scf.if %cond3A_104 {
          %dma_wait3A_201 = arith.constant 0 : i32
          %dma_wait3A_202 = arith.constant 0 : i32
          %dma_wait3A_203 = tpu.memref_slice %arg8[%dma_wait3A_201, %dma_wait3A_202] : memref<25x80xi32, #tpu.memory_space<vmem>> -> memref<1x80xi32, #tpu.memory_space<vmem>>
          %dma_wait3A_204 = tpu.memref_squeeze %dma_wait3A_203 : memref<1x80xi32, #tpu.memory_space<vmem>> -> memref<80xi32, #tpu.memory_space<vmem>>
          %dma_wait3A_205 = arith.constant 0 : i32
          %dma_wait3A_206 = arith.constant 0 : i32
          %dma_wait3A_207 = tpu.memref_slice %arg9[%dma_wait3A_205, %dma_wait3A_206] : memref<10000x128xf32, #tpu.memory_space<vmem_shared>> -> memref<10000x128xf32, #tpu.memory_space<vmem_shared>>
          tpu.wait_indirect_dma semaphore(%arg19 : memref<!tpu.dma_semaphore, #tpu.memory_space<semaphore_mem>>) src(%arg11 : memref<80x128xf32, #tpu.memory_space<vmem>>) dst(%dma_wait3A_207 : memref<10000x128xf32, #tpu.memory_space<vmem_shared>>)
        } else {
        }
        %mul3A_105 = arith.constant 4 : i32
        %mul3A_106 = arith.muli %add3A_87, %mul3A_105 : i32
        %add3A_107 = arith.constant 1 : i32
        %add3A_108 = arith.addi %mul3A_106, %add3A_107 : i32
        %mul3A_109 = arith.constant 80 : i32
        %mul3A_110 = arith.muli %add3A_108, %mul3A_109 : i32
        %dma_start3A_111 = tpu.memref_slice %arg7[%mul3A_110] : memref<2000xi32, #tpu.memory_space<vmem>> -> memref<80xi32, #tpu.memory_space<vmem>>
        %dma_start3A_112 = arith.constant 0 : i32
        %dma_start3A_113 = arith.constant 0 : i32
        %dma_start3A_114 = tpu.memref_slice %arg2[%dma_start3A_112, %dma_start3A_113] : memref<10000x128xf32, #tpu.memory_space<hbm>> -> memref<10000x128xf32, #tpu.memory_space<hbm>>
        tpu.enqueue_indirect_dma source(%dma_start3A_114 : memref<10000x128xf32, #tpu.memory_space<hbm>>) target(%arg11 : memref<80x128xf32, #tpu.memory_space<vmem>>) offsets(%dma_start3A_111 : memref<80xi32, #tpu.memory_space<vmem>>) semaphore(%arg15 : memref<!tpu.dma_semaphore, #tpu.memory_space<semaphore_mem>>)
        %gt3A_115 = arith.constant 0 : i32
        %gt3A_116 = arith.cmpi sgt, %add3A_87, %gt3A_115 : i32
        %convert_element_type3A_117 = arith.extui %gt3A_116 : i1 to i32
        %cond3A_118 = arith.constant 0 : i32
        %cond3A_119 = arith.cmpi ne, %convert_element_type3A_117, %cond3A_118 : i32
        scf.if %cond3A_119 {
          %dma_wait3A_201 = arith.constant 0 : i32
          %dma_wait3A_202 = arith.constant 0 : i32
          %dma_wait3A_203 = tpu.memref_slice %arg8[%dma_wait3A_201, %dma_wait3A_202] : memref<25x80xi32, #tpu.memory_space<vmem>> -> memref<1x80xi32, #tpu.memory_space<vmem>>
          %dma_wait3A_204 = tpu.memref_squeeze %dma_wait3A_203 : memref<1x80xi32, #tpu.memory_space<vmem>> -> memref<80xi32, #tpu.memory_space<vmem>>
          %dma_wait3A_205 = arith.constant 0 : i32
          %dma_wait3A_206 = arith.constant 0 : i32
          %dma_wait3A_207 = tpu.memref_slice %arg9[%dma_wait3A_205, %dma_wait3A_206] : memref<10000x128xf32, #tpu.memory_space<vmem_shared>> -> memref<10000x128xf32, #tpu.memory_space<vmem_shared>>
          tpu.wait_indirect_dma semaphore(%arg20 : memref<!tpu.dma_semaphore, #tpu.memory_space<semaphore_mem>>) src(%arg12 : memref<80x128xf32, #tpu.memory_space<vmem>>) dst(%dma_wait3A_207 : memref<10000x128xf32, #tpu.memory_space<vmem_shared>>)
        } else {
        }
        %mul3A_120 = arith.constant 4 : i32
        %mul3A_121 = arith.muli %add3A_87, %mul3A_120 : i32
        %add3A_122 = arith.constant 2 : i32
        %add3A_123 = arith.addi %mul3A_121, %add3A_122 : i32
        %mul3A_124 = arith.constant 80 : i32
        %mul3A_125 = arith.muli %add3A_123, %mul3A_124 : i32
        %dma_start3A_126 = tpu.memref_slice %arg7[%mul3A_125] : memref<2000xi32, #tpu.memory_space<vmem>> -> memref<80xi32, #tpu.memory_space<vmem>>
        %dma_start3A_127 = arith.constant 0 : i32
        %dma_start3A_128 = arith.constant 0 : i32
        %dma_start3A_129 = tpu.memref_slice %arg2[%dma_start3A_127, %dma_start3A_128] : memref<10000x128xf32, #tpu.memory_space<hbm>> -> memref<10000x128xf32, #tpu.memory_space<hbm>>
        tpu.enqueue_indirect_dma source(%dma_start3A_129 : memref<10000x128xf32, #tpu.memory_space<hbm>>) target(%arg12 : memref<80x128xf32, #tpu.memory_space<vmem>>) offsets(%dma_start3A_126 : memref<80xi32, #tpu.memory_space<vmem>>) semaphore(%arg16 : memref<!tpu.dma_semaphore, #tpu.memory_space<semaphore_mem>>)
        %gt3A_130 = arith.constant 0 : i32
        %gt3A_131 = arith.cmpi sgt, %add3A_87, %gt3A_130 : i32
        %convert_element_type3A_132 = arith.extui %gt3A_131 : i1 to i32
        %cond3A_133 = arith.constant 0 : i32
        %cond3A_134 = arith.cmpi ne, %convert_element_type3A_132, %cond3A_133 : i32
        scf.if %cond3A_134 {
          %dma_wait3A_201 = arith.constant 0 : i32
          %dma_wait3A_202 = arith.constant 0 : i32
          %dma_wait3A_203 = tpu.memref_slice %arg8[%dma_wait3A_201, %dma_wait3A_202] : memref<25x80xi32, #tpu.memory_space<vmem>> -> memref<1x80xi32, #tpu.memory_space<vmem>>
          %dma_wait3A_204 = tpu.memref_squeeze %dma_wait3A_203 : memref<1x80xi32, #tpu.memory_space<vmem>> -> memref<80xi32, #tpu.memory_space<vmem>>
          %dma_wait3A_205 = arith.constant 0 : i32
          %dma_wait3A_206 = arith.constant 0 : i32
          %dma_wait3A_207 = tpu.memref_slice %arg9[%dma_wait3A_205, %dma_wait3A_206] : memref<10000x128xf32, #tpu.memory_space<vmem_shared>> -> memref<10000x128xf32, #tpu.memory_space<vmem_shared>>
          tpu.wait_indirect_dma semaphore(%arg21 : memref<!tpu.dma_semaphore, #tpu.memory_space<semaphore_mem>>) src(%arg13 : memref<80x128xf32, #tpu.memory_space<vmem>>) dst(%dma_wait3A_207 : memref<10000x128xf32, #tpu.memory_space<vmem_shared>>)
        } else {
        }
        %mul3A_135 = arith.constant 4 : i32
        %mul3A_136 = arith.muli %add3A_87, %mul3A_135 : i32
        %add3A_137 = arith.constant 3 : i32
        %add3A_138 = arith.addi %mul3A_136, %add3A_137 : i32
        %mul3A_139 = arith.constant 80 : i32
        %mul3A_140 = arith.muli %add3A_138, %mul3A_139 : i32
        %dma_start3A_141 = tpu.memref_slice %arg7[%mul3A_140] : memref<2000xi32, #tpu.memory_space<vmem>> -> memref<80xi32, #tpu.memory_space<vmem>>
        %dma_start3A_142 = arith.constant 0 : i32
        %dma_start3A_143 = arith.constant 0 : i32
        %dma_start3A_144 = tpu.memref_slice %arg2[%dma_start3A_142, %dma_start3A_143] : memref<10000x128xf32, #tpu.memory_space<hbm>> -> memref<10000x128xf32, #tpu.memory_space<hbm>>
        tpu.enqueue_indirect_dma source(%dma_start3A_144 : memref<10000x128xf32, #tpu.memory_space<hbm>>) target(%arg13 : memref<80x128xf32, #tpu.memory_space<vmem>>) offsets(%dma_start3A_141 : memref<80xi32, #tpu.memory_space<vmem>>) semaphore(%arg17 : memref<!tpu.dma_semaphore, #tpu.memory_space<semaphore_mem>>)
        %dma_wait3A_145 = tpu.memref_slice %arg7[%mul3A_95] : memref<2000xi32, #tpu.memory_space<vmem>> -> memref<80xi32, #tpu.memory_space<vmem>>
        %dma_wait3A_146 = arith.constant 0 : i32
        %dma_wait3A_147 = arith.constant 0 : i32
        %dma_wait3A_148 = tpu.memref_slice %arg2[%dma_wait3A_146, %dma_wait3A_147] : memref<10000x128xf32, #tpu.memory_space<hbm>> -> memref<10000x128xf32, #tpu.memory_space<hbm>>
        tpu.wait_indirect_dma semaphore(%arg14 : memref<!tpu.dma_semaphore, #tpu.memory_space<semaphore_mem>>) src(%dma_wait3A_148 : memref<10000x128xf32, #tpu.memory_space<hbm>>) dst(%arg10 : memref<80x128xf32, #tpu.memory_space<vmem>>)
        %mul3A_149 = arith.constant 4 : i32
        %mul3A_150 = arith.muli %add3A_87, %mul3A_149 : i32
        %add3A_151 = arith.constant 0 : i32
        %add3A_152 = arith.addi %mul3A_150, %add3A_151 : i32
        %dma_start3A_153 = arith.constant 0 : i32
        %dma_start3A_154 = tpu.memref_slice %arg8[%add3A_152, %dma_start3A_153] : memref<25x80xi32, #tpu.memory_space<vmem>> -> memref<1x80xi32, #tpu.memory_space<vmem>>
        %dma_start3A_155 = tpu.memref_squeeze %dma_start3A_154 : memref<1x80xi32, #tpu.memory_space<vmem>> -> memref<80xi32, #tpu.memory_space<vmem>>
        %dma_start3A_156 = arith.constant 0 : i32
        %dma_start3A_157 = arith.constant 0 : i32
        %dma_start3A_158 = tpu.memref_slice %arg9[%dma_start3A_156, %dma_start3A_157] : memref<10000x128xf32, #tpu.memory_space<vmem_shared>> -> memref<10000x128xf32, #tpu.memory_space<vmem_shared>>
        tpu.enqueue_indirect_dma source(%arg10 : memref<80x128xf32, #tpu.memory_space<vmem>>) target(%dma_start3A_158 : memref<10000x128xf32, #tpu.memory_space<vmem_shared>>) offsets(%dma_start3A_155 : memref<80xi32, #tpu.memory_space<vmem>>) semaphore(%arg18 : memref<!tpu.dma_semaphore, #tpu.memory_space<semaphore_mem>>) {add = true}
        %dma_wait3A_159 = tpu.memref_slice %arg7[%mul3A_110] : memref<2000xi32, #tpu.memory_space<vmem>> -> memref<80xi32, #tpu.memory_space<vmem>>
        %dma_wait3A_160 = arith.constant 0 : i32
        %dma_wait3A_161 = arith.constant 0 : i32
        %dma_wait3A_162 = tpu.memref_slice %arg2[%dma_wait3A_160, %dma_wait3A_161] : memref<10000x128xf32, #tpu.memory_space<hbm>> -> memref<10000x128xf32, #tpu.memory_space<hbm>>
        tpu.wait_indirect_dma semaphore(%arg15 : memref<!tpu.dma_semaphore, #tpu.memory_space<semaphore_mem>>) src(%dma_wait3A_162 : memref<10000x128xf32, #tpu.memory_space<hbm>>) dst(%arg11 : memref<80x128xf32, #tpu.memory_space<vmem>>)
        %mul3A_163 = arith.constant 4 : i32
        %mul3A_164 = arith.muli %add3A_87, %mul3A_163 : i32
        %add3A_165 = arith.constant 1 : i32
        %add3A_166 = arith.addi %mul3A_164, %add3A_165 : i32
        %dma_start3A_167 = arith.constant 0 : i32
        %dma_start3A_168 = tpu.memref_slice %arg8[%add3A_166, %dma_start3A_167] : memref<25x80xi32, #tpu.memory_space<vmem>> -> memref<1x80xi32, #tpu.memory_space<vmem>>
        %dma_start3A_169 = tpu.memref_squeeze %dma_start3A_168 : memref<1x80xi32, #tpu.memory_space<vmem>> -> memref<80xi32, #tpu.memory_space<vmem>>
        %dma_start3A_170 = arith.constant 0 : i32
        %dma_start3A_171 = arith.constant 0 : i32
        %dma_start3A_172 = tpu.memref_slice %arg9[%dma_start3A_170, %dma_start3A_171] : memref<10000x128xf32, #tpu.memory_space<vmem_shared>> -> memref<10000x128xf32, #tpu.memory_space<vmem_shared>>
        tpu.enqueue_indirect_dma source(%arg11 : memref<80x128xf32, #tpu.memory_space<vmem>>) target(%dma_start3A_172 : memref<10000x128xf32, #tpu.memory_space<vmem_shared>>) offsets(%dma_start3A_169 : memref<80xi32, #tpu.memory_space<vmem>>) semaphore(%arg19 : memref<!tpu.dma_semaphore, #tpu.memory_space<semaphore_mem>>) {add = true}
        %dma_wait3A_173 = tpu.memref_slice %arg7[%mul3A_125] : memref<2000xi32, #tpu.memory_space<vmem>> -> memref<80xi32, #tpu.memory_space<vmem>>
        %dma_wait3A_174 = arith.constant 0 : i32
        %dma_wait3A_175 = arith.constant 0 : i32
        %dma_wait3A_176 = tpu.memref_slice %arg2[%dma_wait3A_174, %dma_wait3A_175] : memref<10000x128xf32, #tpu.memory_space<hbm>> -> memref<10000x128xf32, #tpu.memory_space<hbm>>
        tpu.wait_indirect_dma semaphore(%arg16 : memref<!tpu.dma_semaphore, #tpu.memory_space<semaphore_mem>>) src(%dma_wait3A_176 : memref<10000x128xf32, #tpu.memory_space<hbm>>) dst(%arg12 : memref<80x128xf32, #tpu.memory_space<vmem>>)
        %mul3A_177 = arith.constant 4 : i32
        %mul3A_178 = arith.muli %add3A_87, %mul3A_177 : i32
        %add3A_179 = arith.constant 2 : i32
        %add3A_180 = arith.addi %mul3A_178, %add3A_179 : i32
        %dma_start3A_181 = arith.constant 0 : i32
        %dma_start3A_182 = tpu.memref_slice %arg8[%add3A_180, %dma_start3A_181] : memref<25x80xi32, #tpu.memory_space<vmem>> -> memref<1x80xi32, #tpu.memory_space<vmem>>
        %dma_start3A_183 = tpu.memref_squeeze %dma_start3A_182 : memref<1x80xi32, #tpu.memory_space<vmem>> -> memref<80xi32, #tpu.memory_space<vmem>>
        %dma_start3A_184 = arith.constant 0 : i32
        %dma_start3A_185 = arith.constant 0 : i32
        %dma_start3A_186 = tpu.memref_slice %arg9[%dma_start3A_184, %dma_start3A_185] : memref<10000x128xf32, #tpu.memory_space<vmem_shared>> -> memref<10000x128xf32, #tpu.memory_space<vmem_shared>>
        tpu.enqueue_indirect_dma source(%arg12 : memref<80x128xf32, #tpu.memory_space<vmem>>) target(%dma_start3A_186 : memref<10000x128xf32, #tpu.memory_space<vmem_shared>>) offsets(%dma_start3A_183 : memref<80xi32, #tpu.memory_space<vmem>>) semaphore(%arg20 : memref<!tpu.dma_semaphore, #tpu.memory_space<semaphore_mem>>) {add = true}
        %dma_wait3A_187 = tpu.memref_slice %arg7[%mul3A_140] : memref<2000xi32, #tpu.memory_space<vmem>> -> memref<80xi32, #tpu.memory_space<vmem>>
        %dma_wait3A_188 = arith.constant 0 : i32
        %dma_wait3A_189 = arith.constant 0 : i32
        %dma_wait3A_190 = tpu.memref_slice %arg2[%dma_wait3A_188, %dma_wait3A_189] : memref<10000x128xf32, #tpu.memory_space<hbm>> -> memref<10000x128xf32, #tpu.memory_space<hbm>>
        tpu.wait_indirect_dma semaphore(%arg17 : memref<!tpu.dma_semaphore, #tpu.memory_space<semaphore_mem>>) src(%dma_wait3A_190 : memref<10000x128xf32, #tpu.memory_space<hbm>>) dst(%arg13 : memref<80x128xf32, #tpu.memory_space<vmem>>)
        %mul3A_191 = arith.constant 4 : i32
        %mul3A_192 = arith.muli %add3A_87, %mul3A_191 : i32
        %add3A_193 = arith.constant 3 : i32
        %add3A_194 = arith.addi %mul3A_192, %add3A_193 : i32
        %dma_start3A_195 = arith.constant 0 : i32
        %dma_start3A_196 = tpu.memref_slice %arg8[%add3A_194, %dma_start3A_195] : memref<25x80xi32, #tpu.memory_space<vmem>> -> memref<1x80xi32, #tpu.memory_space<vmem>>
        %dma_start3A_197 = tpu.memref_squeeze %dma_start3A_196 : memref<1x80xi32, #tpu.memory_space<vmem>> -> memref<80xi32, #tpu.memory_space<vmem>>
        %dma_start3A_198 = arith.constant 0 : i32
        %dma_start3A_199 = arith.constant 0 : i32
        %dma_start3A_200 = tpu.memref_slice %arg9[%dma_start3A_198, %dma_start3A_199] : memref<10000x128xf32, #tpu.memory_space<vmem_shared>> -> memref<10000x128xf32, #tpu.memory_space<vmem_shared>>
        tpu.enqueue_indirect_dma source(%arg13 : memref<80x128xf32, #tpu.memory_space<vmem>>) target(%dma_start3A_200 : memref<10000x128xf32, #tpu.memory_space<vmem_shared>>) offsets(%dma_start3A_197 : memref<80xi32, #tpu.memory_space<vmem>>) semaphore(%arg21 : memref<!tpu.dma_semaphore, #tpu.memory_space<semaphore_mem>>) {add = true}
      }
      %scan3A_32 = arith.constant 6 : i32
      %dma_wait3A = arith.constant 0 : i32
      %dma_wait3A_33 = arith.constant 0 : i32
      %dma_wait3A_34 = tpu.memref_slice %arg8[%dma_wait3A, %dma_wait3A_33] : memref<25x80xi32, #tpu.memory_space<vmem>> -> memref<1x80xi32, #tpu.memory_space<vmem>>
      %dma_wait3A_35 = tpu.memref_squeeze %dma_wait3A_34 : memref<1x80xi32, #tpu.memory_space<vmem>> -> memref<80xi32, #tpu.memory_space<vmem>>
      %dma_wait3A_36 = arith.constant 0 : i32
      %dma_wait3A_37 = arith.constant 0 : i32
      %dma_wait3A_38 = tpu.memref_slice %arg9[%dma_wait3A_36, %dma_wait3A_37] : memref<10000x128xf32, #tpu.memory_space<vmem_shared>> -> memref<10000x128xf32, #tpu.memory_space<vmem_shared>>
      tpu.wait_indirect_dma semaphore(%arg18 : memref<!tpu.dma_semaphore, #tpu.memory_space<semaphore_mem>>) src(%arg10 : memref<80x128xf32, #tpu.memory_space<vmem>>) dst(%dma_wait3A_38 : memref<10000x128xf32, #tpu.memory_space<vmem_shared>>)
      %dma_start3A = arith.constant 1920 : i32
      %dma_start3A_39 = tpu.memref_slice %arg7[%dma_start3A] : memref<2000xi32, #tpu.memory_space<vmem>> -> memref<80xi32, #tpu.memory_space<vmem>>
      %dma_start3A_40 = arith.constant 0 : i32
      %dma_start3A_41 = arith.constant 0 : i32
      %dma_start3A_42 = tpu.memref_slice %arg2[%dma_start3A_40, %dma_start3A_41] : memref<10000x128xf32, #tpu.memory_space<hbm>> -> memref<10000x128xf32, #tpu.memory_space<hbm>>
      tpu.enqueue_indirect_dma source(%dma_start3A_42 : memref<10000x128xf32, #tpu.memory_space<hbm>>) target(%arg10 : memref<80x128xf32, #tpu.memory_space<vmem>>) offsets(%dma_start3A_39 : memref<80xi32, #tpu.memory_space<vmem>>) semaphore(%arg14 : memref<!tpu.dma_semaphore, #tpu.memory_space<semaphore_mem>>)
      %dma_wait3A_43 = arith.constant 1920 : i32
      %dma_wait3A_44 = tpu.memref_slice %arg7[%dma_wait3A_43] : memref<2000xi32, #tpu.memory_space<vmem>> -> memref<80xi32, #tpu.memory_space<vmem>>
      %dma_wait3A_45 = arith.constant 0 : i32
      %dma_wait3A_46 = arith.constant 0 : i32
      %dma_wait3A_47 = tpu.memref_slice %arg2[%dma_wait3A_45, %dma_wait3A_46] : memref<10000x128xf32, #tpu.memory_space<hbm>> -> memref<10000x128xf32, #tpu.memory_space<hbm>>
      tpu.wait_indirect_dma semaphore(%arg14 : memref<!tpu.dma_semaphore, #tpu.memory_space<semaphore_mem>>) src(%dma_wait3A_47 : memref<10000x128xf32, #tpu.memory_space<hbm>>) dst(%arg10 : memref<80x128xf32, #tpu.memory_space<vmem>>)
      %dma_start3A_48 = arith.constant 24 : i32
      %dma_start3A_49 = arith.constant 0 : i32
      %dma_start3A_50 = tpu.memref_slice %arg8[%dma_start3A_48, %dma_start3A_49] : memref<25x80xi32, #tpu.memory_space<vmem>> -> memref<1x80xi32, #tpu.memory_space<vmem>>
      %dma_start3A_51 = tpu.memref_squeeze %dma_start3A_50 : memref<1x80xi32, #tpu.memory_space<vmem>> -> memref<80xi32, #tpu.memory_space<vmem>>
      %dma_start3A_52 = arith.constant 0 : i32
      %dma_start3A_53 = arith.constant 0 : i32
      %dma_start3A_54 = tpu.memref_slice %arg9[%dma_start3A_52, %dma_start3A_53] : memref<10000x128xf32, #tpu.memory_space<vmem_shared>> -> memref<10000x128xf32, #tpu.memory_space<vmem_shared>>
      tpu.enqueue_indirect_dma source(%arg10 : memref<80x128xf32, #tpu.memory_space<vmem>>) target(%dma_start3A_54 : memref<10000x128xf32, #tpu.memory_space<vmem_shared>>) offsets(%dma_start3A_51 : memref<80xi32, #tpu.memory_space<vmem>>) semaphore(%arg18 : memref<!tpu.dma_semaphore, #tpu.memory_space<semaphore_mem>>) {add = true}
      %dma_wait3A_55 = arith.constant 0 : i32
      %dma_wait3A_56 = arith.constant 0 : i32
      %dma_wait3A_57 = tpu.memref_slice %arg8[%dma_wait3A_55, %dma_wait3A_56] : memref<25x80xi32, #tpu.memory_space<vmem>> -> memref<1x80xi32, #tpu.memory_space<vmem>>
      %dma_wait3A_58 = tpu.memref_squeeze %dma_wait3A_57 : memref<1x80xi32, #tpu.memory_space<vmem>> -> memref<80xi32, #tpu.memory_space<vmem>>
      %dma_wait3A_59 = arith.constant 0 : i32
      %dma_wait3A_60 = arith.constant 0 : i32
      %dma_wait3A_61 = tpu.memref_slice %arg9[%dma_wait3A_59, %dma_wait3A_60] : memref<10000x128xf32, #tpu.memory_space<vmem_shared>> -> memref<10000x128xf32, #tpu.memory_space<vmem_shared>>
      tpu.wait_indirect_dma semaphore(%arg19 : memref<!tpu.dma_semaphore, #tpu.memory_space<semaphore_mem>>) src(%arg11 : memref<80x128xf32, #tpu.memory_space<vmem>>) dst(%dma_wait3A_61 : memref<10000x128xf32, #tpu.memory_space<vmem_shared>>)
      %dma_wait3A_62 = arith.constant 0 : i32
      %dma_wait3A_63 = arith.constant 0 : i32
      %dma_wait3A_64 = tpu.memref_slice %arg8[%dma_wait3A_62, %dma_wait3A_63] : memref<25x80xi32, #tpu.memory_space<vmem>> -> memref<1x80xi32, #tpu.memory_space<vmem>>
      %dma_wait3A_65 = tpu.memref_squeeze %dma_wait3A_64 : memref<1x80xi32, #tpu.memory_space<vmem>> -> memref<80xi32, #tpu.memory_space<vmem>>
      %dma_wait3A_66 = arith.constant 0 : i32
      %dma_wait3A_67 = arith.constant 0 : i32
      %dma_wait3A_68 = tpu.memref_slice %arg9[%dma_wait3A_66, %dma_wait3A_67] : memref<10000x128xf32, #tpu.memory_space<vmem_shared>> -> memref<10000x128xf32, #tpu.memory_space<vmem_shared>>
      tpu.wait_indirect_dma semaphore(%arg20 : memref<!tpu.dma_semaphore, #tpu.memory_space<semaphore_mem>>) src(%arg12 : memref<80x128xf32, #tpu.memory_space<vmem>>) dst(%dma_wait3A_68 : memref<10000x128xf32, #tpu.memory_space<vmem_shared>>)
      %dma_wait3A_69 = arith.constant 0 : i32
      %dma_wait3A_70 = arith.constant 0 : i32
      %dma_wait3A_71 = tpu.memref_slice %arg8[%dma_wait3A_69, %dma_wait3A_70] : memref<25x80xi32, #tpu.memory_space<vmem>> -> memref<1x80xi32, #tpu.memory_space<vmem>>
      %dma_wait3A_72 = tpu.memref_squeeze %dma_wait3A_71 : memref<1x80xi32, #tpu.memory_space<vmem>> -> memref<80xi32, #tpu.memory_space<vmem>>
      %dma_wait3A_73 = arith.constant 0 : i32
      %dma_wait3A_74 = arith.constant 0 : i32
      %dma_wait3A_75 = tpu.memref_slice %arg9[%dma_wait3A_73, %dma_wait3A_74] : memref<10000x128xf32, #tpu.memory_space<vmem_shared>> -> memref<10000x128xf32, #tpu.memory_space<vmem_shared>>
      tpu.wait_indirect_dma semaphore(%arg21 : memref<!tpu.dma_semaphore, #tpu.memory_space<semaphore_mem>>) src(%arg13 : memref<80x128xf32, #tpu.memory_space<vmem>>) dst(%dma_wait3A_75 : memref<10000x128xf32, #tpu.memory_space<vmem_shared>>)
      %dma_wait3A_76 = arith.constant 0 : i32
      %dma_wait3A_77 = arith.constant 0 : i32
      %dma_wait3A_78 = tpu.memref_slice %arg8[%dma_wait3A_76, %dma_wait3A_77] : memref<25x80xi32, #tpu.memory_space<vmem>> -> memref<1x80xi32, #tpu.memory_space<vmem>>
      %dma_wait3A_79 = tpu.memref_squeeze %dma_wait3A_78 : memref<1x80xi32, #tpu.memory_space<vmem>> -> memref<80xi32, #tpu.memory_space<vmem>>
      %dma_wait3A_80 = arith.constant 0 : i32
      %dma_wait3A_81 = arith.constant 0 : i32
      %dma_wait3A_82 = tpu.memref_slice %arg9[%dma_wait3A_80, %dma_wait3A_81] : memref<10000x128xf32, #tpu.memory_space<vmem_shared>> -> memref<10000x128xf32, #tpu.memory_space<vmem_shared>>
      tpu.wait_indirect_dma semaphore(%arg18 : memref<!tpu.dma_semaphore, #tpu.memory_space<semaphore_mem>>) src(%arg10 : memref<80x128xf32, #tpu.memory_space<vmem>>) dst(%dma_wait3A_82 : memref<10000x128xf32, #tpu.memory_space<vmem_shared>>)
    }
    %scan3A_13 = arith.constant 5 : i32
    %barrier3A_14 = arith.constant 0 : index
    tpu.barrier barrier_id(%barrier3A_14)
    %scan3A_15 = arith.constant 0 : i32
    %scan3A_16 = arith.constant 8 : i32
    %scan3A_17 = arith.addi %scan3A_15, %scan3A_16 : i32
    %scan3A_18 = arith.constant 1 : i32
    scf.for %scan3A_20 = %scan3A_15 to %scan3A_17 step %scan3A_18  : i32 {
      %mul3A_21 = arith.constant 1 : i32
      %mul3A_22 = arith.muli %scan3A_20, %mul3A_21 : i32
      %add3A_23 = arith.constant 0 : i32
      %add3A_24 = arith.addi %add3A_23, %mul3A_22 : i32
      %mul3A_25 = arith.constant 80 : i32
      %mul3A_26 = arith.muli %add3A_24, %mul3A_25 : i32
      %add3A_27 = arith.addi %mul3A_4, %mul3A_26 : i32
      "tpu.region"() ({
        %run_scoped3A = tpu.sem_alloc : memref<!tpu.dma_semaphore, #tpu.memory_space<semaphore_mem>>
        %dma_start3A = arith.constant 0 : i32
        %dma_start3A_31 = tpu.memref_slice %arg9[%add3A_27, %dma_start3A] : memref<10000x128xf32, #tpu.memory_space<vmem_shared>> -> memref<80x128xf32, #tpu.memory_space<vmem_shared>>
        %dma_start3A_32 = arith.constant 0 : i32
        %dma_start3A_33 = tpu.memref_slice %arg9[%add3A_27, %dma_start3A_32] : memref<10000x128xf32, #tpu.memory_space<vmem_shared>> -> memref<80x128xf32, #tpu.memory_space<vmem_shared>>
        tpu.enqueue_dma source(%dma_start3A_33 : memref<80x128xf32, #tpu.memory_space<vmem_shared>>) target(%arg10 : memref<80x128xf32, #tpu.memory_space<vmem>>) target_semaphore(%run_scoped3A : memref<!tpu.dma_semaphore, #tpu.memory_space<semaphore_mem>>)
        %dma_wait3A = arith.constant 0 : i32
        %dma_wait3A_34 = tpu.memref_slice %arg9[%add3A_27, %dma_wait3A] : memref<10000x128xf32, #tpu.memory_space<vmem_shared>> -> memref<80x128xf32, #tpu.memory_space<vmem_shared>>
        %dma_wait3A_35 = arith.constant 0 : i32
        %dma_wait3A_36 = tpu.memref_slice %arg9[%add3A_27, %dma_wait3A_35] : memref<10000x128xf32, #tpu.memory_space<vmem_shared>> -> memref<80x128xf32, #tpu.memory_space<vmem_shared>>
        tpu.wait_dma2 semaphore(%run_scoped3A : memref<!tpu.dma_semaphore, #tpu.memory_space<semaphore_mem>>) src(%dma_wait3A_36 : memref<80x128xf32, #tpu.memory_space<vmem_shared>>) dst(%arg10 : memref<80x128xf32, #tpu.memory_space<vmem>>)
        tpu.yield
      }) : () -> ()
      %mul3A_28 = arith.constant 80 : i32
      %mul3A_29 = arith.muli %add3A_24, %mul3A_28 : i32
      %add3A_30 = arith.addi %mul3A_4, %mul3A_29 : i32
      "tpu.region"() ({
        %run_scoped3A = tpu.sem_alloc : memref<!tpu.dma_semaphore, #tpu.memory_space<semaphore_mem>>
        %dma_start3A = arith.constant 0 : i32
        %dma_start3A_31 = tpu.memref_slice %arg6[%arg0, %add3A_30, %dma_start3A] : memref<2x10000x128xf32, #tpu.memory_space<hbm>> -> memref<1x80x128xf32, #tpu.memory_space<hbm>>
        %dma_start3A_32 = tpu.memref_squeeze %dma_start3A_31 : memref<1x80x128xf32, #tpu.memory_space<hbm>> -> memref<80x128xf32, #tpu.memory_space<hbm>>
        %dma_start3A_33 = arith.constant 0 : i32
        %dma_start3A_34 = tpu.memref_slice %arg6[%arg0, %add3A_30, %dma_start3A_33] : memref<2x10000x128xf32, #tpu.memory_space<hbm>> -> memref<1x80x128xf32, #tpu.memory_space<hbm>>
        %dma_start3A_35 = tpu.memref_squeeze %dma_start3A_34 : memref<1x80x128xf32, #tpu.memory_space<hbm>> -> memref<80x128xf32, #tpu.memory_space<hbm>>
        tpu.enqueue_dma source(%arg10 : memref<80x128xf32, #tpu.memory_space<vmem>>) target(%dma_start3A_35 : memref<80x128xf32, #tpu.memory_space<hbm>>) target_semaphore(%run_scoped3A : memref<!tpu.dma_semaphore, #tpu.memory_space<semaphore_mem>>)
        %dma_wait3A = arith.constant 0 : i32
        %dma_wait3A_36 = tpu.memref_slice %arg6[%arg0, %add3A_30, %dma_wait3A] : memref<2x10000x128xf32, #tpu.memory_space<hbm>> -> memref<1x80x128xf32, #tpu.memory_space<hbm>>
        %dma_wait3A_37 = tpu.memref_squeeze %dma_wait3A_36 : memref<1x80x128xf32, #tpu.memory_space<hbm>> -> memref<80x128xf32, #tpu.memory_space<hbm>>
        %dma_wait3A_38 = arith.constant 0 : i32
        %dma_wait3A_39 = tpu.memref_slice %arg6[%arg0, %add3A_30, %dma_wait3A_38] : memref<2x10000x128xf32, #tpu.memory_space<hbm>> -> memref<1x80x128xf32, #tpu.memory_space<hbm>>
        %dma_wait3A_40 = tpu.memref_squeeze %dma_wait3A_39 : memref<1x80x128xf32, #tpu.memory_space<hbm>> -> memref<80x128xf32, #tpu.memory_space<hbm>>
        tpu.wait_dma2 semaphore(%run_scoped3A : memref<!tpu.dma_semaphore, #tpu.memory_space<semaphore_mem>>) src(%arg10 : memref<80x128xf32, #tpu.memory_space<vmem>>) dst(%dma_wait3A_40 : memref<80x128xf32, #tpu.memory_space<hbm>>)
        tpu.yield
      }) : () -> ()
    }
    %scan3A_19 = arith.constant 8 : i32
    return
  }
}

module attributes {stable_mosaic.version = 14 : i64} {
  func.func @_tc_layer_body(%arg0: i32, %arg1: memref<2x1000x128xf32, #tpu.memory_space<vmem>>, %arg2: memref<1000x1xf32, #tpu.memory_space<vmem>>, %arg3: memref<1000x128xf32, #tpu.memory_space<vmem>>, %arg4: memref<128x128xf32, #tpu.memory_space<vmem>>, %arg5: memref<1x128xf32, #tpu.memory_space<vmem>>, %arg6: memref<128x128xf32, #tpu.memory_space<vmem>>, %arg7: memref<1000x128xf32, #tpu.memory_space<vmem>>) attributes {dimension_semantics = [#tpu.dimension_semantics<arbitrary>], iteration_bounds = array<i64: 10>, scalar_prefetch = 0 : i64, scratch_operands = 0 : i64, tpu.core_type = #tpu.core_type<tc>, window_params = [{transform_indices = @transform_0, window_bounds = array<i64: 2, 1000, 128>}, {transform_indices = @transform_1, window_bounds = array<i64: 1000, 1>}, {transform_indices = @transform_2, window_bounds = array<i64: 1000, 128>}, {pipeline_mode = #tpu.pipeline_mode<synchronous>, transform_indices = @transform_3, window_bounds = array<i64: 128, 128>}, {pipeline_mode = #tpu.pipeline_mode<synchronous>, transform_indices = @transform_4, window_bounds = array<i64: 1, 128>}, {pipeline_mode = #tpu.pipeline_mode<synchronous>, transform_indices = @transform_5, window_bounds = array<i64: 128, 128>}, {transform_indices = @transform_6, window_bounds = array<i64: 1000, 128>}]} {
    %get3A = arith.constant 0 : index
    %get3A_0 = arith.constant 0 : index
    %get3A_1 = arith.constant 0 : index
    %get3A_2 = vector.load %arg1[%get3A, %get3A_0, %get3A_1] : memref<2x1000x128xf32, #tpu.memory_space<vmem>>, vector<1x1000x128xf32>
    %get3A_3 = vector.shape_cast %get3A_2 : vector<1x1000x128xf32> to vector<1000x128xf32>
    %get3A_4 = arith.constant 1 : index
    %get3A_5 = arith.constant 0 : index
    %get3A_6 = arith.constant 0 : index
    %get3A_7 = vector.load %arg1[%get3A_4, %get3A_5, %get3A_6] : memref<2x1000x128xf32, #tpu.memory_space<vmem>>, vector<1x1000x128xf32>
    %get3A_8 = vector.shape_cast %get3A_7 : vector<1x1000x128xf32> to vector<1000x128xf32>
    %add3A = arith.addf %get3A_3, %get3A_8 : vector<1000x128xf32>
    %get3A_9 = arith.constant 0 : index
    %get3A_10 = arith.constant 0 : index
    %get3A_11 = vector.load %arg2[%get3A_9, %get3A_10] : memref<1000x1xf32, #tpu.memory_space<vmem>>, vector<1000x1xf32>
    %max3A = arith.constant 1.000000e+00 : f32
    %max3A_12 = vector.broadcast %max3A : f32 to vector<1000x1xf32>
    %max3A_13 = arith.maximumf %get3A_11, %max3A_12 : vector<1000x1xf32>
    %div3A = vector.broadcast %max3A_13 : vector<1000x1xf32> to vector<1000x128xf32>
    %div3A_14 = arith.divf %add3A, %div3A : vector<1000x128xf32>
    %get3A_15 = arith.constant 0 : index
    %get3A_16 = arith.constant 0 : index
    %get3A_17 = vector.load %arg4[%get3A_15, %get3A_16] : memref<128x128xf32, #tpu.memory_space<vmem>>, vector<128x128xf32>
    %dot_general3A = arith.constant dense<0.000000e+00> : vector<1000x128xf32>
    %dot_general3A_18 = tpu.matmul %div3A_14, %get3A_17, %dot_general3A {dimension_numbers = #tpu.dot_dimension_numbers<[1], [0], [0], [1], [0, 0, 1, 1], [], []>, transpose_lhs_hint = false} : vector<1000x128xf32>, vector<128x128xf32>, vector<1000x128xf32> -> vector<1000x128xf32>
    %get3A_19 = arith.constant 0 : index
    %get3A_20 = arith.constant 0 : index
    %get3A_21 = vector.load %arg3[%get3A_19, %get3A_20] : memref<1000x128xf32, #tpu.memory_space<vmem>>, vector<1000x128xf32>
    %get3A_22 = arith.constant 0 : index
    %get3A_23 = arith.constant 0 : index
    %get3A_24 = vector.load %arg6[%get3A_22, %get3A_23] : memref<128x128xf32, #tpu.memory_space<vmem>>, vector<128x128xf32>
    %dot_general3A_25 = arith.constant dense<0.000000e+00> : vector<1000x128xf32>
    %dot_general3A_26 = tpu.matmul %get3A_21, %get3A_24, %dot_general3A_25 {dimension_numbers = #tpu.dot_dimension_numbers<[1], [0], [0], [1], [0, 0, 1, 1], [], []>, transpose_lhs_hint = false} : vector<1000x128xf32>, vector<128x128xf32>, vector<1000x128xf32> -> vector<1000x128xf32>
    %add3A_27 = arith.addf %dot_general3A_18, %dot_general3A_26 : vector<1000x128xf32>
    %get3A_28 = arith.constant 0 : index
    %get3A_29 = arith.constant 0 : index
    %get3A_30 = vector.load %arg5[%get3A_28, %get3A_29] : memref<1x128xf32, #tpu.memory_space<vmem>>, vector<1x128xf32>
    %add3A_31 = vector.broadcast %get3A_30 : vector<1x128xf32> to vector<1000x128xf32>
    %add3A_32 = arith.addf %add3A_27, %add3A_31 : vector<1000x128xf32>
    %mul3A = arith.mulf %add3A_32, %add3A_32 : vector<1000x128xf32>
    %reduce_sum3A = arith.constant dense<0.000000e+00> : vector<1000xf32>
    %reduce_sum3A_33 = vector.multi_reduction <add>, %mul3A, %reduce_sum3A [1] : vector<1000x128xf32> to vector<1000xf32>
    %broadcast_in_dim3A = vector.shape_cast %reduce_sum3A_33 : vector<1000xf32> to vector<1000x1xf32>
    %sqrt3A = math.sqrt %broadcast_in_dim3A : vector<1000x1xf32>
    %max3A_34 = arith.constant 9.99999996E-13 : f32
    %max3A_35 = vector.broadcast %max3A_34 : f32 to vector<1000x1xf32>
    %max3A_36 = arith.maximumf %sqrt3A, %max3A_35 : vector<1000x1xf32>
    %div3A_37 = vector.broadcast %max3A_36 : vector<1000x1xf32> to vector<1000x128xf32>
    %div3A_38 = arith.divf %add3A_32, %div3A_37 : vector<1000x128xf32>
    %max3A_39 = arith.constant 0.000000e+00 : f32
    %max3A_40 = vector.broadcast %max3A_39 : f32 to vector<1000x128xf32>
    %max3A_41 = arith.maximumf %div3A_38, %max3A_40 : vector<1000x128xf32>
    %swap3A = arith.constant 0 : index
    %swap3A_42 = arith.constant 0 : index
    %swap3A_43 = vector.load %arg7[%swap3A, %swap3A_42] : memref<1000x128xf32, #tpu.memory_space<vmem>>, vector<1000x128xf32>
    tpu.vector_store %arg7[%swap3A, %swap3A_42], %max3A_41 {strides = array<i32>} : memref<1000x128xf32, #tpu.memory_space<vmem>>, vector<1000x128xf32>,
    return
  }
  func.func @transform_0(%arg0: i32) -> (i32, i32, i32) {
    %c0_i32 = arith.constant 0 : i32
    %c0_i32_0 = arith.constant 0 : i32
    %c0_i32_1 = arith.constant 0 : i32
    return %c0_i32, %arg0, %c0_i32_0 : i32, i32, i32
  }
  func.func @transform_1(%arg0: i32) -> (i32, i32) {
    %c0_i32 = arith.constant 0 : i32
    %c0_i32_0 = arith.constant 0 : i32
    return %arg0, %c0_i32 : i32, i32
  }
  func.func @transform_2(%arg0: i32) -> (i32, i32) {
    %c0_i32 = arith.constant 0 : i32
    %c0_i32_0 = arith.constant 0 : i32
    return %arg0, %c0_i32 : i32, i32
  }
  func.func @transform_3(%arg0: i32) -> (i32, i32) {
    %c0_i32 = arith.constant 0 : i32
    %c0_i32_0 = arith.constant 0 : i32
    %c0_i32_1 = arith.constant 0 : i32
    return %c0_i32, %c0_i32_0 : i32, i32
  }
  func.func @transform_4(%arg0: i32) -> (i32, i32) {
    %c0_i32 = arith.constant 0 : i32
    %c0_i32_0 = arith.constant 0 : i32
    %c0_i32_1 = arith.constant 0 : i32
    return %c0_i32, %c0_i32_0 : i32, i32
  }
  func.func @transform_5(%arg0: i32) -> (i32, i32) {
    %c0_i32 = arith.constant 0 : i32
    %c0_i32_0 = arith.constant 0 : i32
    %c0_i32_1 = arith.constant 0 : i32
    return %c0_i32, %c0_i32_0 : i32, i32
  }
  func.func @transform_6(%arg0: i32) -> (i32, i32) {
    %c0_i32 = arith.constant 0 : i32
    %c0_i32_0 = arith.constant 0 : i32
    return %arg0, %c0_i32 : i32, i32
  }
}

module attributes {stable_mosaic.version = 14 : i64} {
  func.func @_tc_layer_pool_body(%arg0: i32, %arg1: memref<2x1000x128xf32, #tpu.memory_space<vmem>>, %arg2: memref<1000x1xf32, #tpu.memory_space<vmem>>, %arg3: memref<1000x128xf32, #tpu.memory_space<vmem>>, %arg4: memref<128x128xf32, #tpu.memory_space<vmem>>, %arg5: memref<1x128xf32, #tpu.memory_space<vmem>>, %arg6: memref<128x128xf32, #tpu.memory_space<vmem>>, %arg7: memref<1x1x1000xi32, #tpu.memory_space<vmem>>, %arg8: memref<128x64xf32, #tpu.memory_space<vmem>>, %arg9: memref<1x64xf32, #tpu.memory_space<vmem>>, %arg10: memref<64x64xf32, #tpu.memory_space<vmem>>, %arg11: memref<64x128xf32, #tpu.memory_space<vmem>>, %arg12: memref<64x1xf32, #tpu.memory_space<vmem>>) attributes {dimension_semantics = [#tpu.dimension_semantics<arbitrary>], iteration_bounds = array<i64: 10>, scalar_prefetch = 0 : i64, scratch_operands = 2 : i64, tpu.core_type = #tpu.core_type<tc>, window_params = [{transform_indices = @transform_0, window_bounds = array<i64: 2, 1000, 128>}, {transform_indices = @transform_1, window_bounds = array<i64: 1000, 1>}, {transform_indices = @transform_2, window_bounds = array<i64: 1000, 128>}, {pipeline_mode = #tpu.pipeline_mode<synchronous>, transform_indices = @transform_3, window_bounds = array<i64: 128, 128>}, {pipeline_mode = #tpu.pipeline_mode<synchronous>, transform_indices = @transform_4, window_bounds = array<i64: 1, 128>}, {pipeline_mode = #tpu.pipeline_mode<synchronous>, transform_indices = @transform_5, window_bounds = array<i64: 128, 128>}, {transform_indices = @transform_6, window_bounds = array<i64: 1, 1, 1000>}, {pipeline_mode = #tpu.pipeline_mode<synchronous>, transform_indices = @transform_7, window_bounds = array<i64: 128, 64>}, {pipeline_mode = #tpu.pipeline_mode<synchronous>, transform_indices = @transform_8, window_bounds = array<i64: 1, 64>}, {pipeline_mode = #tpu.pipeline_mode<synchronous>, transform_indices = @transform_9, window_bounds = array<i64: 64, 64>}]} {
    %get3A = arith.constant 0 : index
    %get3A_0 = arith.constant 0 : index
    %get3A_1 = arith.constant 0 : index
    %get3A_2 = vector.load %arg1[%get3A, %get3A_0, %get3A_1] : memref<2x1000x128xf32, #tpu.memory_space<vmem>>, vector<1x1000x128xf32>
    %get3A_3 = vector.shape_cast %get3A_2 : vector<1x1000x128xf32> to vector<1000x128xf32>
    %get3A_4 = arith.constant 1 : index
    %get3A_5 = arith.constant 0 : index
    %get3A_6 = arith.constant 0 : index
    %get3A_7 = vector.load %arg1[%get3A_4, %get3A_5, %get3A_6] : memref<2x1000x128xf32, #tpu.memory_space<vmem>>, vector<1x1000x128xf32>
    %get3A_8 = vector.shape_cast %get3A_7 : vector<1x1000x128xf32> to vector<1000x128xf32>
    %add3A = arith.addf %get3A_3, %get3A_8 : vector<1000x128xf32>
    %get3A_9 = arith.constant 0 : index
    %get3A_10 = arith.constant 0 : index
    %get3A_11 = vector.load %arg2[%get3A_9, %get3A_10] : memref<1000x1xf32, #tpu.memory_space<vmem>>, vector<1000x1xf32>
    %max3A = arith.constant 1.000000e+00 : f32
    %max3A_12 = vector.broadcast %max3A : f32 to vector<1000x1xf32>
    %max3A_13 = arith.maximumf %get3A_11, %max3A_12 : vector<1000x1xf32>
    %div3A = vector.broadcast %max3A_13 : vector<1000x1xf32> to vector<1000x128xf32>
    %div3A_14 = arith.divf %add3A, %div3A : vector<1000x128xf32>
    %get3A_15 = arith.constant 0 : index
    %get3A_16 = arith.constant 0 : index
    %get3A_17 = vector.load %arg4[%get3A_15, %get3A_16] : memref<128x128xf32, #tpu.memory_space<vmem>>, vector<128x128xf32>
    %dot_general3A = arith.constant dense<0.000000e+00> : vector<1000x128xf32>
    %dot_general3A_18 = tpu.matmul %div3A_14, %get3A_17, %dot_general3A {dimension_numbers = #tpu.dot_dimension_numbers<[1], [0], [0], [1], [0, 0, 1, 1], [], []>, transpose_lhs_hint = false} : vector<1000x128xf32>, vector<128x128xf32>, vector<1000x128xf32> -> vector<1000x128xf32>
    %get3A_19 = arith.constant 0 : index
    %get3A_20 = arith.constant 0 : index
    %get3A_21 = vector.load %arg3[%get3A_19, %get3A_20] : memref<1000x128xf32, #tpu.memory_space<vmem>>, vector<1000x128xf32>
    %get3A_22 = arith.constant 0 : index
    %get3A_23 = arith.constant 0 : index
    %get3A_24 = vector.load %arg6[%get3A_22, %get3A_23] : memref<128x128xf32, #tpu.memory_space<vmem>>, vector<128x128xf32>
    %dot_general3A_25 = arith.constant dense<0.000000e+00> : vector<1000x128xf32>
    %dot_general3A_26 = tpu.matmul %get3A_21, %get3A_24, %dot_general3A_25 {dimension_numbers = #tpu.dot_dimension_numbers<[1], [0], [0], [1], [0, 0, 1, 1], [], []>, transpose_lhs_hint = false} : vector<1000x128xf32>, vector<128x128xf32>, vector<1000x128xf32> -> vector<1000x128xf32>
    %add3A_27 = arith.addf %dot_general3A_18, %dot_general3A_26 : vector<1000x128xf32>
    %get3A_28 = arith.constant 0 : index
    %get3A_29 = arith.constant 0 : index
    %get3A_30 = vector.load %arg5[%get3A_28, %get3A_29] : memref<1x128xf32, #tpu.memory_space<vmem>>, vector<1x128xf32>
    %add3A_31 = vector.broadcast %get3A_30 : vector<1x128xf32> to vector<1000x128xf32>
    %add3A_32 = arith.addf %add3A_27, %add3A_31 : vector<1000x128xf32>
    %mul3A = arith.mulf %add3A_32, %add3A_32 : vector<1000x128xf32>
    %reduce_sum3A = arith.constant dense<0.000000e+00> : vector<1000xf32>
    %reduce_sum3A_33 = vector.multi_reduction <add>, %mul3A, %reduce_sum3A [1] : vector<1000x128xf32> to vector<1000xf32>
    %broadcast_in_dim3A = vector.shape_cast %reduce_sum3A_33 : vector<1000xf32> to vector<1000x1xf32>
    %sqrt3A = math.sqrt %broadcast_in_dim3A : vector<1000x1xf32>
    %max3A_34 = arith.constant 9.99999996E-13 : f32
    %max3A_35 = vector.broadcast %max3A_34 : f32 to vector<1000x1xf32>
    %max3A_36 = arith.maximumf %sqrt3A, %max3A_35 : vector<1000x1xf32>
    %div3A_37 = vector.broadcast %max3A_36 : vector<1000x1xf32> to vector<1000x128xf32>
    %div3A_38 = arith.divf %add3A_32, %div3A_37 : vector<1000x128xf32>
    %max3A_39 = arith.constant 0.000000e+00 : f32
    %max3A_40 = vector.broadcast %max3A_39 : f32 to vector<1000x128xf32>
    %max3A_41 = arith.maximumf %div3A_38, %max3A_40 : vector<1000x128xf32>
    %eq3A = arith.constant 0 : i32
    %eq3A_42 = arith.cmpi eq, %arg0, %eq3A : i32
    %convert_element_type3A = arith.extui %eq3A_42 : i1 to i32
    %cond3A = arith.constant 0 : i32
    %cond3A_43 = arith.cmpi ne, %convert_element_type3A, %cond3A : i32
    scf.if %cond3A_43 {
      %broadcast_in_dim3A_76 = arith.constant 0.000000e+00 : f32
      %broadcast_in_dim3A_77 = vector.broadcast %broadcast_in_dim3A_76 : f32 to vector<64x128xf32>
      %swap3A_78 = arith.constant 0 : index
      %swap3A_79 = arith.constant 0 : index
      %swap3A_80 = vector.load %arg11[%swap3A_78, %swap3A_79] : memref<64x128xf32, #tpu.memory_space<vmem>>, vector<64x128xf32>
      tpu.vector_store %arg11[%swap3A_78, %swap3A_79], %broadcast_in_dim3A_77 {strides = array<i32>} : memref<64x128xf32, #tpu.memory_space<vmem>>, vector<64x128xf32>,
      %broadcast_in_dim3A_81 = arith.constant 0.000000e+00 : f32
      %broadcast_in_dim3A_82 = vector.broadcast %broadcast_in_dim3A_81 : f32 to vector<64x1xf32>
      %swap3A_83 = arith.constant 0 : index
      %swap3A_84 = arith.constant 0 : index
      %swap3A_85 = vector.load %arg12[%swap3A_83, %swap3A_84] : memref<64x1xf32, #tpu.memory_space<vmem>>, vector<64x1xf32>
      tpu.vector_store %arg12[%swap3A_83, %swap3A_84], %broadcast_in_dim3A_82 {strides = array<i32>} : memref<64x1xf32, #tpu.memory_space<vmem>>, vector<64x1xf32>,
    } else {
    }
    %get3A_44 = arith.constant 0 : index
    %get3A_45 = arith.constant 0 : index
    %get3A_46 = arith.constant 0 : index
    %get3A_47 = vector.load %arg7[%get3A_44, %get3A_45, %get3A_46] : memref<1x1x1000xi32, #tpu.memory_space<vmem>>, vector<1x1x1000xi32>
    %get3A_48 = vector.shape_cast %get3A_47 : vector<1x1x1000xi32> to vector<1x1000xi32>
    %iota3A = tpu.iota {dimensions = array<i32: 0>} : vector<64x1000xi32>
    %eq3A_49 = vector.broadcast %get3A_48 : vector<1x1000xi32> to vector<64x1000xi32>
    %eq3A_50 = arith.cmpi eq, %iota3A, %eq3A_49 : vector<64x1000xi32>
    %convert_element_type3A_51 = arith.extui %eq3A_50 : vector<64x1000xi1> to vector<64x1000xi32>
    %convert_element_type3A_52 = arith.sitofp %convert_element_type3A_51 : vector<64x1000xi32> to vector<64x1000xf32>
    %get3A_53 = arith.constant 0 : index
    %get3A_54 = arith.constant 0 : index
    %get3A_55 = vector.load %arg11[%get3A_53, %get3A_54] : memref<64x128xf32, #tpu.memory_space<vmem>>, vector<64x128xf32>
    %dot_general3A_56 = arith.constant dense<0.000000e+00> : vector<64x128xf32>
    %dot_general3A_57 = tpu.matmul %convert_element_type3A_52, %max3A_41, %dot_general3A_56 {dimension_numbers = #tpu.dot_dimension_numbers<[1], [0], [0], [1], [0, 0, 1, 1], [], []>, transpose_lhs_hint = false} : vector<64x1000xf32>, vector<1000x128xf32>, vector<64x128xf32> -> vector<64x128xf32>
    %add3A_58 = arith.addf %get3A_55, %dot_general3A_57 : vector<64x128xf32>
    %swap3A = arith.constant 0 : index
    %swap3A_59 = arith.constant 0 : index
    %swap3A_60 = vector.load %arg11[%swap3A, %swap3A_59] : memref<64x128xf32, #tpu.memory_space<vmem>>, vector<64x128xf32>
    tpu.vector_store %arg11[%swap3A, %swap3A_59], %add3A_58 {strides = array<i32>} : memref<64x128xf32, #tpu.memory_space<vmem>>, vector<64x128xf32>,
    %get3A_61 = arith.constant 0 : index
    %get3A_62 = arith.constant 0 : index
    %get3A_63 = vector.load %arg12[%get3A_61, %get3A_62] : memref<64x1xf32, #tpu.memory_space<vmem>>, vector<64x1xf32>
    %reduce_sum3A_64 = arith.constant dense<0.000000e+00> : vector<64xf32>
    %reduce_sum3A_65 = vector.multi_reduction <add>, %convert_element_type3A_52, %reduce_sum3A_64 [1] : vector<64x1000xf32> to vector<64xf32>
    %broadcast_in_dim3A_66 = vector.shape_cast %reduce_sum3A_65 : vector<64xf32> to vector<64x1xf32>
    %add3A_67 = arith.addf %get3A_63, %broadcast_in_dim3A_66 : vector<64x1xf32>
    %swap3A_68 = arith.constant 0 : index
    %swap3A_69 = arith.constant 0 : index
    %swap3A_70 = vector.load %arg12[%swap3A_68, %swap3A_69] : memref<64x1xf32, #tpu.memory_space<vmem>>, vector<64x1xf32>
    tpu.vector_store %arg12[%swap3A_68, %swap3A_69], %add3A_67 {strides = array<i32>} : memref<64x1xf32, #tpu.memory_space<vmem>>, vector<64x1xf32>,
    %eq3A_71 = arith.constant 9 : i32
    %eq3A_72 = arith.cmpi eq, %arg0, %eq3A_71 : i32
    %convert_element_type3A_73 = arith.extui %eq3A_72 : i1 to i32
    %cond3A_74 = arith.constant 0 : i32
    %cond3A_75 = arith.cmpi ne, %convert_element_type3A_73, %cond3A_74 : i32
    scf.if %cond3A_75 {
      %get3A_76 = arith.constant 0 : index
      %get3A_77 = arith.constant 0 : index
      %get3A_78 = vector.load %arg11[%get3A_76, %get3A_77] : memref<64x128xf32, #tpu.memory_space<vmem>>, vector<64x128xf32>
      %get3A_79 = arith.constant 0 : index
      %get3A_80 = arith.constant 0 : index
      %get3A_81 = vector.load %arg12[%get3A_79, %get3A_80] : memref<64x1xf32, #tpu.memory_space<vmem>>, vector<64x1xf32>
      %max3A_82 = arith.constant 1.000000e+00 : f32
      %max3A_83 = vector.broadcast %max3A_82 : f32 to vector<64x1xf32>
      %max3A_84 = arith.maximumf %get3A_81, %max3A_83 : vector<64x1xf32>
      %div3A_85 = vector.broadcast %max3A_84 : vector<64x1xf32> to vector<64x128xf32>
      %div3A_86 = arith.divf %get3A_78, %div3A_85 : vector<64x128xf32>
      %get3A_87 = arith.constant 0 : index
      %get3A_88 = arith.constant 0 : index
      %get3A_89 = vector.load %arg8[%get3A_87, %get3A_88] : memref<128x64xf32, #tpu.memory_space<vmem>>, vector<128x64xf32>
      %dot_general3A_90 = arith.constant dense<0.000000e+00> : vector<64x64xf32>
      %dot_general3A_91 = tpu.matmul %div3A_86, %get3A_89, %dot_general3A_90 {dimension_numbers = #tpu.dot_dimension_numbers<[1], [0], [0], [1], [0, 0, 1, 1], [], []>, transpose_lhs_hint = false} : vector<64x128xf32>, vector<128x64xf32>, vector<64x64xf32> -> vector<64x64xf32>
      %get3A_92 = arith.constant 0 : index
      %get3A_93 = arith.constant 0 : index
      %get3A_94 = vector.load %arg9[%get3A_92, %get3A_93] : memref<1x64xf32, #tpu.memory_space<vmem>>, vector<1x64xf32>
      %add3A_95 = vector.broadcast %get3A_94 : vector<1x64xf32> to vector<64x64xf32>
      %add3A_96 = arith.addf %dot_general3A_91, %add3A_95 : vector<64x64xf32>
      %swap3A_97 = arith.constant 0 : index
      %swap3A_98 = arith.constant 0 : index
      %swap3A_99 = vector.load %arg10[%swap3A_97, %swap3A_98] : memref<64x64xf32, #tpu.memory_space<vmem>>, vector<64x64xf32>
      tpu.vector_store %arg10[%swap3A_97, %swap3A_98], %add3A_96 {strides = array<i32>} : memref<64x64xf32, #tpu.memory_space<vmem>>, vector<64x64xf32>,
    } else {
    }
    return
  }
  func.func @transform_0(%arg0: i32) -> (i32, i32, i32) {
    %c0_i32 = arith.constant 0 : i32
    %c0_i32_0 = arith.constant 0 : i32
    %c0_i32_1 = arith.constant 0 : i32
    return %c0_i32, %arg0, %c0_i32_0 : i32, i32, i32
  }
  func.func @transform_1(%arg0: i32) -> (i32, i32) {
    %c0_i32 = arith.constant 0 : i32
    %c0_i32_0 = arith.constant 0 : i32
    return %arg0, %c0_i32 : i32, i32
  }
  func.func @transform_2(%arg0: i32) -> (i32, i32) {
    %c0_i32 = arith.constant 0 : i32
    %c0_i32_0 = arith.constant 0 : i32
    return %arg0, %c0_i32 : i32, i32
  }
  func.func @transform_3(%arg0: i32) -> (i32, i32) {
    %c0_i32 = arith.constant 0 : i32
    %c0_i32_0 = arith.constant 0 : i32
    %c0_i32_1 = arith.constant 0 : i32
    return %c0_i32, %c0_i32_0 : i32, i32
  }
  func.func @transform_4(%arg0: i32) -> (i32, i32) {
    %c0_i32 = arith.constant 0 : i32
    %c0_i32_0 = arith.constant 0 : i32
    %c0_i32_1 = arith.constant 0 : i32
    return %c0_i32, %c0_i32_0 : i32, i32
  }
  func.func @transform_5(%arg0: i32) -> (i32, i32) {
    %c0_i32 = arith.constant 0 : i32
    %c0_i32_0 = arith.constant 0 : i32
    %c0_i32_1 = arith.constant 0 : i32
    return %c0_i32, %c0_i32_0 : i32, i32
  }
  func.func @transform_6(%arg0: i32) -> (i32, i32, i32) {
    %c0_i32 = arith.constant 0 : i32
    %c0_i32_0 = arith.constant 0 : i32
    %c0_i32_1 = arith.constant 0 : i32
    return %arg0, %c0_i32, %c0_i32_0 : i32, i32, i32
  }
  func.func @transform_7(%arg0: i32) -> (i32, i32) {
    %c0_i32 = arith.constant 0 : i32
    %c0_i32_0 = arith.constant 0 : i32
    %c0_i32_1 = arith.constant 0 : i32
    return %c0_i32, %c0_i32_0 : i32, i32
  }
  func.func @transform_8(%arg0: i32) -> (i32, i32) {
    %c0_i32 = arith.constant 0 : i32
    %c0_i32_0 = arith.constant 0 : i32
    %c0_i32_1 = arith.constant 0 : i32
    return %c0_i32, %c0_i32_0 : i32, i32
  }
  func.func @transform_9(%arg0: i32) -> (i32, i32) {
    %c0_i32 = arith.constant 0 : i32
    %c0_i32_0 = arith.constant 0 : i32
    %c0_i32_1 = arith.constant 0 : i32
    return %c0_i32, %c0_i32_0 : i32, i32
  }
}

</mosaic_0001>

<sc_bundles>
// kernel: kernel.6.cloned.1.call-start
scs
__scs_entry_jumppad:
0x0: {  	(pc) =	sbr.rel $0x88, $3  }
0x1: {  	(tag) =	ssettag $0x0;
	lr =	simm.s32 $0x1  }
0x2: {  	[smem:$0x3F96] =	sst lr;
	_ =	strace $0xD0000000  }
0x3: {  	_ = 	snop  }
0x4: {  	_ = 	snop  }
0x5: {  	_ = 	snop  }
0x6: {  	_ = 	snop  }
0x7: {  	_ = 	snop  }
__scs_overlays_trampoline_lowered:
0x8: {  	[smem:$0x3FA5] =	sst s0  }
0x9: {  	[smem:$0x3FA6] =	sst s1  }
0xa: {  	[smem:$0x3FA7] =	sst s2  }
0xb: {  	[smem:$0x3FA8] =	sst s3  }
0xc: {  	[smem:$0x3FA9] =	sst s4  }
0xd: {  	[smem:$0x3FAA] =	sst s5  }
0xe: {  	[smem:$0x3FAB] =	sst s6  }
0xf: {  	[smem:$0x3FAC] =	sst s7  }
0x10: {  	[smem:$0x3FAD] =	sst s8  }
0x11: {  	[smem:$0x3FAE] =	sst s9;
	s0 =	simm.s32 @!p0 $0x0  }
0x12: {  	s1 =	sld [smem:$0x3F94];
	s0 =	simm.s32 @p0 $0x1  }
0x13: {  	[smem:$0x3FAF] =	sst s0;
	s0 =	simm.s32 @!p1 $0x0  }
0x14: {  	s2 =	sld [smem:$0x3F93];
	s0 =	simm.s32 @p1 $0x1  }
0x15: {  	[smem:$0x3FB0] =	sst s0;
	s0 =	simm.s32 @!p2 $0x0  }
0x16: {  	s3 =	sld [smem:$0x3FDB];
	s0 =	simm.s32 @p2 $0x1  }
0x17: {  	s4 =	simm.s32 $0x1BF5;
	[smem:$0x3FB2] =	sst s0  }
0x18: {  	s0 =	sld [smem:$0x3F95];
	_ =	swait.ge [sflag:s4], $0x0  }
0x19: {  	s7 =	sld [smem:$0x3F96]  }
0x1a: {  	s8 =	sadd.s32 $0xFFFFE003, lr  }
0x1b: {  	s9 =	sadd.s32 $0xFFFFFEF7, lr;
	s5 =	simm.s32 $0xFFFFFFFF;
	p2 =	slt.u32 s8, $0xFFFFF086  }
0x1c: {  	p1 =	slt.u32 s9, $0xF7A;
	s5 =	simm.s32 @!p2 $0x0  }
0x1d: {  	s5 =	simm.s32 @p1 $0x1;
	p0 =	seq.s32 s7, s2  }
0x1e: {  	s7 =	smul.u32 @!p0 $0xF7A, s2;
	p2 =	seq.s32 @!p0 s5, $0x0  }
0x1f: {  	s9 =	smul.u32 $0xF7A, s1;
	s8 =	simm.s32 @!p0 $0x1BF5;
	p2 =	por !p2, p0  }
0x20: {  	[sflag:s8] =	ssyncset.s32 @!p0 $0xFFFFF086;
	s6 =	sadd.s32 @!p0 s3, s7;
	s7 =	simm.s32 @!p0 $0x108  }
0x21: {  	s3 =	sadd.s32 s3, s9;
	s6 =	sadd.s32 @!p0 $0x88, s6;
	s7 =	simm.s32 @p2 $0x1082  }
0x22: {  	[simem:s7], [sflag:s8] =	dma.local @!p0 [hbm:s6], $0xF7A  }
0x23: {  	s9 =	sor.u32 $0xD0000000, s2;
	s6 =	simm.s32 $0x108;
	_ =	swait.ge @!p0 [sflag:s8], $0x0  }
0x24: {  	s3 =	sadd.s32 $0x88, s3;
	s6 =	simm.s32 @!p1 $0x1082;
	[sflag:s4] =	ssyncset.s32 $0xFFFFF086  }
0x25: {  	[simem:s6], [sflag:s4] =	dma.local [hbm:s3], $0xF7A  }
0x26: {  	[smem:$0x3F96] =	sst s1;
	(tag) =	ssettag s2;
	_ =	strace s9  }
0x27: {  	s1 =	sld [smem:$0x3FA6]  }
0x28: {  	s2 =	sld [smem:$0x3FA7]  }
0x29: {  	s4 =	sld [smem:$0x3FA9]  }
0x2a: {  	p0 =	seq.s32 s5, $0x0;
	s5 =	sld [smem:$0x3FAA]  }
0x2b: {  	s6 =	sld [smem:$0x3FAB]  }
0x2c: {  	s7 =	sld [smem:$0x3FAC]  }
0x2d: {  	s3 =	simm.s32 $0x108;
	s8 =	sld [smem:$0x3FAD]  }
0x2e: {  	s3 =	simm.s32 @!p0 $0x1082;
	s9 =	sld [smem:$0x3FAE]  }
0x2f: {  	lr =	sadd.s32 s0, s3;
	s0 =	sld [smem:$0x3FA5]  }
0x30: {  	s3 =	sld [smem:$0x3FA8]  }
0x31: {  	[smem:$0x3FB1] =	sst s10  }
0x32: {  	s10 =	sld [smem:$0x3FAF];
	_ =	sdelay $0x3  }
0x33: {  	p0 =	seq.s32 s10, $0x1;
	s10 =	sld [smem:$0x3FB1];
	_ =	sdelay $0x3  }
0x34: {  	[smem:$0x3FB1] =	sst s10  }
0x35: {  	s10 =	sld [smem:$0x3FB0];
	_ =	sdelay $0x3  }
0x36: {  	p1 =	seq.s32 s10, $0x1;
	s10 =	sld [smem:$0x3FB1];
	_ =	sdelay $0x3  }
0x37: {  	[smem:$0x3FB1] =	sst s10  }
0x38: {  	s10 =	sld [smem:$0x3FB2]  }
0x39: {  	_ = 	snop;
	(pc) =	sbr.ind lr, $3  }
0x3a: {  	_ = 	snop  }
0x3b: {  	_ = 	snop  }
0x3c: {  	p2 =	seq.s32 s10, $0x1;
	s10 =	sld [smem:$0x3FB1]  }
0x3d: {  	_ =	shalt  }
0x3e: {  	_ =	shalt  }
0x3f: {  	_ =	shalt  }
0x40: {  	_ =	shalt  }
0x41: {  	_ =	shalt  }
0x42: {  	_ =	shalt  }
0x43: {  	_ =	shalt  }
0x44: {  	_ =	shalt  }
0x45: {  	_ =	shalt  }
0x46: {  	_ =	shalt  }
0x47: {  	_ =	shalt  }
0x48: {  	_ =	shalt  }
0x49: {  	_ =	shalt  }
0x4a: {  	_ =	shalt  }
0x4b: {  	_ =	shalt  }
0x4c: {  	_ =	shalt  }
0x4d: {  	_ =	shalt  }
0x4e: {  	_ =	shalt  }
0x4f: {  	_ =	shalt  }
0x50: {  	_ =	shalt  }
0x51: {  	_ =	shalt  }
0x52: {  	_ =	shalt  }
0x53: {  	_ =	shalt  }
0x54: {  	_ =	shalt  }
0x55: {  	_ =	shalt  }
0x56: {  	_ =	shalt  }
0x57: {  	_ =	shalt  }
0x58: {  	_ =	shalt  }
0x59: {  	_ =	shalt  }
0x5a: {  	_ =	shalt  }
0x5b: {  	_ =	shalt  }
0x5c: {  	_ =	shalt  }
0x5d: {  	_ =	shalt  }
0x5e: {  	_ =	shalt  }
0x5f: {  	_ =	shalt  }
0x60: {  	_ =	shalt  }
0x61: {  	_ =	shalt  }
0x62: {  	_ =	shalt  }
0x63: {  	_ =	shalt  }
0x64: {  	_ =	shalt  }
0x65: {  	_ =	shalt  }
0x66: {  	_ =	shalt  }
0x67: {  	_ =	shalt  }
0x68: {  	_ =	shalt  }
0x69: {  	_ =	shalt  }
0x6a: {  	_ =	shalt  }
0x6b: {  	_ =	shalt  }
0x6c: {  	_ =	shalt  }
0x6d: {  	_ =	shalt  }
0x6e: {  	_ =	shalt  }
0x6f: {  	_ =	shalt  }
0x70: {  	_ =	shalt  }
0x71: {  	_ =	shalt  }
0x72: {  	_ =	shalt  }
0x73: {  	_ =	shalt  }
0x74: {  	_ =	shalt  }
0x75: {  	_ =	shalt  }
0x76: {  	_ =	shalt  }
0x77: {  	_ =	shalt  }
0x78: {  	_ =	shalt  }
0x79: {  	_ =	shalt  }
0x7a: {  	_ =	shalt  }
0x7b: {  	_ =	shalt  }
0x7c: {  	_ =	shalt  }
0x7d: {  	_ =	shalt  }
0x7e: {  	_ =	shalt  }
0x7f: {  	_ =	shalt  }
0x80: {  	_ =	shalt  }
0x81: {  	_ =	shalt  }
0x82: {  	_ =	shalt  }
0x83: {  	_ =	shalt  }
0x84: {  	_ =	shalt  }
0x85: {  	_ =	shalt  }
0x86: {  	_ =	shalt  }
0x87: {  	_ =	shalt  }
.Lfunc_end0:
.L_simem_size_0:
called_computation_lowered:
.L_overlay_start_0:
0x88: {  	s2 =	sld [smem:$0x3FD9]  }
0x89: {  	s3 =	sld [smem:$0x3FFE];
	_ =	sdelay $0x1  }
0x8a: {  	s1 =	srdreg.scid  }
0x8b: {  	s0 =	sand.u32 $0x1, s1  }
0x8c: {  	s17 =	sshll.u32 s0, $0xA;
	s2 =	sadd.s32 s3, s2  }
0x8d: {  	s2 =	sadd.s32 s2, s17  }
0x8e: {  	[smem:$0x3FBD] =	sst s2  }
0x8f: {  	_ = 	snop  }
0x90: {  	s2 =	sld [smem:$0x3FC9];
	(tm) =	ssettm $0x1  }
0x91: {  	s18 =	sld [smem:$0x3FFB];
	_ =	sdelay $0x3  }
0x92: {  	_ =	strace s18  }
0x93: {  	s3 =	sld [smem:$0x3FFC];
	_ =	sdelay $0x3  }
0x94: {  	_ =	strace s3  }
0x95: {  	s3 =	sld [smem:$0x3FFD];
	_ =	sdelay $0x3  }
0x96: {  	_ =	strace s3  }
0x97: {  	_ =	strace $0x8FFFFFFF  }
0x98: {  	s19 =	sld [smem:$0x3FDB];
	_ =	sdelay $0x1  }
0x99: {  	s4 =	simm.s32 $_scs_section_size  }
0x9a: {  	s5 =	simm.s32 $_size__tile_overlayer_lowered;
	s6 =	simm.s32 $_tile_overlayer_lowered  }
0x9b: {  	s22 =	simm.s32 $0x1BFF;
	s21 =	sshll.u32 s6, $0x1;
	s3 =	sadd.s32 s4, s19  }
0x9c: {  	s7 =	simm.s32 $0x0;
	s20 =	sshll.u32 s5, $0x1;
	s5 =	sadd.s32 s21, s3  }
0x9d: {  	[timem:s7], [sflag:s22] =	dma.local [hbm:s5], s20  }
0x9e: {  	_ =	swait.ge [sflag:s22], s20  }
0x9f: {  	s4 =	ssub.s32 $0x0, s20;
	[sflag:s22] =	ssyncset.done $0x0  }
0xa0: {  	[sflag:s22] =	ssyncadd.s32 s4;
	_ =	sdelay $0x1  }
0xa1: {  	s23 =	simm.s32 $0x1B8B  }
0xa2: {  	_ =	swait.ge [sflag:s23], $0x1  }
0xa3: {  	[sflag:s23] =	ssyncset.done $0x0  }
0xa4: {  	s25 =	simm.s32 $0x1B8E;
	s24 =	sld [smem:$0x3FFE];
	[sflag:s23] =	ssyncadd.s32 $0xFFFFFFFF  }
0xa5: {  	s26 =	simm.s32 $execute0_lowered;
	[smem:$0x3FD2] =	sst s25  }
0xa6: {  	s5 =	sshll.u32 s26, $0x1;
	_ =	strace $0x80000046;
	[dreg:$0x1] =	wrdreg $0xFFFFFFFF  }
0xa7: {  	s28 =	simm.s32 $_size_execute0_lowered;
	s3 =	sadd.s32 s3, s5;
	[dreg:$0x0] =	wrdreg $0x0  }
0xa8: {  	s5 =	sshll.u32 s28, $0x1;
	[dreg:$0x2] =	wrdreg s3  }
0xa9: {  	[dreg:$0x3] =	wrdreg s5  }
0xaa: {  	[dreg:$0x4] =	wrdreg $0xC0  }
0xab: {  	_ =	task [dreg:s7], $0x5FFFF  }
0xac: {  	[dreg:$0x1] =	wrdreg $0xFFFFFFFF  }
0xad: {  	[dreg:$0x0] =	wrdreg $0x60  }
0xae: {  	[dreg:$0x2] =	wrdreg s2  }
0xaf: {  	[dreg:$0x3] =	wrdreg s24  }
0xb0: {  	[dreg:$0x4] =	wrdreg $0x18000  }
0xb1: {  	[dreg:$0x5] =	wrdreg $0x1F1000  }
0xb2: {  	[dreg:$0x6] =	wrdreg $0x9  }
0xb3: {  	_ =	task.clear_ibuf [dreg:s7], $0x7FFFF;
	_ =	strace $0x90000046  }
0xb4: {  	s29 =	simm.s32 $0x9;
	_ =	strace $0x80000048  }
0xb5: {  	_ =	swait.ge [sflag:s29], $0x1  }
0xb6: {  	[sflag:s29] =	ssyncadd.s32 $0xFFFFFFFF  }
0xb7: {  	_ =	strace $0x90000048  }
0xb8: {  	_ =	sfence  }
0xb9: {  	s30 =	sld [smem:$0x0];
	_ =	sdelay $0x2  }
0xba: {  	s31 =	sshll.u32 s1, $0xD;
	s1 =	sshrl.u32 s1, $0x2  }
0xbb: {  	s3 =	sand.u32 $0x4000, s31;
	s1 =	sadd.s32 s1, s30  }
0xbc: {  	s0 =	sor.u32 s3, s0;
	s1 =	sshll.u32 s1, $0x11  }
0xbd: {  	s0 =	sor.u32 s1, s0  }
0xbe: {  	s0 =	sadd.s32 $0x8F2B, s0  }
0xbf: {  	[sflag:s0] =	ssyncadd.remote.s32 $0x1  }
0xc0: {  	_ =	sfence.sel $0xFFFF  }
0xc1: {  	[dreg:$0x0] =	wrdreg $0xFFFFFFFF;
	(pc) =	sbr.abs _section_cstart, $3  }
0xc2: {  	[dreg:$0x1] =	wrdreg $0xFFFFFFFF  }
0xc3: {  	_ =	task.clear_ibuf [dreg:s7], $0x2FFFF;
	_ =	strace $0x9FFFFFFF  }
0xc4: {  	(tm) =	ssettm $0x7FFFFFFF  }
0xc5: {  	_ =	shalt  }
tec
execute0_lowered:
.L_overlay_start_1:
0x0: {  	(tag) =	ssettag $0x1  }
0x1: {  	s1 =	rddreg [dreg:$0x0]  }
0x2: {  	s0 =	rddreg [dreg:$0x1]  }
0x3: {  	s2 =	srdreg.scid;
	s18 =	stileid.u32  }
0x4: {  	s3 =	rddreg [dreg:$0x2];
	s5 =	smul.u32 $0x270, s18  }
0x5: {  	s4 =	rddreg [dreg:$0x3];
	s2 =	sand.u32 $0x1, s2;
	s12 =	smul.u32 $0x13800, s18  }
0x6: {  	s9 =	sadd.s32 $0x47E00, s0;
	s6 =	smul.u32 $0x2710, s2;
	s7 =	ssub.s32 $0x2, s2  }
0x7: {  	s22 =	sshll.u32 s18, $0x1;
	s10 =	smul.u32 $0x138800, s2;
	s8 =	sshrl.u32 s7, $0x1  }
0x8: {  	s2 =	sor.u32 s2, s22;
	s11 =	sshll.u32 s5, $0x7;
	s7 =	ssub.s32 s7, s8  }
0x9: {  	s8 =	sadd.s32 $0x2800, s11;
	s13 =	sadd.s32 $0x5000, s11;
	s14 =	sadd.s32 $0x7800, s11  }
0xa: {  	s16 =	sadd.s32 $0xA000, s11;
	s17 =	sadd.s32 $0xC800, s11;
	s12 =	sadd.s32 s10, s12  }
0xb: {  	s20 =	sadd.s32 $0xF000, s11;
	s11 =	sadd.s32 $0x11800, s11;
	s12 =	sshrl.u32 s12, $0x3  }
0xc: {  	s15 =	sadd.s32 s10, s8;
	s24 =	sadd.s32 s10, s13;
	s26 =	sadd.s32 s10, s14  }
0xd: {  	s21 =	sadd.s32 s10, s16;
	s12 =	sadd.s32 s9, s12;
	s23 =	sshrl.u32 s15, $0x3  }
0xe: {  	s25 =	sshrl.u32 s24, $0x3;
	s19 =	sshrl.u32 s26, $0x3;
	s22 =	sshrl.u32 s21, $0x3  }
0xf: {  	[dreg:$0x5] =	wrdreg s12;
	s12 =	sadd.s32 s9, s23;
	s23 =	sadd.s32 s10, s17  }
0x10: {  	[dreg:$0x6] =	wrdreg s12;
	s12 =	sadd.s32 s9, s25;
	s24 =	sshrl.u32 s23, $0x3  }
0x11: {  	s25 =	sadd.s32 s10, s20;
	[dreg:$0x7] =	wrdreg s12;
	s12 =	sadd.s32 s9, s19  }
0x12: {  	s10 =	sadd.s32 s10, s11;
	[dreg:$0x8] =	wrdreg s12;
	s12 =	sadd.s32 s9, s22  }
0x13: {  	s26 =	sshrl.u32 s25, $0x3;
	[dreg:$0x9] =	wrdreg s12;
	s12 =	sadd.s32 s9, s24  }
0x14: {  	s10 =	sshrl.u32 s10, $0x3;
	[dreg:$0xa] =	wrdreg s12;
	s12 =	sadd.s32 s9, s26  }
0x15: {  	s6 =	sadd.s32 s5, s6;
	s9 =	sadd.s32 s9, s10;
	[dreg:$0xb] =	wrdreg s12  }
0x16: {  	s6 =	sshrl.u32 s6, $0x3;
	s12 =	simm.s32 $0x0;
	[dreg:$0xc] =	wrdreg s9  }
0x17: {  	s15 =	smul.u32 $0x4E000, s18;
	s18 =	sadd.s32 $0x2400, s0;
	[smem:$0x7FF] =	sst s12  }
0x18: {  	s19 =	sadd.s32 $0xC200, s0;
	_ =	strace $0x80000047;
	[dreg:$0xd] =	wrdreg s18  }
0x19: {  	s6 =	sadd.s32 s6, s0;
	s0 =	sadd.s32 $0x20200, s0;
	[dreg:$0xe] =	wrdreg s19  }
0x1a: {  	s22 =	smax.u32 s7, $0x1;
	[dreg:$0xf] =	wrdreg s0  }
0x1b: {  	s24 =	sadd.s32 s13, s3;
	[dreg:$0x11] =	wrdreg s22  }
0x1c: {  	s25 =	sadd.s32 s14, s3;
	[dreg:$0x14] =	wrdreg s24  }
0x1d: {  	s26 =	sadd.s32 s16, s3;
	[dreg:$0x15] =	wrdreg s25  }
0x1e: {  	s7 =	sadd.s32 s20, s3;
	[dreg:$0x16] =	wrdreg s26  }
0x1f: {  	s23 =	sadd.s32 s8, s3;
	s8 =	sadd.s32 s11, s3;
	[dreg:$0x18] =	wrdreg s7  }
0x20: {  	s31 =	simm.s32 $0x15080;
	s9 =	sadd.s32 $0x47400, s6;
	[dreg:$0x19] =	wrdreg s8  }
0x21: {  	s28 =	simm.s32 $0x880;
	s10 =	sadd.s32 $0x4740A, s6;
	[dreg:$0x1a] =	wrdreg s9  }
0x22: {  	s29 =	simm.s32 $0x3;
	s11 =	sadd.s32 $0x47414, s6;
	[dreg:$0x1b] =	wrdreg s10  }
0x23: {  	s30 =	simm.s32 $0x7;
	s13 =	sadd.s32 $0x4741E, s6;
	[dreg:$0x1c] =	wrdreg s11  }
0x24: {  	s21 =	sshrl.u32 s15, $0x2;
	s15 =	sadd.s32 $0x47428, s6;
	[dreg:$0x1d] =	wrdreg s13  }
0x25: {  	s5 =	sadd.s32 s5, s4;
	s16 =	sadd.s32 $0x47432, s6;
	[dreg:$0x1e] =	wrdreg s15  }
0x26: {  	s14 =	smov.u32 s23;
	s20 =	sadd.s32 $0x47446, s6;
	[dreg:$0x1f] =	wrdreg s16  }
0x27: {  	s23 =	sadd.s32 $0xF0, s5;
	s18 =	smul.u32 $0x2710, s2;
	[smem:$0x7F5] =	sst s20  }
0x28: {  	s19 =	smul.u32 $0x5000, s2;
	s0 =	sadd.s32 s21, s3;
	[smem:$0x7F8] =	sst s23  }
0x29: {  	s2 =	sadd.s32 s17, s3;
	s17 =	sadd.s32 $0x4743C, s6;
	[dreg:$0x10] =	wrdreg s5  }
0x2a: {  	s21 =	sadd.s32 $0x50, s5;
	s22 =	sadd.s32 $0xA0, s5;
	[dreg:$0x13] =	wrdreg s14  }
0x2b: {  	s24 =	sadd.s32 $0x140, s5;
	s25 =	sadd.s32 $0x190, s5;
	[dreg:$0x12] =	wrdreg s0  }
0x2c: {  	s26 =	sadd.s32 $0x1E0, s5;
	s15 =	simm.s32 $0x1F378;
	[dreg:$0x17] =	wrdreg s2  }
0x2d: {  	s6 =	simm.s32 $0x50;
	s7 =	simm.s32 $0x17880;
	[smem:$0x7F4] =	sst s17  }
0x2e: {  	s23 =	simm.s32 $0x1C880;
	s9 =	simm.s32 $0x900;
	[smem:$0x7F6] =	sst s21  }
0x2f: {  	s10 =	simm.s32 $0x4;
	s11 =	simm.s32 $0x980;
	[smem:$0x7F7] =	sst s22  }
0x30: {  	s13 =	simm.s32 $0x5;
	s16 =	simm.s32 $0x9;
	[smem:$0x7F9] =	sst s24  }
0x31: {  	s20 =	simm.s32 $0x6;
	s8 =	simm.s32 $0x0;
	[smem:$0x7FA] =	sst s25  }
0x32: {  	[smem:$0x7FB] =	sst s26;
	s22 =	sadd.s32 $0x230, s5;
	s2 =	simm.s32 $0xA  }
0x33: {  	s5 =	simm.s32 $0x800;
	s21 =	simm.s32 $0x1A080;
	s24 =	simm.s32 $0x1  }
0x34: {  	s25 =	simm.s32 $0x1F080;
	s26 =	simm.s32 $0x2;
	[smem:$0x7FC] =	sst s8  }
0x35: {  	v0 =	vimm.f32 $1.000000000e+00;
	v1 =	vimm.f32 $0.0e+00;
	s17 =	simm.s32 $0x8;
	s0 =	simm.s32 $0x1400;
	[smem:$0x7FD] =	sst s22  }
.LBB2_1:
0x36: {  	s8 =	rddreg [dreg:$0xf]  }
0x37: {  	[tilespmem:s31], [sflag:$0xA] =	stream.linear.gather [hbm4b:s8+s12], $0x2800, $0x38;
	[tilespmem:$0x1F3F8] =	vst v63  }
0x38: {  	_ =	swait.ge [sflag:s2], $0x2800  }
0x39: {  	[sflag:s2] =	ssyncset.done $0x0  }
0x3a: {  	[sflag:s2] =	ssyncadd.s32 $0xFFFFD800  }
0x3b: {  	[tilespmem:$0x1F080] =	vst v0  }
0x3c: {  	[tilespmem:$0x1F378] =	vst v1  }
0x3d: {  	[tilespmem:$0x1F090] =	vst v0  }
0x3e: {  	[tilespmem:$0x1F388] =	vst v1  }
0x3f: {  	[tilespmem:$0x1F0A0] =	vst v0  }
0x40: {  	[tilespmem:$0x1F398] =	vst v1  }
0x41: {  	[tilespmem:$0x1F0B0] =	vst v0  }
0x42: {  	[tilespmem:$0x1F3A8] =	vst v1  }
0x43: {  	[tilespmem:$0x1F0C0] =	vst v0  }
0x44: {  	s12 =	rddreg [dreg:$0x12];
	[tilespmem:$0x1F3B8] =	vst v1  }
0x45: {  	[spmem:s12] =	stream.linear.scatter [tilespmem:s31], [sflag:$0xA], $0x2800, $0x38;
	[tilespmem:$0x1F3F8] =	vst v63  }
0x46: {  	_ =	swait.ge [sflag:s2], $0x2800  }
0x47: {  	[sflag:s2] =	ssyncset.done $0x0  }
0x48: {  	[sflag:s2] =	ssyncadd.s32 $0xFFFFD800  }
0x49: {  	[spmem:s14] =	stream.linear.scatter [tilespmem:s31], [sflag:$0xA], $0x2800, $0x38;
	[tilespmem:$0x1F3F8] =	vst v63  }
0x4a: {  	_ =	swait.ge [sflag:s2], $0x2800  }
0x4b: {  	[sflag:s2] =	ssyncset.done $0x0  }
0x4c: {  	s14 =	rddreg [dreg:$0x14];
	[sflag:s2] =	ssyncadd.s32 $0xFFFFD800  }
0x4d: {  	[spmem:s14] =	stream.linear.scatter [tilespmem:s31], [sflag:$0xA], $0x2800, $0x38;
	[tilespmem:$0x1F3F8] =	vst v63  }
0x4e: {  	_ =	swait.ge [sflag:s2], $0x2800  }
0x4f: {  	[sflag:s2] =	ssyncset.done $0x0  }
0x50: {  	s12 =	rddreg [dreg:$0x15];
	[sflag:s2] =	ssyncadd.s32 $0xFFFFD800  }
0x51: {  	[spmem:s12] =	stream.linear.scatter [tilespmem:s31], [sflag:$0xA], $0x2800, $0x38;
	[tilespmem:$0x1F3F8] =	vst v63  }
0x52: {  	_ =	swait.ge [sflag:s2], $0x2800  }
0x53: {  	[sflag:s2] =	ssyncset.done $0x0  }
0x54: {  	s14 =	rddreg [dreg:$0x16];
	[sflag:s2] =	ssyncadd.s32 $0xFFFFD800  }
0x55: {  	[spmem:s14] =	stream.linear.scatter [tilespmem:s31], [sflag:$0xA], $0x2800, $0x38;
	[tilespmem:$0x1F3F8] =	vst v63  }
0x56: {  	_ =	swait.ge [sflag:s2], $0x2800  }
0x57: {  	[sflag:s2] =	ssyncset.done $0x0  }
0x58: {  	s12 =	rddreg [dreg:$0x17];
	[sflag:s2] =	ssyncadd.s32 $0xFFFFD800  }
0x59: {  	[spmem:s12] =	stream.linear.scatter [tilespmem:s31], [sflag:$0xA], $0x2800, $0x38;
	[tilespmem:$0x1F3F8] =	vst v63  }
0x5a: {  	_ =	swait.ge [sflag:s2], $0x2800  }
0x5b: {  	[sflag:s2] =	ssyncset.done $0x0  }
0x5c: {  	s14 =	rddreg [dreg:$0x18];
	[sflag:s2] =	ssyncadd.s32 $0xFFFFD800  }
0x5d: {  	[spmem:s14] =	stream.linear.scatter [tilespmem:s31], [sflag:$0xA], $0x2800, $0x38;
	[tilespmem:$0x1F3F8] =	vst v63  }
0x5e: {  	_ =	swait.ge [sflag:s2], $0x2800  }
0x5f: {  	[sflag:s2] =	ssyncset.done $0x0  }
0x60: {  	s12 =	rddreg [dreg:$0x19];
	[sflag:s2] =	ssyncadd.s32 $0xFFFFD800  }
0x61: {  	[spmem:s12] =	stream.linear.scatter [tilespmem:s31], [sflag:$0xA], $0x2800, $0x38;
	[tilespmem:$0x1F3F8] =	vst v63  }
0x62: {  	_ =	swait.ge [sflag:s2], $0x2800  }
0x63: {  	[sflag:s2] =	ssyncset.done $0x0  }
0x64: {  	s14 =	rddreg [dreg:$0x10];
	[sflag:s2] =	ssyncadd.s32 $0xFFFFD800  }
0x65: {  	[spmem:s14] =	stream.linear.scatter [tilespmem:s15], [sflag:$0xA], $0x50, $0x38;
	[tilespmem:$0x1F3F8] =	vst v63  }
0x66: {  	_ =	swait.ge [sflag:s2], $0x50  }
0x67: {  	s12 =	sld [smem:$0x7F6]  }
0x68: {  	[sflag:s2] =	ssyncset.done $0x0  }
0x69: {  	[sflag:s2] =	ssyncadd.s32 $0xFFFFFFB0  }
0x6a: {  	[spmem:s12] =	stream.linear.scatter [tilespmem:s15], [sflag:$0xA], $0x50, $0x38;
	[tilespmem:$0x1F3F8] =	vst v63  }
0x6b: {  	_ =	swait.ge [sflag:s2], $0x50  }
0x6c: {  	s14 =	sld [smem:$0x7F7]  }
0x6d: {  	[sflag:s2] =	ssyncset.done $0x0  }
0x6e: {  	[sflag:s2] =	ssyncadd.s32 $0xFFFFFFB0  }
0x6f: {  	[spmem:s14] =	stream.linear.scatter [tilespmem:s15], [sflag:$0xA], $0x50, $0x38;
	[tilespmem:$0x1F3F8] =	vst v63  }
0x70: {  	_ =	swait.ge [sflag:s2], $0x50  }
0x71: {  	s12 =	sld [smem:$0x7F8]  }
0x72: {  	[sflag:s2] =	ssyncset.done $0x0  }
0x73: {  	[sflag:s2] =	ssyncadd.s32 $0xFFFFFFB0  }
0x74: {  	[spmem:s12] =	stream.linear.scatter [tilespmem:s15], [sflag:$0xA], $0x50, $0x38;
	[tilespmem:$0x1F3F8] =	vst v63  }
0x75: {  	_ =	swait.ge [sflag:s2], $0x50  }
0x76: {  	s14 =	sld [smem:$0x7F9]  }
0x77: {  	[sflag:s2] =	ssyncset.done $0x0  }
0x78: {  	[sflag:s2] =	ssyncadd.s32 $0xFFFFFFB0  }
0x79: {  	[spmem:s14] =	stream.linear.scatter [tilespmem:s15], [sflag:$0xA], $0x50, $0x38;
	[tilespmem:$0x1F3F8] =	vst v63  }
0x7a: {  	_ =	swait.ge [sflag:s2], $0x50  }
0x7b: {  	s12 =	sld [smem:$0x7FA]  }
0x7c: {  	[sflag:s2] =	ssyncset.done $0x0  }
0x7d: {  	[sflag:s2] =	ssyncadd.s32 $0xFFFFFFB0  }
0x7e: {  	[spmem:s12] =	stream.linear.scatter [tilespmem:s15], [sflag:$0xA], $0x50, $0x38;
	[tilespmem:$0x1F3F8] =	vst v63  }
0x7f: {  	_ =	swait.ge [sflag:s2], $0x50  }
0x80: {  	s14 =	sld [smem:$0x7FB]  }
0x81: {  	[sflag:s2] =	ssyncset.done $0x0  }
0x82: {  	[sflag:s2] =	ssyncadd.s32 $0xFFFFFFB0  }
0x83: {  	[spmem:s14] =	stream.linear.scatter [tilespmem:s15], [sflag:$0xA], $0x50, $0x38;
	[tilespmem:$0x1F3F8] =	vst v63  }
0x84: {  	_ =	swait.ge [sflag:s2], $0x50  }
0x85: {  	[sflag:s2] =	ssyncset.done $0x0  }
0x86: {  	[sflag:s2] =	ssyncadd.s32 $0xFFFFFFB0  }
0x87: {  	[spmem:s22] =	stream.linear.scatter [tilespmem:s15], [sflag:$0xA], $0x50, $0x38;
	[tilespmem:$0x1F3F8] =	vst v63  }
0x88: {  	_ =	swait.ge [sflag:s2], $0x50  }
0x89: {  	[sflag:s2] =	ssyncset.done $0x0  }
0x8a: {  	[sflag:s2] =	ssyncadd.s32 $0xFFFFFFB0  }
0x8b: {  	s8 =	simm.s32 $0x0;
	[bflag:$0x0] =	sbarrier.arrive $0xFFFF  }
.LBB2_2:
0x8c: {  	s12 =	smul.u32 $0x7D0, s8;
	_ =	sdelay $0x1  }
0x8d: {  	s12 =	sadd.s32 s18, s12  }
0x8e: {  	s14 =	rddreg [dreg:$0xd];
	s12 =	sshrl.u32 s12, $0x3  }
0x8f: {  	s22 =	sshll.u32 s8, $0xC;
	s12 =	sadd.s32 s14, s12;
	s14 =	simm.s32 $0x0  }
0x90: {  	[tilespmem:s14], [sflag:$0xA] =	stream.linear.gather [hbm4b:s12+s14], $0x7D0, $0x38;
	[tilespmem:$0x1F3F8] =	vst v63  }
0x91: {  	s12 =	sadd.s32 s19, s22;
	_ =	swait.ge [sflag:s2], $0x7D0  }
0x92: {  	s12 =	sshrl.u32 s12, $0x3;
	[sflag:s2] =	ssyncset.done $0x0;
	s15 =	rddreg [dreg:$0xe]  }
0x93: {  	[sflag:s2] =	ssyncadd.s32 $0xFFFFF830;
	s12 =	sadd.s32 s15, s12  }
0x94: {  	[tilespmem:s5], [sflag:$0xA] =	stream.linear.gather [hbm4b:s12+s14], $0xC80, $0x38;
	[tilespmem:$0x1F3F8] =	vst v63  }
0x95: {  	_ =	swait.ge [sflag:s2], $0xC80  }
0x96: {  	[sflag:s2] =	ssyncset.done $0x0  }
0x97: {  	[sflag:s2] =	ssyncadd.s32 $0xFFFFF380  }
0x98: {  	[tilespmem:s31], [sflag:$0x1] =	stream.indirect.gather [hbm4b:s1+s6], $0x80, s14, s6, $0xb8;
	[tilespmem:$0x1F3F8] =	vst v63  }
0x99: {  	_ = 	snop  }
0x9a: {  	[tilespmem:s7], [sflag:$0x2] =	stream.indirect.gather [hbm4b:s1+s6], $0x80, s6, s6, $0xb8;
	[tilespmem:$0x1F3F8] =	vst v63  }
0x9b: {  	s14 =	simm.s32 $0xA0  }
0x9c: {  	[tilespmem:s21], [sflag:$0x3] =	stream.indirect.gather [hbm4b:s1+s6], $0x80, s14, s6, $0xb8;
	[tilespmem:$0x1F3F8] =	vst v63  }
0x9d: {  	s15 =	simm.s32 $0xF0  }
0x9e: {  	[tilespmem:s23], [sflag:$0x4] =	stream.indirect.gather [hbm4b:s1+s6], $0x80, s15, s6, $0xb8;
	[tilespmem:$0x1F3F8] =	vst v63  }
0x9f: {  	_ =	swait.ge [sflag:s24], $0x2800  }
0xa0: {  	[sflag:s24] =	ssyncset.done $0x0  }
0xa1: {  	[sflag:s24] =	ssyncadd.s32 $0xFFFFD800  }
0xa2: {  	[spmem:s3] =	stream.indirect.scatter.add.f32 [tilespmem:s31], [sflag:$0x5], $0x80, s5, s6, $0xb8;
	[tilespmem:$0x1F3F8] =	vst v63  }
0xa3: {  	_ = 	snop  }
0xa4: {  	[spmem:s4] =	stream.indirect.scatter.add.f32 [tilespmem:s25], [sflag:$0x9], $0x1, s5, s6, $0xb8;
	[tilespmem:$0x1F3F8] =	vst v63  }
0xa5: {  	_ =	swait.ge [sflag:s26], $0x2800  }
0xa6: {  	[sflag:s26] =	ssyncset.done $0x0  }
0xa7: {  	[sflag:s26] =	ssyncadd.s32 $0xFFFFD800  }
0xa8: {  	[spmem:s3] =	stream.indirect.scatter.add.f32 [tilespmem:s7], [sflag:$0x6], $0x80, s28, s6, $0xb8;
	[tilespmem:$0x1F3F8] =	vst v63  }
0xa9: {  	_ = 	snop  }
0xaa: {  	[spmem:s4] =	stream.indirect.scatter.add.f32 [tilespmem:s25], [sflag:$0x9], $0x1, s28, s6, $0xb8;
	[tilespmem:$0x1F3F8] =	vst v63  }
0xab: {  	_ =	swait.ge [sflag:s29], $0x2800  }
0xac: {  	[sflag:s29] =	ssyncset.done $0x0  }
0xad: {  	[sflag:s29] =	ssyncadd.s32 $0xFFFFD800  }
0xae: {  	[spmem:s3] =	stream.indirect.scatter.add.f32 [tilespmem:s21], [sflag:$0x7], $0x80, s9, s6, $0xb8;
	[tilespmem:$0x1F3F8] =	vst v63  }
0xaf: {  	_ = 	snop  }
0xb0: {  	[spmem:s4] =	stream.indirect.scatter.add.f32 [tilespmem:s25], [sflag:$0x9], $0x1, s9, s6, $0xb8;
	[tilespmem:$0x1F3F8] =	vst v63  }
0xb1: {  	_ =	swait.ge [sflag:s10], $0x2800  }
0xb2: {  	[sflag:s10] =	ssyncset.done $0x0  }
0xb3: {  	[sflag:s10] =	ssyncadd.s32 $0xFFFFD800  }
0xb4: {  	[spmem:s3] =	stream.indirect.scatter.add.f32 [tilespmem:s23], [sflag:$0x8], $0x80, s11, s6, $0xb8;
	[tilespmem:$0x1F3F8] =	vst v63  }
0xb5: {  	_ = 	snop  }
0xb6: {  	[spmem:s4] =	stream.indirect.scatter.add.f32 [tilespmem:s25], [sflag:$0x9], $0x1, s11, s6, $0xb8;
	[tilespmem:$0x1F3F8] =	vst v63  }
0xb7: {  	_ =	swait.ge [sflag:s13], $0x2800  }
0xb8: {  	[sflag:s13] =	ssyncset.done $0x0  }
0xb9: {  	[sflag:s13] =	ssyncadd.s32 $0xFFFFD800  }
0xba: {  	_ =	swait.ge [sflag:s16], $0x50  }
0xbb: {  	[sflag:s16] =	ssyncset.done $0x0  }
0xbc: {  	s22 =	simm.s32 $0x140;
	[sflag:s16] =	ssyncadd.s32 $0xFFFFFFB0  }
0xbd: {  	[tilespmem:s31], [sflag:$0x1] =	stream.indirect.gather [hbm4b:s1+s6], $0x80, s22, s6, $0xb8;
	[tilespmem:$0x1F3F8] =	vst v63  }
0xbe: {  	_ =	swait.ge [sflag:s20], $0x2800  }
0xbf: {  	[sflag:s20] =	ssyncset.done $0x0  }
0xc0: {  	[sflag:s20] =	ssyncadd.s32 $0xFFFFD800  }
0xc1: {  	_ =	swait.ge [sflag:s16], $0x50  }
0xc2: {  	[sflag:s16] =	ssyncset.done $0x0  }
0xc3: {  	s14 =	simm.s32 $0x190;
	[sflag:s16] =	ssyncadd.s32 $0xFFFFFFB0  }
0xc4: {  	[tilespmem:s7], [sflag:$0x2] =	stream.indirect.gather [hbm4b:s1+s6], $0x80, s14, s6, $0xb8;
	[tilespmem:$0x1F3F8] =	vst v63  }
0xc5: {  	_ =	swait.ge [sflag:s30], $0x2800  }
0xc6: {  	[sflag:s30] =	ssyncset.done $0x0  }
0xc7: {  	[sflag:s30] =	ssyncadd.s32 $0xFFFFD800  }
0xc8: {  	_ =	swait.ge [sflag:s16], $0x50  }
0xc9: {  	[sflag:s16] =	ssyncset.done $0x0  }
0xca: {  	s15 =	simm.s32 $0x1E0;
	[sflag:s16] =	ssyncadd.s32 $0xFFFFFFB0  }
0xcb: {  	[tilespmem:s21], [sflag:$0x3] =	stream.indirect.gather [hbm4b:s1+s6], $0x80, s15, s6, $0xb8;
	[tilespmem:$0x1F3F8] =	vst v63  }
0xcc: {  	_ =	swait.ge [sflag:s17], $0x2800  }
0xcd: {  	[sflag:s17] =	ssyncset.done $0x0  }
0xce: {  	[sflag:s17] =	ssyncadd.s32 $0xFFFFD800  }
0xcf: {  	_ =	swait.ge [sflag:s16], $0x50  }
0xd0: {  	[sflag:s16] =	ssyncset.done $0x0  }
0xd1: {  	s22 =	simm.s32 $0x230;
	[sflag:s16] =	ssyncadd.s32 $0xFFFFFFB0  }
0xd2: {  	[tilespmem:s23], [sflag:$0x4] =	stream.indirect.gather [hbm4b:s1+s6], $0x80, s22, s6, $0xb8;
	[tilespmem:$0x1F3F8] =	vst v63  }
0xd3: {  	_ =	swait.ge [sflag:s24], $0x2800  }
0xd4: {  	[sflag:s24] =	ssyncset.done $0x0  }
0xd5: {  	s14 =	simm.s32 $0xA00;
	[sflag:s24] =	ssyncadd.s32 $0xFFFFD800  }
0xd6: {  	[spmem:s3] =	stream.indirect.scatter.add.f32 [tilespmem:s31], [sflag:$0x5], $0x80, s14, s6, $0xb8;
	[tilespmem:$0x1F3F8] =	vst v63  }
0xd7: {  	_ = 	snop  }
0xd8: {  	[spmem:s4] =	stream.indirect.scatter.add.f32 [tilespmem:s25], [sflag:$0x9], $0x1, s14, s6, $0xb8;
	[tilespmem:$0x1F3F8] =	vst v63  }
0xd9: {  	_ =	swait.ge [sflag:s26], $0x2800  }
0xda: {  	[sflag:s26] =	ssyncset.done $0x0  }
0xdb: {  	s15 =	simm.s32 $0xA80;
	[sflag:s26] =	ssyncadd.s32 $0xFFFFD800  }
0xdc: {  	[spmem:s3] =	stream.indirect.scatter.add.f32 [tilespmem:s7], [sflag:$0x6], $0x80, s15, s6, $0xb8;
	[tilespmem:$0x1F3F8] =	vst v63  }
0xdd: {  	_ = 	snop  }
0xde: {  	[spmem:s4] =	stream.indirect.scatter.add.f32 [tilespmem:s25], [sflag:$0x9], $0x1, s15, s6, $0xb8;
	[tilespmem:$0x1F3F8] =	vst v63  }
0xdf: {  	_ =	swait.ge [sflag:s29], $0x2800  }
0xe0: {  	[sflag:s29] =	ssyncset.done $0x0  }
0xe1: {  	s22 =	simm.s32 $0xB00;
	[sflag:s29] =	ssyncadd.s32 $0xFFFFD800  }
0xe2: {  	[spmem:s3] =	stream.indirect.scatter.add.f32 [tilespmem:s21], [sflag:$0x7], $0x80, s22, s6, $0xb8;
	[tilespmem:$0x1F3F8] =	vst v63  }
0xe3: {  	_ = 	snop  }
0xe4: {  	[spmem:s4] =	stream.indirect.scatter.add.f32 [tilespmem:s25], [sflag:$0x9], $0x1, s22, s6, $0xb8;
	[tilespmem:$0x1F3F8] =	vst v63  }
0xe5: {  	_ =	swait.ge [sflag:s10], $0x2800  }
0xe6: {  	s12 =	simm.s32 $0x370;
	[sflag:s10] =	ssyncset.done $0x0  }
0xe7: {  	s14 =	simm.s32 $0xB80;
	s22 =	simm.s32 $0x800;
	[sflag:s10] =	ssyncadd.s32 $0xFFFFD800  }
0xe8: {  	[spmem:s3] =	stream.indirect.scatter.add.f32 [tilespmem:s23], [sflag:$0x8], $0x80, s14, s6, $0xb8;
	[tilespmem:$0x1F3F8] =	vst v63  }
.LBB2_3:
0xe9: {  	[spmem:s4] =	stream.indirect.scatter.add.f32 [tilespmem:s25], [sflag:$0x9], $0x1, s14, s6, $0xb8;
	[tilespmem:$0x1F3F8] =	vst v63  }
0xea: {  	s14 =	smov.u32 s22  }
0xeb: {  	p0 =	sne.s32 s22, $0x2000;
	s22 =	sadd.s32 $0x800, s22;
	_ =	swait.ge [sflag:s13], $0x2800  }
0xec: {  	[sflag:s13] =	ssyncset.done $0x0  }
0xed: {  	[sflag:s13] =	ssyncadd.s32 $0xFFFFD800  }
0xee: {  	_ =	swait.ge [sflag:s16], $0x50  }
0xef: {  	[sflag:s16] =	ssyncset.done $0x0  }
0xf0: {  	s15 =	sadd.s32 $0xFFFFFF10, s12;
	[sflag:s16] =	ssyncadd.s32 $0xFFFFFFB0  }
0xf1: {  	[tilespmem:s31], [sflag:$0x1] =	stream.indirect.gather [hbm4b:s1+s6], $0x80, s15, s6, $0xb8;
	[tilespmem:$0x1F3F8] =	vst v63  }
0xf2: {  	_ =	swait.ge [sflag:s20], $0x2800  }
0xf3: {  	[sflag:s20] =	ssyncset.done $0x0  }
0xf4: {  	[sflag:s20] =	ssyncadd.s32 $0xFFFFD800  }
0xf5: {  	_ =	swait.ge [sflag:s16], $0x50  }
0xf6: {  	[sflag:s16] =	ssyncset.done $0x0  }
0xf7: {  	s15 =	sadd.s32 $0xFFFFFF60, s12;
	[sflag:s16] =	ssyncadd.s32 $0xFFFFFFB0  }
0xf8: {  	[tilespmem:s7], [sflag:$0x2] =	stream.indirect.gather [hbm4b:s1+s6], $0x80, s15, s6, $0xb8;
	[tilespmem:$0x1F3F8] =	vst v63  }
0xf9: {  	_ =	swait.ge [sflag:s30], $0x2800  }
0xfa: {  	[sflag:s30] =	ssyncset.done $0x0  }
0xfb: {  	[sflag:s30] =	ssyncadd.s32 $0xFFFFD800  }
0xfc: {  	_ =	swait.ge [sflag:s16], $0x50  }
0xfd: {  	[sflag:s16] =	ssyncset.done $0x0  }
0xfe: {  	s15 =	sadd.s32 $0xFFFFFFB0, s12;
	[sflag:s16] =	ssyncadd.s32 $0xFFFFFFB0  }
0xff: {  	[tilespmem:s21], [sflag:$0x3] =	stream.indirect.gather [hbm4b:s1+s6], $0x80, s15, s6, $0xb8;
	[tilespmem:$0x1F3F8] =	vst v63  }
0x100: {  	_ =	swait.ge [sflag:s17], $0x2800  }
0x101: {  	[sflag:s17] =	ssyncset.done $0x0  }
0x102: {  	[sflag:s17] =	ssyncadd.s32 $0xFFFFD800  }
0x103: {  	_ =	swait.ge [sflag:s16], $0x50  }
0x104: {  	[sflag:s16] =	ssyncset.done $0x0  }
0x105: {  	[sflag:s16] =	ssyncadd.s32 $0xFFFFFFB0  }
0x106: {  	[tilespmem:s23], [sflag:$0x4] =	stream.indirect.gather [hbm4b:s1+s6], $0x80, s12, s6, $0xb8;
	[tilespmem:$0x1F3F8] =	vst v63  }
0x107: {  	_ =	swait.ge [sflag:s24], $0x2800  }
0x108: {  	s14 =	sshra.s32 s14, $0x2;
	[sflag:s24] =	ssyncset.done $0x0  }
0x109: {  	s15 =	sadd.s32 $0xA00, s14;
	[sflag:s24] =	ssyncadd.s32 $0xFFFFD800  }
0x10a: {  	[spmem:s3] =	stream.indirect.scatter.add.f32 [tilespmem:s31], [sflag:$0x5], $0x80, s15, s6, $0xb8;
	[tilespmem:$0x1F3F8] =	vst v63  }
0x10b: {  	_ = 	snop  }
0x10c: {  	[spmem:s4] =	stream.indirect.scatter.add.f32 [tilespmem:s25], [sflag:$0x9], $0x1, s15, s6, $0xb8;
	[tilespmem:$0x1F3F8] =	vst v63  }
0x10d: {  	_ =	swait.ge [sflag:s26], $0x2800  }
0x10e: {  	[sflag:s26] =	ssyncset.done $0x0  }
0x10f: {  	s15 =	sadd.s32 $0xA80, s14;
	[sflag:s26] =	ssyncadd.s32 $0xFFFFD800  }
0x110: {  	[spmem:s3] =	stream.indirect.scatter.add.f32 [tilespmem:s7], [sflag:$0x6], $0x80, s15, s6, $0xb8;
	[tilespmem:$0x1F3F8] =	vst v63  }
0x111: {  	_ = 	snop  }
0x112: {  	[spmem:s4] =	stream.indirect.scatter.add.f32 [tilespmem:s25], [sflag:$0x9], $0x1, s15, s6, $0xb8;
	[tilespmem:$0x1F3F8] =	vst v63  }
0x113: {  	_ =	swait.ge [sflag:s29], $0x2800  }
0x114: {  	[sflag:s29] =	ssyncset.done $0x0  }
0x115: {  	s15 =	sadd.s32 $0xB00, s14;
	[sflag:s29] =	ssyncadd.s32 $0xFFFFD800  }
0x116: {  	[spmem:s3] =	stream.indirect.scatter.add.f32 [tilespmem:s21], [sflag:$0x7], $0x80, s15, s6, $0xb8;
	[tilespmem:$0x1F3F8] =	vst v63  }
0x117: {  	_ = 	snop  }
0x118: {  	[spmem:s4] =	stream.indirect.scatter.add.f32 [tilespmem:s25], [sflag:$0x9], $0x1, s15, s6, $0xb8;
	[tilespmem:$0x1F3F8] =	vst v63  }
.Ltmp0:
0x119: {  	_ =	swait.ge [sflag:s10], $0x2800;
	(pc) =	sbr.rel @p0 .LBB2_3-.Ltmp0, $4  }
0x11a: {  	[sflag:s10] =	ssyncset.done $0x0  }
0x11b: {  	s14 =	sadd.s32 $0xB80, s14;
	[sflag:s10] =	ssyncadd.s32 $0xFFFFD800  }
0x11c: {  	[spmem:s3] =	stream.indirect.scatter.add.f32 [tilespmem:s23], [sflag:$0x8], $0x80, s14, s6, $0xb8;
	[tilespmem:$0x1F3F8] =	vst v63  }
0x11d: {  	s12 =	sadd.s32 $0x140, s12  }
0x11e: {  	[spmem:s4] =	stream.indirect.scatter.add.f32 [tilespmem:s25], [sflag:$0x9], $0x1, s14, s6, $0xb8;
	[tilespmem:$0x1F3F8] =	vst v63  }
0x11f: {  	_ =	swait.ge [sflag:s13], $0x2800  }
0x120: {  	[sflag:s13] =	ssyncset.done $0x0  }
0x121: {  	[sflag:s13] =	ssyncadd.s32 $0xFFFFD800  }
0x122: {  	_ =	swait.ge [sflag:s16], $0x50  }
0x123: {  	[sflag:s16] =	ssyncset.done $0x0  }
0x124: {  	s12 =	simm.s32 $0x780;
	[sflag:s16] =	ssyncadd.s32 $0xFFFFFFB0  }
0x125: {  	[tilespmem:s31], [sflag:$0x1] =	stream.indirect.gather [hbm4b:s1+s6], $0x80, s12, s6, $0xb8;
	[tilespmem:$0x1F3F8] =	vst v63  }
0x126: {  	_ =	swait.ge [sflag:s24], $0x2800  }
0x127: {  	[sflag:s24] =	ssyncset.done $0x0  }
0x128: {  	[sflag:s24] =	ssyncadd.s32 $0xFFFFD800  }
0x129: {  	[spmem:s3] =	stream.indirect.scatter.add.f32 [tilespmem:s31], [sflag:$0x5], $0x80, s0, s6, $0xb8;
	[tilespmem:$0x1F3F8] =	vst v63  }
0x12a: {  	_ = 	snop  }
0x12b: {  	[spmem:s4] =	stream.indirect.scatter.add.f32 [tilespmem:s25], [sflag:$0x9], $0x1, s0, s6, $0xb8;
	[tilespmem:$0x1F3F8] =	vst v63  }
0x12c: {  	_ =	swait.ge [sflag:s20], $0x2800  }
0x12d: {  	[sflag:s20] =	ssyncset.done $0x0  }
0x12e: {  	[sflag:s20] =	ssyncadd.s32 $0xFFFFD800  }
0x12f: {  	_ =	swait.ge [sflag:s16], $0x50  }
0x130: {  	[sflag:s16] =	ssyncset.done $0x0  }
0x131: {  	[sflag:s16] =	ssyncadd.s32 $0xFFFFFFB0  }
0x132: {  	_ =	swait.ge [sflag:s30], $0x2800  }
0x133: {  	[sflag:s30] =	ssyncset.done $0x0  }
0x134: {  	[sflag:s30] =	ssyncadd.s32 $0xFFFFD800  }
0x135: {  	_ =	swait.ge [sflag:s16], $0x50  }
0x136: {  	[sflag:s16] =	ssyncset.done $0x0  }
0x137: {  	[sflag:s16] =	ssyncadd.s32 $0xFFFFFFB0  }
0x138: {  	_ =	swait.ge [sflag:s17], $0x2800  }
0x139: {  	[sflag:s17] =	ssyncset.done $0x0  }
0x13a: {  	[sflag:s17] =	ssyncadd.s32 $0xFFFFD800  }
0x13b: {  	_ =	swait.ge [sflag:s16], $0x50  }
0x13c: {  	[sflag:s16] =	ssyncset.done $0x0  }
0x13d: {  	s8 =	sadd.s32 $0x1, s8;
	[sflag:s16] =	ssyncadd.s32 $0xFFFFFFB0  }
0x13e: {  	p0 =	sne.s32 s8, $0x5;
	_ =	swait.ge [sflag:s13], $0x2800  }
.Ltmp1:
0x13f: {  	[sflag:s13] =	ssyncset.done $0x0;
	(pc) =	sbr.rel @p0 .LBB2_2-.Ltmp1, $4  }
0x140: {  	[sflag:s13] =	ssyncadd.s32 $0xFFFFD800  }
0x141: {  	_ =	swait.ge [sflag:s16], $0x50  }
0x142: {  	[sflag:s16] =	ssyncset.done $0x0  }
0x143: {  	[sflag:s16] =	ssyncadd.s32 $0xFFFFFFB0  }
0x144: {  	[bflag:$0x0] =	sbarrier.arrive $0xFFFF  }
0x145: {  	s8 =	rddreg [dreg:$0x12]  }
0x146: {  	[tilespmem:s31], [sflag:$0xA] =	stream.linear.gather [spmem:s8], $0x2800, $0x38;
	[tilespmem:$0x1F3F8] =	vst v63  }
0x147: {  	_ =	swait.ge [sflag:s2], $0x2800  }
0x148: {  	[sflag:s2] =	ssyncset.done $0x0  }
0x149: {  	s12 =	simm.s32 $0x0;
	s14 =	rddreg [dreg:$0x5];
	[sflag:s2] =	ssyncadd.s32 $0xFFFFD800  }
0x14a: {  	[hbm4b:s14+s12] =	stream.linear.scatter [tilespmem:s31], [sflag:$0xA], $0x2800, $0x38;
	[tilespmem:$0x1F3F8] =	vst v63  }
0x14b: {  	_ =	swait.ge [sflag:s2], $0x2800  }
0x14c: {  	[sflag:s2] =	ssyncset.done $0x0  }
0x14d: {  	s15 =	rddreg [dreg:$0x13];
	[sflag:s2] =	ssyncadd.s32 $0xFFFFD800  }
0x14e: {  	[tilespmem:s31], [sflag:$0xA] =	stream.linear.gather [spmem:s15], $0x2800, $0x38;
	[tilespmem:$0x1F3F8] =	vst v63  }
0x14f: {  	_ =	swait.ge [sflag:s2], $0x2800  }
0x150: {  	[sflag:s2] =	ssyncset.done $0x0  }
0x151: {  	s22 =	rddreg [dreg:$0x6];
	[sflag:s2] =	ssyncadd.s32 $0xFFFFD800  }
0x152: {  	[hbm4b:s22+s12] =	stream.linear.scatter [tilespmem:s31], [sflag:$0xA], $0x2800, $0x38;
	[tilespmem:$0x1F3F8] =	vst v63  }
0x153: {  	_ =	swait.ge [sflag:s2], $0x2800  }
0x154: {  	[sflag:s2] =	ssyncset.done $0x0  }
0x155: {  	s14 =	rddreg [dreg:$0x14];
	[sflag:s2] =	ssyncadd.s32 $0xFFFFD800  }
0x156: {  	[tilespmem:s31], [sflag:$0xA] =	stream.linear.gather [spmem:s14], $0x2800, $0x38;
	[tilespmem:$0x1F3F8] =	vst v63  }
0x157: {  	_ =	swait.ge [sflag:s2], $0x2800  }
0x158: {  	[sflag:s2] =	ssyncset.done $0x0  }
0x159: {  	s15 =	rddreg [dreg:$0x7];
	[sflag:s2] =	ssyncadd.s32 $0xFFFFD800  }
0x15a: {  	[hbm4b:s15+s12] =	stream.linear.scatter [tilespmem:s31], [sflag:$0xA], $0x2800, $0x38;
	[tilespmem:$0x1F3F8] =	vst v63  }
0x15b: {  	_ =	swait.ge [sflag:s2], $0x2800  }
0x15c: {  	[sflag:s2] =	ssyncset.done $0x0  }
0x15d: {  	s22 =	rddreg [dreg:$0x15];
	[sflag:s2] =	ssyncadd.s32 $0xFFFFD800  }
0x15e: {  	[tilespmem:s31], [sflag:$0xA] =	stream.linear.gather [spmem:s22], $0x2800, $0x38;
	[tilespmem:$0x1F3F8] =	vst v63  }
0x15f: {  	_ =	swait.ge [sflag:s2], $0x2800  }
0x160: {  	[sflag:s2] =	ssyncset.done $0x0  }
0x161: {  	s14 =	rddreg [dreg:$0x8];
	[sflag:s2] =	ssyncadd.s32 $0xFFFFD800  }
0x162: {  	[hbm4b:s14+s12] =	stream.linear.scatter [tilespmem:s31], [sflag:$0xA], $0x2800, $0x38;
	[tilespmem:$0x1F3F8] =	vst v63  }
0x163: {  	_ =	swait.ge [sflag:s2], $0x2800  }
0x164: {  	[sflag:s2] =	ssyncset.done $0x0  }
0x165: {  	s15 =	rddreg [dreg:$0x16];
	[sflag:s2] =	ssyncadd.s32 $0xFFFFD800  }
0x166: {  	[tilespmem:s31], [sflag:$0xA] =	stream.linear.gather [spmem:s15], $0x2800, $0x38;
	[tilespmem:$0x1F3F8] =	vst v63  }
0x167: {  	_ =	swait.ge [sflag:s2], $0x2800  }
0x168: {  	[sflag:s2] =	ssyncset.done $0x0  }
0x169: {  	s22 =	rddreg [dreg:$0x9];
	[sflag:s2] =	ssyncadd.s32 $0xFFFFD800  }
0x16a: {  	[hbm4b:s22+s12] =	stream.linear.scatter [tilespmem:s31], [sflag:$0xA], $0x2800, $0x38;
	[tilespmem:$0x1F3F8] =	vst v63  }
0x16b: {  	_ =	swait.ge [sflag:s2], $0x2800  }
0x16c: {  	[sflag:s2] =	ssyncset.done $0x0  }
0x16d: {  	s14 =	rddreg [dreg:$0x17];
	[sflag:s2] =	ssyncadd.s32 $0xFFFFD800  }
0x16e: {  	[tilespmem:s31], [sflag:$0xA] =	stream.linear.gather [spmem:s14], $0x2800, $0x38;
	[tilespmem:$0x1F3F8] =	vst v63  }
0x16f: {  	_ =	swait.ge [sflag:s2], $0x2800  }
0x170: {  	[sflag:s2] =	ssyncset.done $0x0  }
0x171: {  	s15 =	rddreg [dreg:$0xa];
	[sflag:s2] =	ssyncadd.s32 $0xFFFFD800  }
0x172: {  	[hbm4b:s15+s12] =	stream.linear.scatter [tilespmem:s31], [sflag:$0xA], $0x2800, $0x38;
	[tilespmem:$0x1F3F8] =	vst v63  }
0x173: {  	_ =	swait.ge [sflag:s2], $0x2800  }
0x174: {  	[sflag:s2] =	ssyncset.done $0x0  }
0x175: {  	s22 =	rddreg [dreg:$0x18];
	[sflag:s2] =	ssyncadd.s32 $0xFFFFD800  }
0x176: {  	[tilespmem:s31], [sflag:$0xA] =	stream.linear.gather [spmem:s22], $0x2800, $0x38;
	[tilespmem:$0x1F3F8] =	vst v63  }
0x177: {  	_ =	swait.ge [sflag:s2], $0x2800  }
0x178: {  	[sflag:s2] =	ssyncset.done $0x0  }
0x179: {  	s14 =	rddreg [dreg:$0xb];
	[sflag:s2] =	ssyncadd.s32 $0xFFFFD800  }
0x17a: {  	[hbm4b:s14+s12] =	stream.linear.scatter [tilespmem:s31], [sflag:$0xA], $0x2800, $0x38;
	[tilespmem:$0x1F3F8] =	vst v63  }
0x17b: {  	_ =	swait.ge [sflag:s2], $0x2800  }
0x17c: {  	[sflag:s2] =	ssyncset.done $0x0  }
0x17d: {  	s15 =	rddreg [dreg:$0x19];
	[sflag:s2] =	ssyncadd.s32 $0xFFFFD800  }
0x17e: {  	[tilespmem:s31], [sflag:$0xA] =	stream.linear.gather [spmem:s15], $0x2800, $0x38;
	[tilespmem:$0x1F3F8] =	vst v63  }
0x17f: {  	_ =	swait.ge [sflag:s2], $0x2800  }
0x180: {  	[sflag:s2] =	ssyncset.done $0x0  }
0x181: {  	s22 =	rddreg [dreg:$0xc];
	[sflag:s2] =	ssyncadd.s32 $0xFFFFD800  }
0x182: {  	[hbm4b:s22+s12] =	stream.linear.scatter [tilespmem:s31], [sflag:$0xA], $0x2800, $0x38;
	[tilespmem:$0x1F3F8] =	vst v63  }
0x183: {  	_ =	swait.ge [sflag:s2], $0x2800  }
0x184: {  	[sflag:s2] =	ssyncset.done $0x0  }
0x185: {  	s15 =	simm.s32 $0x1F378;
	s14 =	rddreg [dreg:$0x10];
	[sflag:s2] =	ssyncadd.s32 $0xFFFFD800  }
0x186: {  	[tilespmem:s15], [sflag:$0xA] =	stream.linear.gather [spmem:s14], $0x50, $0x38;
	[tilespmem:$0x1F3F8] =	vst v63  }
0x187: {  	_ =	swait.ge [sflag:s2], $0x50  }
0x188: {  	[sflag:s2] =	ssyncset.done $0x0  }
0x189: {  	s22 =	rddreg [dreg:$0x1a];
	[sflag:s2] =	ssyncadd.s32 $0xFFFFFFB0  }
0x18a: {  	[hbm4b:s22+s12] =	stream.linear.scatter [tilespmem:s15], [sflag:$0xA], $0x50, $0x38;
	[tilespmem:$0x1F3F8] =	vst v63  }
0x18b: {  	_ =	swait.ge [sflag:s2], $0x50  }
0x18c: {  	s14 =	sld [smem:$0x7F6]  }
0x18d: {  	[sflag:s2] =	ssyncset.done $0x0  }
0x18e: {  	[sflag:s2] =	ssyncadd.s32 $0xFFFFFFB0  }
0x18f: {  	[tilespmem:s15], [sflag:$0xA] =	stream.linear.gather [spmem:s14], $0x50, $0x38;
	[tilespmem:$0x1F3F8] =	vst v63  }
0x190: {  	_ =	swait.ge [sflag:s2], $0x50  }
0x191: {  	[sflag:s2] =	ssyncset.done $0x0  }
0x192: {  	s22 =	rddreg [dreg:$0x1b];
	[sflag:s2] =	ssyncadd.s32 $0xFFFFFFB0  }
0x193: {  	[hbm4b:s22+s12] =	stream.linear.scatter [tilespmem:s15], [sflag:$0xA], $0x50, $0x38;
	[tilespmem:$0x1F3F8] =	vst v63  }
0x194: {  	_ =	swait.ge [sflag:s2], $0x50  }
0x195: {  	s14 =	sld [smem:$0x7F7]  }
0x196: {  	[sflag:s2] =	ssyncset.done $0x0  }
0x197: {  	[sflag:s2] =	ssyncadd.s32 $0xFFFFFFB0  }
0x198: {  	[tilespmem:s15], [sflag:$0xA] =	stream.linear.gather [spmem:s14], $0x50, $0x38;
	[tilespmem:$0x1F3F8] =	vst v63  }
0x199: {  	_ =	swait.ge [sflag:s2], $0x50  }
0x19a: {  	[sflag:s2] =	ssyncset.done $0x0  }
0x19b: {  	s22 =	rddreg [dreg:$0x1c];
	[sflag:s2] =	ssyncadd.s32 $0xFFFFFFB0  }
0x19c: {  	[hbm4b:s22+s12] =	stream.linear.scatter [tilespmem:s15], [sflag:$0xA], $0x50, $0x38;
	[tilespmem:$0x1F3F8] =	vst v63  }
0x19d: {  	_ =	swait.ge [sflag:s2], $0x50  }
0x19e: {  	s14 =	sld [smem:$0x7F8]  }
0x19f: {  	[sflag:s2] =	ssyncset.done $0x0  }
0x1a0: {  	[sflag:s2] =	ssyncadd.s32 $0xFFFFFFB0  }
0x1a1: {  	[tilespmem:s15], [sflag:$0xA] =	stream.linear.gather [spmem:s14], $0x50, $0x38;
	[tilespmem:$0x1F3F8] =	vst v63  }
0x1a2: {  	_ =	swait.ge [sflag:s2], $0x50  }
0x1a3: {  	[sflag:s2] =	ssyncset.done $0x0  }
0x1a4: {  	s22 =	rddreg [dreg:$0x1d];
	[sflag:s2] =	ssyncadd.s32 $0xFFFFFFB0  }
0x1a5: {  	[hbm4b:s22+s12] =	stream.linear.scatter [tilespmem:s15], [sflag:$0xA], $0x50, $0x38;
	[tilespmem:$0x1F3F8] =	vst v63  }
0x1a6: {  	_ =	swait.ge [sflag:s2], $0x50  }
0x1a7: {  	s14 =	sld [smem:$0x7F9]  }
0x1a8: {  	[sflag:s2] =	ssyncset.done $0x0  }
0x1a9: {  	[sflag:s2] =	ssyncadd.s32 $0xFFFFFFB0  }
0x1aa: {  	[tilespmem:s15], [sflag:$0xA] =	stream.linear.gather [spmem:s14], $0x50, $0x38;
	[tilespmem:$0x1F3F8] =	vst v63  }
0x1ab: {  	_ =	swait.ge [sflag:s2], $0x50  }
0x1ac: {  	[sflag:s2] =	ssyncset.done $0x0  }
0x1ad: {  	s22 =	rddreg [dreg:$0x1e];
	[sflag:s2] =	ssyncadd.s32 $0xFFFFFFB0  }
0x1ae: {  	[hbm4b:s22+s12] =	stream.linear.scatter [tilespmem:s15], [sflag:$0xA], $0x50, $0x38;
	[tilespmem:$0x1F3F8] =	vst v63  }
0x1af: {  	_ =	swait.ge [sflag:s2], $0x50  }
0x1b0: {  	s14 =	sld [smem:$0x7FA]  }
0x1b1: {  	[sflag:s2] =	ssyncset.done $0x0  }
0x1b2: {  	[sflag:s2] =	ssyncadd.s32 $0xFFFFFFB0  }
0x1b3: {  	[tilespmem:s15], [sflag:$0xA] =	stream.linear.gather [spmem:s14], $0x50, $0x38;
	[tilespmem:$0x1F3F8] =	vst v63  }
0x1b4: {  	_ =	swait.ge [sflag:s2], $0x50  }
0x1b5: {  	[sflag:s2] =	ssyncset.done $0x0  }
0x1b6: {  	s22 =	rddreg [dreg:$0x1f];
	[sflag:s2] =	ssyncadd.s32 $0xFFFFFFB0  }
0x1b7: {  	[hbm4b:s22+s12] =	stream.linear.scatter [tilespmem:s15], [sflag:$0xA], $0x50, $0x38;
	[tilespmem:$0x1F3F8] =	vst v63  }
0x1b8: {  	_ =	swait.ge [sflag:s2], $0x50  }
0x1b9: {  	s14 =	sld [smem:$0x7FB]  }
0x1ba: {  	[sflag:s2] =	ssyncset.done $0x0  }
0x1bb: {  	[sflag:s2] =	ssyncadd.s32 $0xFFFFFFB0  }
0x1bc: {  	[tilespmem:s15], [sflag:$0xA] =	stream.linear.gather [spmem:s14], $0x50, $0x38;
	[tilespmem:$0x1F3F8] =	vst v63  }
0x1bd: {  	_ =	swait.ge [sflag:s2], $0x50  }
0x1be: {  	s22 =	sld [smem:$0x7F4]  }
0x1bf: {  	[sflag:s2] =	ssyncset.done $0x0  }
0x1c0: {  	[sflag:s2] =	ssyncadd.s32 $0xFFFFFFB0  }
0x1c1: {  	[hbm4b:s22+s12] =	stream.linear.scatter [tilespmem:s15], [sflag:$0xA], $0x50, $0x38;
	[tilespmem:$0x1F3F8] =	vst v63  }
0x1c2: {  	_ =	swait.ge [sflag:s2], $0x50  }
0x1c3: {  	s22 =	sld [smem:$0x7FD]  }
0x1c4: {  	[sflag:s2] =	ssyncset.done $0x0  }
0x1c5: {  	[sflag:s2] =	ssyncadd.s32 $0xFFFFFFB0  }
0x1c6: {  	[tilespmem:s15], [sflag:$0xA] =	stream.linear.gather [spmem:s22], $0x50, $0x38;
	[tilespmem:$0x1F3F8] =	vst v63  }
0x1c7: {  	_ =	swait.ge [sflag:s2], $0x50  }
0x1c8: {  	s14 =	sld [smem:$0x7F5]  }
0x1c9: {  	[sflag:s2] =	ssyncset.done $0x0  }
0x1ca: {  	[sflag:s2] =	ssyncadd.s32 $0xFFFFFFB0  }
0x1cb: {  	[hbm4b:s14+s12] =	stream.linear.scatter [tilespmem:s15], [sflag:$0xA], $0x50, $0x38;
	[tilespmem:$0x1F3F8] =	vst v63  }
0x1cc: {  	_ =	swait.ge [sflag:s2], $0x50  }
0x1cd: {  	s14 =	sld [smem:$0x7FC];
	_ =	sdelay $0x2  }
0x1ce: {  	s8 =	rddreg [dreg:$0x11];
	s14 =	sadd.s32 $0x1, s14  }
0x1cf: {  	p0 =	sne.s32 s14, s8  }
.Ltmp2:
0x1d0: {  	_ = 	snop;
	(pc) =	sbr.rel @p0 .LBB2_1-.Ltmp2, $3  }
0x1d1: {  	_ =	sdelay $0x1  }
0x1d2: {  	[sflag:s2] =	ssyncset.done $0x0;
	[smem:$0x7FC] =	sst s14  }
0x1d3: {  	[sflag:s2] =	ssyncadd.s32 $0xFFFFFFB0;
	s14 =	rddreg [dreg:$0x13]  }
0x1d4: {  	_ =	sfence.sel $0x180000  }
0x1d5: {  	[bflag:$0x0] =	sbarrier.arrive $0xFFFF  }
0x1d6: {  	_ =	strace $0x90000047  }
0x1d7: {  	s0 =	stileid.u32;
	[bflag:$0x2] =	sbarrier.arrive $0xFFFF  }
0x1d8: {  	p0 =	sne.s32 s0, $0x0;
	s0 =	rddreg [dreg:$0x4]  }
0x1d9: {  	s0 =	sadd.s32 @!p0 $0x100000, s0  }
0x1da: {  	[sflag:s0] =	ssyncadd.tile.s32 @!p0 $0x1;
	_ =	shalt  }
.Lfunc_end2:
_tile_overlayer_lowered:
.L_overlay_start_2:
0x1db: {  	(tag) =	ssettag $0x2  }
0x1dc: {  	s0 =	rddreg [dreg:$0x0];
	s2 =	stileid.u32  }
0x1dd: {  	s1 =	rddreg [dreg:$0x1];
	p0 =	sne.s32 s2, $0x0  }
0x1de: {  	s3 =	rddreg [dreg:$0x2];
	[bflag:$0x3] =	sbarrier.arrive $0xFFFF;
	s2 =	simm.s32 @!p0 $0x1C0A  }
0x1df: {  	[timem:s3], [sflag:s2] =	dma.local @!p0 [hbm:s0], s1  }
0x1e0: {  	s0 =	simm.s32 @!p0 $0xA  }
0x1e1: {  	_ =	swait.ge @!p0 [sflag:s0], s1  }
0x1e2: {  	s1 =	ssub.s32 @!p0 $0x0, s1;
	[sflag:s0] =	ssyncset.done @!p0 $0x0  }
0x1e3: {  	[sflag:s0] =	ssyncadd.s32 @!p0 s1  }
0x1e4: {  	[bflag:$0x3] =	sbarrier.arrive $0xFFFF  }
0x1e5: {  	_ =	shalt  }

// kernel: kernel.9.cloned.1.call-start
scs
__scs_entry_jumppad:
0x0: {  	(pc) =	sbr.rel $0x88, $3  }
0x1: {  	(tag) =	ssettag $0x0;
	lr =	simm.s32 $0x1  }
0x2: {  	[smem:$0x3F96] =	sst lr;
	_ =	strace $0xD0000000  }
0x3: {  	_ = 	snop  }
0x4: {  	_ = 	snop  }
0x5: {  	_ = 	snop  }
0x6: {  	_ = 	snop  }
0x7: {  	_ = 	snop  }
__scs_overlays_trampoline_lowered:
0x8: {  	[smem:$0x3FA5] =	sst s0  }
0x9: {  	[smem:$0x3FA6] =	sst s1  }
0xa: {  	[smem:$0x3FA7] =	sst s2  }
0xb: {  	[smem:$0x3FA8] =	sst s3  }
0xc: {  	[smem:$0x3FA9] =	sst s4  }
0xd: {  	[smem:$0x3FAA] =	sst s5  }
0xe: {  	[smem:$0x3FAB] =	sst s6  }
0xf: {  	[smem:$0x3FAC] =	sst s7  }
0x10: {  	[smem:$0x3FAD] =	sst s8  }
0x11: {  	[smem:$0x3FAE] =	sst s9;
	s0 =	simm.s32 @!p0 $0x0  }
0x12: {  	s1 =	sld [smem:$0x3F94];
	s0 =	simm.s32 @p0 $0x1  }
0x13: {  	[smem:$0x3FAF] =	sst s0;
	s0 =	simm.s32 @!p1 $0x0  }
0x14: {  	s2 =	sld [smem:$0x3F93];
	s0 =	simm.s32 @p1 $0x1  }
0x15: {  	[smem:$0x3FB0] =	sst s0;
	s0 =	simm.s32 @!p2 $0x0  }
0x16: {  	s3 =	sld [smem:$0x3FDB];
	s0 =	simm.s32 @p2 $0x1  }
0x17: {  	s4 =	simm.s32 $0x1BF5;
	[smem:$0x3FB2] =	sst s0  }
0x18: {  	s0 =	sld [smem:$0x3F95];
	_ =	swait.ge [sflag:s4], $0x0  }
0x19: {  	s7 =	sld [smem:$0x3F96]  }
0x1a: {  	s8 =	sadd.s32 $0xFFFFE003, lr  }
0x1b: {  	s9 =	sadd.s32 $0xFFFFFEF7, lr;
	s5 =	simm.s32 $0xFFFFFFFF;
	p2 =	slt.u32 s8, $0xFFFFF086  }
0x1c: {  	p1 =	slt.u32 s9, $0xF7A;
	s5 =	simm.s32 @!p2 $0x0  }
0x1d: {  	s5 =	simm.s32 @p1 $0x1;
	p0 =	seq.s32 s7, s2  }
0x1e: {  	s7 =	smul.u32 @!p0 $0xF7A, s2;
	p2 =	seq.s32 @!p0 s5, $0x0  }
0x1f: {  	s9 =	smul.u32 $0xF7A, s1;
	s8 =	simm.s32 @!p0 $0x1BF5;
	p2 =	por !p2, p0  }
0x20: {  	[sflag:s8] =	ssyncset.s32 @!p0 $0xFFFFF086;
	s6 =	sadd.s32 @!p0 s3, s7;
	s7 =	simm.s32 @!p0 $0x108  }
0x21: {  	s3 =	sadd.s32 s3, s9;
	s6 =	sadd.s32 @!p0 $0x88, s6;
	s7 =	simm.s32 @p2 $0x1082  }
0x22: {  	[simem:s7], [sflag:s8] =	dma.local @!p0 [hbm:s6], $0xF7A  }
0x23: {  	s9 =	sor.u32 $0xD0000000, s2;
	s6 =	simm.s32 $0x108;
	_ =	swait.ge @!p0 [sflag:s8], $0x0  }
0x24: {  	s3 =	sadd.s32 $0x88, s3;
	s6 =	simm.s32 @!p1 $0x1082;
	[sflag:s4] =	ssyncset.s32 $0xFFFFF086  }
0x25: {  	[simem:s6], [sflag:s4] =	dma.local [hbm:s3], $0xF7A  }
0x26: {  	[smem:$0x3F96] =	sst s1;
	(tag) =	ssettag s2;
	_ =	strace s9  }
0x27: {  	s1 =	sld [smem:$0x3FA6]  }
0x28: {  	s2 =	sld [smem:$0x3FA7]  }
0x29: {  	s4 =	sld [smem:$0x3FA9]  }
0x2a: {  	p0 =	seq.s32 s5, $0x0;
	s5 =	sld [smem:$0x3FAA]  }
0x2b: {  	s6 =	sld [smem:$0x3FAB]  }
0x2c: {  	s7 =	sld [smem:$0x3FAC]  }
0x2d: {  	s3 =	simm.s32 $0x108;
	s8 =	sld [smem:$0x3FAD]  }
0x2e: {  	s3 =	simm.s32 @!p0 $0x1082;
	s9 =	sld [smem:$0x3FAE]  }
0x2f: {  	lr =	sadd.s32 s0, s3;
	s0 =	sld [smem:$0x3FA5]  }
0x30: {  	s3 =	sld [smem:$0x3FA8]  }
0x31: {  	[smem:$0x3FB1] =	sst s10  }
0x32: {  	s10 =	sld [smem:$0x3FAF];
	_ =	sdelay $0x3  }
0x33: {  	p0 =	seq.s32 s10, $0x1;
	s10 =	sld [smem:$0x3FB1];
	_ =	sdelay $0x3  }
0x34: {  	[smem:$0x3FB1] =	sst s10  }
0x35: {  	s10 =	sld [smem:$0x3FB0];
	_ =	sdelay $0x3  }
0x36: {  	p1 =	seq.s32 s10, $0x1;
	s10 =	sld [smem:$0x3FB1];
	_ =	sdelay $0x3  }
0x37: {  	[smem:$0x3FB1] =	sst s10  }
0x38: {  	s10 =	sld [smem:$0x3FB2]  }
0x39: {  	_ = 	snop;
	(pc) =	sbr.ind lr, $3  }
0x3a: {  	_ = 	snop  }
0x3b: {  	_ = 	snop  }
0x3c: {  	p2 =	seq.s32 s10, $0x1;
	s10 =	sld [smem:$0x3FB1]  }
0x3d: {  	_ =	shalt  }
0x3e: {  	_ =	shalt  }
0x3f: {  	_ =	shalt  }
0x40: {  	_ =	shalt  }
0x41: {  	_ =	shalt  }
0x42: {  	_ =	shalt  }
0x43: {  	_ =	shalt  }
0x44: {  	_ =	shalt  }
0x45: {  	_ =	shalt  }
0x46: {  	_ =	shalt  }
0x47: {  	_ =	shalt  }
0x48: {  	_ =	shalt  }
0x49: {  	_ =	shalt  }
0x4a: {  	_ =	shalt  }
0x4b: {  	_ =	shalt  }
0x4c: {  	_ =	shalt  }
0x4d: {  	_ =	shalt  }
0x4e: {  	_ =	shalt  }
0x4f: {  	_ =	shalt  }
0x50: {  	_ =	shalt  }
0x51: {  	_ =	shalt  }
0x52: {  	_ =	shalt  }
0x53: {  	_ =	shalt  }
0x54: {  	_ =	shalt  }
0x55: {  	_ =	shalt  }
0x56: {  	_ =	shalt  }
0x57: {  	_ =	shalt  }
0x58: {  	_ =	shalt  }
0x59: {  	_ =	shalt  }
0x5a: {  	_ =	shalt  }
0x5b: {  	_ =	shalt  }
0x5c: {  	_ =	shalt  }
0x5d: {  	_ =	shalt  }
0x5e: {  	_ =	shalt  }
0x5f: {  	_ =	shalt  }
0x60: {  	_ =	shalt  }
0x61: {  	_ =	shalt  }
0x62: {  	_ =	shalt  }
0x63: {  	_ =	shalt  }
0x64: {  	_ =	shalt  }
0x65: {  	_ =	shalt  }
0x66: {  	_ =	shalt  }
0x67: {  	_ =	shalt  }
0x68: {  	_ =	shalt  }
0x69: {  	_ =	shalt  }
0x6a: {  	_ =	shalt  }
0x6b: {  	_ =	shalt  }
0x6c: {  	_ =	shalt  }
0x6d: {  	_ =	shalt  }
0x6e: {  	_ =	shalt  }
0x6f: {  	_ =	shalt  }
0x70: {  	_ =	shalt  }
0x71: {  	_ =	shalt  }
0x72: {  	_ =	shalt  }
0x73: {  	_ =	shalt  }
0x74: {  	_ =	shalt  }
0x75: {  	_ =	shalt  }
0x76: {  	_ =	shalt  }
0x77: {  	_ =	shalt  }
0x78: {  	_ =	shalt  }
0x79: {  	_ =	shalt  }
0x7a: {  	_ =	shalt  }
0x7b: {  	_ =	shalt  }
0x7c: {  	_ =	shalt  }
0x7d: {  	_ =	shalt  }
0x7e: {  	_ =	shalt  }
0x7f: {  	_ =	shalt  }
0x80: {  	_ =	shalt  }
0x81: {  	_ =	shalt  }
0x82: {  	_ =	shalt  }
0x83: {  	_ =	shalt  }
0x84: {  	_ =	shalt  }
0x85: {  	_ =	shalt  }
0x86: {  	_ =	shalt  }
0x87: {  	_ =	shalt  }
.Lfunc_end0:
.L_simem_size_0:
called_computation.1_lowered:
.L_overlay_start_0:
0x88: {  	s2 =	sld [smem:$0x3FD9]  }
0x89: {  	s3 =	sld [smem:$0x3FFE];
	_ =	sdelay $0x1  }
0x8a: {  	s1 =	srdreg.scid  }
0x8b: {  	s0 =	sand.u32 $0x1, s1  }
0x8c: {  	s16 =	sshll.u32 s0, $0xA;
	s2 =	sadd.s32 s3, s2  }
0x8d: {  	s2 =	sadd.s32 s2, s16  }
0x8e: {  	[smem:$0x3FBD] =	sst s2  }
0x8f: {  	_ = 	snop  }
0x90: {  	(tm) =	ssettm $0x1  }
0x91: {  	s17 =	sld [smem:$0x3FFB];
	_ =	sdelay $0x3  }
0x92: {  	_ =	strace s17  }
0x93: {  	s2 =	sld [smem:$0x3FFC];
	_ =	sdelay $0x3  }
0x94: {  	_ =	strace s2  }
0x95: {  	s2 =	sld [smem:$0x3FFD];
	_ =	sdelay $0x3  }
0x96: {  	_ =	strace s2  }
0x97: {  	_ =	strace $0x8FFFFFFF  }
0x98: {  	s18 =	sld [smem:$0x3FDB];
	_ =	sdelay $0x1  }
0x99: {  	s19 =	simm.s32 $_scs_section_size  }
0x9a: {  	s4 =	simm.s32 $_size__tile_overlayer_lowered;
	s5 =	simm.s32 $_tile_overlayer_lowered  }
0x9b: {  	s22 =	simm.s32 $0x1BFF;
	s21 =	sshll.u32 s5, $0x1;
	s2 =	sadd.s32 s19, s18  }
0x9c: {  	s6 =	simm.s32 $0x0;
	s20 =	sshll.u32 s4, $0x1;
	s4 =	sadd.s32 s21, s2  }
0x9d: {  	[timem:s6], [sflag:s22] =	dma.local [hbm:s4], s20  }
0x9e: {  	_ =	swait.ge [sflag:s22], s20  }
0x9f: {  	s3 =	ssub.s32 $0x0, s20;
	[sflag:s22] =	ssyncset.done $0x0  }
0xa0: {  	[sflag:s22] =	ssyncadd.s32 s3;
	_ =	sdelay $0x1  }
0xa1: {  	s23 =	simm.s32 $0x1B8B  }
0xa2: {  	_ =	swait.ge [sflag:s23], $0x1  }
0xa3: {  	[sflag:s23] =	ssyncset.done $0x0  }
0xa4: {  	s25 =	simm.s32 $0x1B8E;
	s24 =	sld [smem:$0x3FFE];
	[sflag:s23] =	ssyncadd.s32 $0xFFFFFFFF  }
0xa5: {  	s26 =	simm.s32 $execute0_lowered;
	[smem:$0x3FD2] =	sst s25  }
0xa6: {  	s4 =	sshll.u32 s26, $0x1;
	_ =	strace $0x80000049;
	[dreg:$0x1] =	wrdreg $0xFFFFFFFF  }
0xa7: {  	s28 =	simm.s32 $_size_execute0_lowered;
	s2 =	sadd.s32 s2, s4;
	[dreg:$0x0] =	wrdreg $0x0  }
0xa8: {  	s4 =	sshll.u32 s28, $0x1;
	[dreg:$0x2] =	wrdreg s2  }
0xa9: {  	[dreg:$0x3] =	wrdreg s4  }
0xaa: {  	[dreg:$0x4] =	wrdreg $0xC0  }
0xab: {  	_ =	task [dreg:s6], $0x5FFFF  }
0xac: {  	[dreg:$0x1] =	wrdreg $0xFFFFFFFF  }
0xad: {  	[dreg:$0x0] =	wrdreg $0x60  }
0xae: {  	[dreg:$0x2] =	wrdreg s24  }
0xaf: {  	[dreg:$0x3] =	wrdreg $0x18000  }
0xb0: {  	[dreg:$0x4] =	wrdreg $0x9  }
0xb1: {  	_ =	task.clear_ibuf [dreg:s6], $0x5FFFF;
	_ =	strace $0x90000049  }
0xb2: {  	s29 =	simm.s32 $0x9;
	_ =	strace $0x8000004B  }
0xb3: {  	_ =	swait.ge [sflag:s29], $0x1  }
0xb4: {  	[sflag:s29] =	ssyncadd.s32 $0xFFFFFFFF  }
0xb5: {  	_ =	strace $0x9000004B  }
0xb6: {  	_ =	sfence  }
0xb7: {  	s30 =	sld [smem:$0x0];
	_ =	sdelay $0x2  }
0xb8: {  	s31 =	sshll.u32 s1, $0xD;
	s1 =	sshrl.u32 s1, $0x2  }
0xb9: {  	s3 =	sand.u32 $0x4000, s31;
	s1 =	sadd.s32 s1, s30  }
0xba: {  	s0 =	sor.u32 s3, s0;
	s1 =	sshll.u32 s1, $0x11  }
0xbb: {  	s0 =	sor.u32 s1, s0  }
0xbc: {  	s0 =	sadd.s32 $0x8F2B, s0  }
0xbd: {  	[sflag:s0] =	ssyncadd.remote.s32 $0x1  }
0xbe: {  	_ =	sfence.sel $0xFFFF  }
0xbf: {  	[dreg:$0x0] =	wrdreg $0xFFFFFFFF;
	(pc) =	sbr.abs _section_cstart, $3  }
0xc0: {  	[dreg:$0x1] =	wrdreg $0xFFFFFFFF  }
0xc1: {  	_ =	task.clear_ibuf [dreg:s6], $0x2FFFF;
	_ =	strace $0x9FFFFFFF  }
0xc2: {  	(tm) =	ssettm $0x7FFFFFFF  }
0xc3: {  	_ =	shalt  }
tec
execute0_lowered:
.L_overlay_start_1:
0x0: {  	(tag) =	ssettag $0x1  }
0x1: {  	s1 =	rddreg [dreg:$0x0]  }
0x2: {  	s0 =	srdreg.scid;
	s2 =	rddreg [dreg:$0x1];
	s3 =	simm.s32 $0x0  }
0x3: {  	s10 =	stileid.u32;
	[smem:$0x7FF] =	sst s3;
	s8 =	sadd.s32 $0x20200, s1  }
0x4: {  	s13 =	simm.s32 $0xA0;
	_ =	strace $0x8000004A;
	[smem:$0x7DF] =	sst s8  }
0x5: {  	s14 =	simm.s32 $0xF0;
	s17 =	simm.s32 $0x880;
	[dreg:$0x4] =	wrdreg s13  }
0x6: {  	s18 =	simm.s32 $0x900;
	s19 =	simm.s32 $0x980;
	[dreg:$0x5] =	wrdreg s14  }
0x7: {  	s20 =	simm.s32 $0x140;
	s21 =	simm.s32 $0x190;
	[dreg:$0x6] =	wrdreg s17  }
0x8: {  	s22 =	simm.s32 $0x1E0;
	s23 =	simm.s32 $0x230;
	[dreg:$0x7] =	wrdreg s18  }
0x9: {  	s28 =	simm.s32 $0x50;
	s29 =	simm.s32 $0x17880;
	[dreg:$0x8] =	wrdreg s19  }
0xa: {  	s30 =	simm.s32 $0x1A080;
	s24 =	smul.u32 $0x4E20, s10;
	[dreg:$0x9] =	wrdreg s20  }
0xb: {  	s31 =	simm.s32 $0x1C880;
	s6 =	smul.u32 $0xA000, s10;
	[dreg:$0xa] =	wrdreg s21  }
0xc: {  	s5 =	sand.u32 $0x1, s0;
	s26 =	smul.u32 $0x4E000, s10;
	[dreg:$0xb] =	wrdreg s22  }
0xd: {  	s10 =	smul.u32 $0x13800, s10;
	[dreg:$0xc] =	wrdreg s23;
	s18 =	simm.s32 $0xB80  }
0xe: {  	s4 =	smul.u32 $0x2710, s5;
	s19 =	simm.s32 $0x280;
	[dreg:$0x10] =	wrdreg s18  }
0xf: {  	s7 =	smul.u32 $0x5000, s5;
	s20 =	simm.s32 $0x2D0;
	[dreg:$0x11] =	wrdreg s19  }
0x10: {  	s11 =	ssub.s32 $0x2, s5;
	s21 =	simm.s32 $0x320;
	[dreg:$0x12] =	wrdreg s20  }
0x11: {  	s5 =	smul.u32 $0x138800, s5;
	s22 =	simm.s32 $0x370;
	[dreg:$0x13] =	wrdreg s21  }
0x12: {  	s23 =	simm.s32 $0xC00;
	s9 =	sshrl.u32 s11, $0x1;
	[dreg:$0x14] =	wrdreg s22  }
0x13: {  	[dreg:$0x15] =	wrdreg s23;
	s18 =	simm.s32 $0x410;
	s19 =	simm.s32 $0x460  }
0x14: {  	s20 =	simm.s32 $0x4B0;
	s22 =	simm.s32 $0xE00;
	s0 =	sadd.s32 s4, s24  }
0x15: {  	s6 =	sadd.s32 s7, s6;
	s4 =	sadd.s32 $0x47400, s1;
	[dreg:$0x1a] =	wrdreg s18  }
0x16: {  	s8 =	ssub.s32 s11, s9;
	s9 =	sadd.s32 $0x7800, s10;
	[dreg:$0x1b] =	wrdreg s19  }
0x17: {  	s11 =	sadd.s32 $0xA000, s10;
	s24 =	simm.s32 $0xA00;
	[dreg:$0x1c] =	wrdreg s20  }
0x18: {  	[dreg:$0x1d] =	wrdreg s22;
	s18 =	simm.s32 $0x5F0;
	s20 =	simm.s32 $0x1000  }
0x19: {  	s22 =	simm.s32 $0x1100;
	s0 =	sshrl.u32 s0, $0x3;
	[dreg:$0xd] =	wrdreg s24  }
0x1a: {  	s6 =	sshrl.u32 s6, $0x3;
	s12 =	smax.u32 s8, $0x1;
	[smem:$0x7EF] =	sst s18  }
0x1b: {  	s8 =	sadd.s32 $0x5000, s10;
	s17 =	sadd.s32 s9, s2;
	[smem:$0x7F1] =	sst s20  }
0x1c: {  	s9 =	sadd.s32 s5, s9;
	s24 =	simm.s32 $0xC80;
	[smem:$0x7F4] =	sst s22  }
0x1d: {  	s18 =	simm.s32 $0x8;
	s20 =	simm.s32 $0x730;
	s22 =	simm.s32 $0x1280  }
0x1e: {  	s25 =	sadd.s32 s0, s1;
	s0 =	sadd.s32 s6, s1;
	[smem:$0x7E1] =	sst s12  }
0x1f: {  	s1 =	sadd.s32 $0x6E600, s1;
	s12 =	sadd.s32 s11, s2;
	[dreg:$0x16] =	wrdreg s24  }
0x20: {  	s6 =	sshrl.u32 s26, $0x2;
	s26 =	simm.s32 $0xB00;
	[smem:$0x7E2] =	sst s12  }
0x21: {  	s16 =	sadd.s32 s8, s2;
	s24 =	simm.s32 $0xE80;
	[dreg:$0xf] =	wrdreg s26  }
0x22: {  	s8 =	sadd.s32 s5, s8;
	s6 =	sadd.s32 s6, s2;
	[dreg:$0x1e] =	wrdreg s24  }
0x23: {  	s11 =	sadd.s32 s5, s11;
	s7 =	sadd.s32 $0x2400, s25;
	[smem:$0x7E0] =	sst s6  }
0x24: {  	s12 =	sadd.s32 $0xC800, s10;
	s25 =	simm.s32 $0xA80;
	[dreg:$0x3] =	wrdreg s7  }
0x25: {  	s26 =	simm.s32 $0xD80;
	s21 =	sshrl.u32 s8, $0x3;
	[dreg:$0xe] =	wrdreg s25  }
0x26: {  	s8 =	sshrl.u32 s11, $0x3;
	s0 =	sadd.s32 $0xC200, s0;
	[dreg:$0x18] =	wrdreg s26  }
0x27: {  	s24 =	simm.s32 $0x1180;
	s6 =	sadd.s32 $0x2800, s10;
	[smem:$0x7F5] =	sst s0  }
0x28: {  	s13 =	sadd.s32 s12, s2;
	s12 =	sadd.s32 s5, s12;
	[smem:$0x7F6] =	sst s24  }
0x29: {  	s25 =	simm.s32 $0xD00;
	s7 =	sadd.s32 s1, s21;
	[smem:$0x7E3] =	sst s13  }
0x2a: {  	s26 =	simm.s32 $0xF00;
	s21 =	simm.s32 $0x1080;
	[dreg:$0x17] =	wrdreg s25  }
0x2b: {  	s24 =	simm.s32 $0x15080;
	s15 =	sadd.s32 s6, s2;
	[smem:$0x7E7] =	sst s7  }
0x2c: {  	s13 =	sadd.s32 $0xF000, s10;
	s6 =	sadd.s32 s5, s6;
	[dreg:$0x1f] =	wrdreg s26  }
0x2d: {  	s25 =	sshrl.u32 s9, $0x3;
	s9 =	simm.s32 $0x500;
	[smem:$0x7F2] =	sst s21  }
0x2e: {  	s11 =	sshrl.u32 s12, $0x3;
	s26 =	simm.s32 $0x690;
	[smem:$0x7EB] =	sst s9  }
0x2f: {  	s14 =	sadd.s32 s13, s2;
	s13 =	sadd.s32 s5, s13;
	[smem:$0x7F8] =	sst s26  }
0x30: {  	s6 =	sshrl.u32 s6, $0x3;
	s7 =	sadd.s32 s1, s25;
	[smem:$0x7E4] =	sst s14  }
0x31: {  	s12 =	smov.u32 s15;
	s25 =	simm.s32 $0x640;
	[smem:$0x7E8] =	sst s7  }
0x32: {  	s14 =	sadd.s32 $0x11800, s10;
	s10 =	sadd.s32 s5, s10;
	[smem:$0x7F7] =	sst s25  }
0x33: {  	s6 =	sadd.s32 s1, s6;
	s7 =	simm.s32 $0xF80;
	[smem:$0x7FA] =	sst s12  }
0x34: {  	s19 =	sshrl.u32 s13, $0x3;
	s13 =	smov.u32 s16;
	[smem:$0x7E6] =	sst s6  }
0x35: {  	s5 =	sadd.s32 s5, s14;
	s23 =	sadd.s32 s14, s2;
	[smem:$0x7E9] =	sst s7  }
0x36: {  	s14 =	smov.u32 s17;
	s17 =	simm.s32 $0x3C0;
	[smem:$0x7FB] =	sst s13  }
0x37: {  	s0 =	simm.s32 $0x2;
	s7 =	sadd.s32 s1, s8;
	[dreg:$0x19] =	wrdreg s17  }
0x38: {  	s21 =	simm.s32 $0x1200;
	s26 =	simm.s32 $0x800;
	[smem:$0x7EA] =	sst s7  }
0x39: {  	s15 =	simm.s32 $0x5;
	s10 =	sshrl.u32 s10, $0x3;
	[smem:$0x7FC] =	sst s14  }
0x3a: {  	s9 =	simm.s32 $0x780;
	s10 =	sadd.s32 s1, s10;
	[smem:$0x7FD] =	sst s23  }
0x3b: {  	s25 =	simm.s32 $0x9;
	s7 =	sadd.s32 s1, s11;
	[smem:$0x7E5] =	sst s10  }
0x3c: {  	s16 =	simm.s32 $0x6;
	s17 =	simm.s32 $0x5A0;
	[smem:$0x7ED] =	sst s7  }
0x3d: {  	s6 =	simm.s32 $0x1300;
	s11 =	simm.s32 $0x0;
	[smem:$0x7EE] =	sst s17  }
0x3e: {  	s8 =	simm.s32 $0x1380;
	s10 =	simm.s32 $0x550;
	[smem:$0x7F9] =	sst s11  }
0x3f: {  	s5 =	sshrl.u32 s5, $0x3;
	s7 =	sadd.s32 s1, s19;
	[smem:$0x7EC] =	sst s10  }
0x40: {  	s1 =	sadd.s32 s1, s5;
	s5 =	simm.s32 $0x3;
	[smem:$0x7F0] =	sst s7  }
0x41: {  	s17 =	simm.s32 $0x7;
	s19 =	simm.s32 $0x6E0;
	[smem:$0x7F3] =	sst s1  }
0x42: {  	s1 =	simm.s32 $0x1;
	s7 =	simm.s32 $0x4;
	s10 =	simm.s32 $0x1400  }
.LBB2_1:
0x43: {  	s11 =	sld [smem:$0x7DF];
	_ =	sdelay $0x2  }
0x44: {  	[tilespmem:s24], [sflag:$0x9] =	stream.linear.gather [hbm4b:s11+s3], $0x2800, $0x38;
	[tilespmem:$0x1F080] =	vst v63  }
0x45: {  	_ =	swait.ge [sflag:s25], $0x2800  }
0x46: {  	s11 =	sld [smem:$0x7E0]  }
0x47: {  	[sflag:s25] =	ssyncset.done $0x0  }
0x48: {  	[sflag:s25] =	ssyncadd.s32 $0xFFFFD800  }
0x49: {  	[spmem:s11] =	stream.linear.scatter [tilespmem:s24], [sflag:$0x9], $0x2800, $0x38;
	[tilespmem:$0x1F080] =	vst v63  }
0x4a: {  	_ =	swait.ge [sflag:s25], $0x2800  }
0x4b: {  	[sflag:s25] =	ssyncset.done $0x0  }
0x4c: {  	[sflag:s25] =	ssyncadd.s32 $0xFFFFD800  }
0x4d: {  	[spmem:s12] =	stream.linear.scatter [tilespmem:s24], [sflag:$0x9], $0x2800, $0x38;
	[tilespmem:$0x1F080] =	vst v63  }
0x4e: {  	_ =	swait.ge [sflag:s25], $0x2800  }
0x4f: {  	[sflag:s25] =	ssyncset.done $0x0  }
0x50: {  	[sflag:s25] =	ssyncadd.s32 $0xFFFFD800  }
0x51: {  	[spmem:s13] =	stream.linear.scatter [tilespmem:s24], [sflag:$0x9], $0x2800, $0x38;
	[tilespmem:$0x1F080] =	vst v63  }
0x52: {  	_ =	swait.ge [sflag:s25], $0x2800  }
0x53: {  	[sflag:s25] =	ssyncset.done $0x0  }
0x54: {  	[sflag:s25] =	ssyncadd.s32 $0xFFFFD800  }
0x55: {  	[spmem:s14] =	stream.linear.scatter [tilespmem:s24], [sflag:$0x9], $0x2800, $0x38;
	[tilespmem:$0x1F080] =	vst v63  }
0x56: {  	_ =	swait.ge [sflag:s25], $0x2800  }
0x57: {  	s13 =	sld [smem:$0x7E2]  }
0x58: {  	[sflag:s25] =	ssyncset.done $0x0  }
0x59: {  	[sflag:s25] =	ssyncadd.s32 $0xFFFFD800  }
0x5a: {  	[spmem:s13] =	stream.linear.scatter [tilespmem:s24], [sflag:$0x9], $0x2800, $0x38;
	[tilespmem:$0x1F080] =	vst v63  }
0x5b: {  	_ =	swait.ge [sflag:s25], $0x2800  }
0x5c: {  	s14 =	sld [smem:$0x7E3]  }
0x5d: {  	[sflag:s25] =	ssyncset.done $0x0  }
0x5e: {  	[sflag:s25] =	ssyncadd.s32 $0xFFFFD800  }
0x5f: {  	[spmem:s14] =	stream.linear.scatter [tilespmem:s24], [sflag:$0x9], $0x2800, $0x38;
	[tilespmem:$0x1F080] =	vst v63  }
0x60: {  	_ =	swait.ge [sflag:s25], $0x2800  }
0x61: {  	s12 =	sld [smem:$0x7E4]  }
0x62: {  	[sflag:s25] =	ssyncset.done $0x0  }
0x63: {  	[sflag:s25] =	ssyncadd.s32 $0xFFFFD800  }
0x64: {  	[spmem:s12] =	stream.linear.scatter [tilespmem:s24], [sflag:$0x9], $0x2800, $0x38;
	[tilespmem:$0x1F080] =	vst v63  }
0x65: {  	_ =	swait.ge [sflag:s25], $0x2800  }
0x66: {  	[sflag:s25] =	ssyncset.done $0x0  }
0x67: {  	[sflag:s25] =	ssyncadd.s32 $0xFFFFD800  }
0x68: {  	[spmem:s23] =	stream.linear.scatter [tilespmem:s24], [sflag:$0x9], $0x2800, $0x38;
	[tilespmem:$0x1F080] =	vst v63  }
0x69: {  	_ =	swait.ge [sflag:s25], $0x2800  }
0x6a: {  	[sflag:s25] =	ssyncset.done $0x0  }
0x6b: {  	[sflag:s25] =	ssyncadd.s32 $0xFFFFD800  }
0x6c: {  	[bflag:$0x0] =	sbarrier.arrive $0xFFFF  }
0x6d: {  	s13 =	rddreg [dreg:$0x3]  }
0x6e: {  	s12 =	sadd.s32 $0x0, s13  }
0x6f: {  	[tilespmem:s3], [sflag:$0x9] =	stream.linear.gather [hbm4b:s12+s3], $0x7D0, $0x38;
	[tilespmem:$0x1F080] =	vst v63  }
0x70: {  	_ =	swait.ge [sflag:s25], $0x7D0  }
0x71: {  	s23 =	sld [smem:$0x7F5]  }
0x72: {  	[sflag:s25] =	ssyncset.done $0x0  }
0x73: {  	[sflag:s25] =	ssyncadd.s32 $0xFFFFF830  }
0x74: {  	[tilespmem:s26], [sflag:$0x9] =	stream.linear.gather [hbm4b:s23+s3], $0xC80, $0x38;
	[tilespmem:$0x1F080] =	vst v63  }
0x75: {  	_ =	swait.ge [sflag:s25], $0xC80  }
0x76: {  	[sflag:s25] =	ssyncset.done $0x0  }
0x77: {  	[sflag:s25] =	ssyncadd.s32 $0xFFFFF380  }
0x78: {  	[tilespmem:s24], [sflag:$0x1] =	stream.indirect.gather [hbm4b:s4+s28], $0x80, s3, s28, $0xb8;
	[tilespmem:$0x1F080] =	vst v63  }
0x79: {  	_ = 	snop  }
0x7a: {  	[tilespmem:s29], [sflag:$0x2] =	stream.indirect.gather [hbm4b:s4+s28], $0x80, s28, s28, $0xb8;
	[tilespmem:$0x1F080] =	vst v63  }
0x7b: {  	s14 =	rddreg [dreg:$0x4]  }
0x7c: {  	[tilespmem:s30], [sflag:$0x3] =	stream.indirect.gather [hbm4b:s4+s28], $0x80, s14, s28, $0xb8;
	[tilespmem:$0x1F080] =	vst v63  }
0x7d: {  	s11 =	rddreg [dreg:$0x5]  }
0x7e: {  	[tilespmem:s31], [sflag:$0x4] =	stream.indirect.gather [hbm4b:s4+s28], $0x80, s11, s28, $0xb8;
	[tilespmem:$0x1F080] =	vst v63  }
0x7f: {  	_ =	swait.ge [sflag:s1], $0x2800  }
0x80: {  	[sflag:s1] =	ssyncset.done $0x0  }
0x81: {  	[sflag:s1] =	ssyncadd.s32 $0xFFFFD800  }
0x82: {  	[spmem:s2] =	stream.indirect.scatter.add.f32 [tilespmem:s24], [sflag:$0x5], $0x80, s26, s28, $0xb8;
	[tilespmem:$0x1F080] =	vst v63  }
0x83: {  	_ =	swait.ge [sflag:s0], $0x2800  }
0x84: {  	[sflag:s0] =	ssyncset.done $0x0  }
0x85: {  	s14 =	rddreg [dreg:$0x6];
	[sflag:s0] =	ssyncadd.s32 $0xFFFFD800  }
0x86: {  	[spmem:s2] =	stream.indirect.scatter.add.f32 [tilespmem:s29], [sflag:$0x6], $0x80, s14, s28, $0xb8;
	[tilespmem:$0x1F080] =	vst v63  }
0x87: {  	_ =	swait.ge [sflag:s5], $0x2800  }
0x88: {  	[sflag:s5] =	ssyncset.done $0x0  }
0x89: {  	s11 =	rddreg [dreg:$0x7];
	[sflag:s5] =	ssyncadd.s32 $0xFFFFD800  }
0x8a: {  	[spmem:s2] =	stream.indirect.scatter.add.f32 [tilespmem:s30], [sflag:$0x7], $0x80, s11, s28, $0xb8;
	[tilespmem:$0x1F080] =	vst v63  }
0x8b: {  	_ =	swait.ge [sflag:s7], $0x2800  }
0x8c: {  	[sflag:s7] =	ssyncset.done $0x0  }
0x8d: {  	s13 =	rddreg [dreg:$0x8];
	[sflag:s7] =	ssyncadd.s32 $0xFFFFD800  }
0x8e: {  	[spmem:s2] =	stream.indirect.scatter.add.f32 [tilespmem:s31], [sflag:$0x8], $0x80, s13, s28, $0xb8;
	[tilespmem:$0x1F080] =	vst v63  }
0x8f: {  	_ =	swait.ge [sflag:s15], $0x2800  }
0x90: {  	[sflag:s15] =	ssyncset.done $0x0  }
0x91: {  	s14 =	rddreg [dreg:$0x9];
	[sflag:s15] =	ssyncadd.s32 $0xFFFFD800  }
0x92: {  	[tilespmem:s24], [sflag:$0x1] =	stream.indirect.gather [hbm4b:s4+s28], $0x80, s14, s28, $0xb8;
	[tilespmem:$0x1F080] =	vst v63  }
0x93: {  	_ =	swait.ge [sflag:s16], $0x2800  }
0x94: {  	[sflag:s16] =	ssyncset.done $0x0  }
0x95: {  	s11 =	rddreg [dreg:$0xa];
	[sflag:s16] =	ssyncadd.s32 $0xFFFFD800  }
0x96: {  	[tilespmem:s29], [sflag:$0x2] =	stream.indirect.gather [hbm4b:s4+s28], $0x80, s11, s28, $0xb8;
	[tilespmem:$0x1F080] =	vst v63  }
0x97: {  	_ =	swait.ge [sflag:s17], $0x2800  }
0x98: {  	[sflag:s17] =	ssyncset.done $0x0  }
0x99: {  	s13 =	rddreg [dreg:$0xb];
	[sflag:s17] =	ssyncadd.s32 $0xFFFFD800  }
0x9a: {  	[tilespmem:s30], [sflag:$0x3] =	stream.indirect.gather [hbm4b:s4+s28], $0x80, s13, s28, $0xb8;
	[tilespmem:$0x1F080] =	vst v63  }
0x9b: {  	_ =	swait.ge [sflag:s18], $0x2800  }
0x9c: {  	[sflag:s18] =	ssyncset.done $0x0  }
0x9d: {  	s14 =	rddreg [dreg:$0xc];
	[sflag:s18] =	ssyncadd.s32 $0xFFFFD800  }
0x9e: {  	[tilespmem:s31], [sflag:$0x4] =	stream.indirect.gather [hbm4b:s4+s28], $0x80, s14, s28, $0xb8;
	[tilespmem:$0x1F080] =	vst v63  }
0x9f: {  	_ =	swait.ge [sflag:s1], $0x2800  }
0xa0: {  	[sflag:s1] =	ssyncset.done $0x0  }
0xa1: {  	s11 =	rddreg [dreg:$0xd];
	[sflag:s1] =	ssyncadd.s32 $0xFFFFD800  }
0xa2: {  	[spmem:s2] =	stream.indirect.scatter.add.f32 [tilespmem:s24], [sflag:$0x5], $0x80, s11, s28, $0xb8;
	[tilespmem:$0x1F080] =	vst v63  }
0xa3: {  	_ =	swait.ge [sflag:s0], $0x2800  }
0xa4: {  	[sflag:s0] =	ssyncset.done $0x0  }
0xa5: {  	s13 =	rddreg [dreg:$0xe];
	[sflag:s0] =	ssyncadd.s32 $0xFFFFD800  }
0xa6: {  	[spmem:s2] =	stream.indirect.scatter.add.f32 [tilespmem:s29], [sflag:$0x6], $0x80, s13, s28, $0xb8;
	[tilespmem:$0x1F080] =	vst v63  }
0xa7: {  	_ =	swait.ge [sflag:s5], $0x2800  }
0xa8: {  	[sflag:s5] =	ssyncset.done $0x0  }
0xa9: {  	s14 =	rddreg [dreg:$0xf];
	[sflag:s5] =	ssyncadd.s32 $0xFFFFD800  }
0xaa: {  	[spmem:s2] =	stream.indirect.scatter.add.f32 [tilespmem:s30], [sflag:$0x7], $0x80, s14, s28, $0xb8;
	[tilespmem:$0x1F080] =	vst v63  }
0xab: {  	_ =	swait.ge [sflag:s7], $0x2800  }
0xac: {  	[sflag:s7] =	ssyncset.done $0x0  }
0xad: {  	s11 =	rddreg [dreg:$0x10];
	[sflag:s7] =	ssyncadd.s32 $0xFFFFD800  }
0xae: {  	[spmem:s2] =	stream.indirect.scatter.add.f32 [tilespmem:s31], [sflag:$0x8], $0x80, s11, s28, $0xb8;
	[tilespmem:$0x1F080] =	vst v63  }
0xaf: {  	_ =	swait.ge [sflag:s15], $0x2800  }
0xb0: {  	[sflag:s15] =	ssyncset.done $0x0  }
0xb1: {  	s13 =	rddreg [dreg:$0x11];
	[sflag:s15] =	ssyncadd.s32 $0xFFFFD800  }
0xb2: {  	[tilespmem:s24], [sflag:$0x1] =	stream.indirect.gather [hbm4b:s4+s28], $0x80, s13, s28, $0xb8;
	[tilespmem:$0x1F080] =	vst v63  }
0xb3: {  	_ =	swait.ge [sflag:s16], $0x2800  }
0xb4: {  	[sflag:s16] =	ssyncset.done $0x0  }
0xb5: {  	s14 =	rddreg [dreg:$0x12];
	[sflag:s16] =	ssyncadd.s32 $0xFFFFD800  }
0xb6: {  	[tilespmem:s29], [sflag:$0x2] =	stream.indirect.gather [hbm4b:s4+s28], $0x80, s14, s28, $0xb8;
	[tilespmem:$0x1F080] =	vst v63  }
0xb7: {  	_ =	swait.ge [sflag:s17], $0x2800  }
0xb8: {  	[sflag:s17] =	ssyncset.done $0x0  }
0xb9: {  	s11 =	rddreg [dreg:$0x13];
	[sflag:s17] =	ssyncadd.s32 $0xFFFFD800  }
0xba: {  	[tilespmem:s30], [sflag:$0x3] =	stream.indirect.gather [hbm4b:s4+s28], $0x80, s11, s28, $0xb8;
	[tilespmem:$0x1F080] =	vst v63  }
0xbb: {  	_ =	swait.ge [sflag:s18], $0x2800  }
0xbc: {  	[sflag:s18] =	ssyncset.done $0x0  }
0xbd: {  	s13 =	rddreg [dreg:$0x14];
	[sflag:s18] =	ssyncadd.s32 $0xFFFFD800  }
0xbe: {  	[tilespmem:s31], [sflag:$0x4] =	stream.indirect.gather [hbm4b:s4+s28], $0x80, s13, s28, $0xb8;
	[tilespmem:$0x1F080] =	vst v63  }
0xbf: {  	_ =	swait.ge [sflag:s1], $0x2800  }
0xc0: {  	[sflag:s1] =	ssyncset.done $0x0  }
0xc1: {  	s14 =	rddreg [dreg:$0x15];
	[sflag:s1] =	ssyncadd.s32 $0xFFFFD800  }
0xc2: {  	[spmem:s2] =	stream.indirect.scatter.add.f32 [tilespmem:s24], [sflag:$0x5], $0x80, s14, s28, $0xb8;
	[tilespmem:$0x1F080] =	vst v63  }
0xc3: {  	_ =	swait.ge [sflag:s0], $0x2800  }
0xc4: {  	[sflag:s0] =	ssyncset.done $0x0  }
0xc5: {  	s11 =	rddreg [dreg:$0x16];
	[sflag:s0] =	ssyncadd.s32 $0xFFFFD800  }
0xc6: {  	[spmem:s2] =	stream.indirect.scatter.add.f32 [tilespmem:s29], [sflag:$0x6], $0x80, s11, s28, $0xb8;
	[tilespmem:$0x1F080] =	vst v63  }
0xc7: {  	_ =	swait.ge [sflag:s5], $0x2800  }
0xc8: {  	[sflag:s5] =	ssyncset.done $0x0  }
0xc9: {  	s13 =	rddreg [dreg:$0x17];
	[sflag:s5] =	ssyncadd.s32 $0xFFFFD800  }
0xca: {  	[spmem:s2] =	stream.indirect.scatter.add.f32 [tilespmem:s30], [sflag:$0x7], $0x80, s13, s28, $0xb8;
	[tilespmem:$0x1F080] =	vst v63  }
0xcb: {  	_ =	swait.ge [sflag:s7], $0x2800  }
0xcc: {  	[sflag:s7] =	ssyncset.done $0x0  }
0xcd: {  	s14 =	rddreg [dreg:$0x18];
	[sflag:s7] =	ssyncadd.s32 $0xFFFFD800  }
0xce: {  	[spmem:s2] =	stream.indirect.scatter.add.f32 [tilespmem:s31], [sflag:$0x8], $0x80, s14, s28, $0xb8;
	[tilespmem:$0x1F080] =	vst v63  }
0xcf: {  	_ =	swait.ge [sflag:s15], $0x2800  }
0xd0: {  	[sflag:s15] =	ssyncset.done $0x0  }
0xd1: {  	s11 =	rddreg [dreg:$0x19];
	[sflag:s15] =	ssyncadd.s32 $0xFFFFD800  }
0xd2: {  	[tilespmem:s24], [sflag:$0x1] =	stream.indirect.gather [hbm4b:s4+s28], $0x80, s11, s28, $0xb8;
	[tilespmem:$0x1F080] =	vst v63  }
0xd3: {  	_ =	swait.ge [sflag:s16], $0x2800  }
0xd4: {  	[sflag:s16] =	ssyncset.done $0x0  }
0xd5: {  	s13 =	rddreg [dreg:$0x1a];
	[sflag:s16] =	ssyncadd.s32 $0xFFFFD800  }
0xd6: {  	[tilespmem:s29], [sflag:$0x2] =	stream.indirect.gather [hbm4b:s4+s28], $0x80, s13, s28, $0xb8;
	[tilespmem:$0x1F080] =	vst v63  }
0xd7: {  	_ =	swait.ge [sflag:s17], $0x2800  }
0xd8: {  	[sflag:s17] =	ssyncset.done $0x0  }
0xd9: {  	s14 =	rddreg [dreg:$0x1b];
	[sflag:s17] =	ssyncadd.s32 $0xFFFFD800  }
0xda: {  	[tilespmem:s30], [sflag:$0x3] =	stream.indirect.gather [hbm4b:s4+s28], $0x80, s14, s28, $0xb8;
	[tilespmem:$0x1F080] =	vst v63  }
0xdb: {  	_ =	swait.ge [sflag:s18], $0x2800  }
0xdc: {  	[sflag:s18] =	ssyncset.done $0x0  }
0xdd: {  	s11 =	rddreg [dreg:$0x1c];
	[sflag:s18] =	ssyncadd.s32 $0xFFFFD800  }
0xde: {  	[tilespmem:s31], [sflag:$0x4] =	stream.indirect.gather [hbm4b:s4+s28], $0x80, s11, s28, $0xb8;
	[tilespmem:$0x1F080] =	vst v63  }
0xdf: {  	_ =	swait.ge [sflag:s1], $0x2800  }
0xe0: {  	[sflag:s1] =	ssyncset.done $0x0  }
0xe1: {  	s13 =	rddreg [dreg:$0x1d];
	[sflag:s1] =	ssyncadd.s32 $0xFFFFD800  }
0xe2: {  	[spmem:s2] =	stream.indirect.scatter.add.f32 [tilespmem:s24], [sflag:$0x5], $0x80, s13, s28, $0xb8;
	[tilespmem:$0x1F080] =	vst v63  }
0xe3: {  	_ =	swait.ge [sflag:s0], $0x2800  }
0xe4: {  	[sflag:s0] =	ssyncset.done $0x0  }
0xe5: {  	s14 =	rddreg [dreg:$0x1e];
	[sflag:s0] =	ssyncadd.s32 $0xFFFFD800  }
0xe6: {  	[spmem:s2] =	stream.indirect.scatter.add.f32 [tilespmem:s29], [sflag:$0x6], $0x80, s14, s28, $0xb8;
	[tilespmem:$0x1F080] =	vst v63  }
0xe7: {  	_ =	swait.ge [sflag:s5], $0x2800  }
0xe8: {  	[sflag:s5] =	ssyncset.done $0x0  }
0xe9: {  	s11 =	rddreg [dreg:$0x1f];
	[sflag:s5] =	ssyncadd.s32 $0xFFFFD800  }
0xea: {  	[spmem:s2] =	stream.indirect.scatter.add.f32 [tilespmem:s30], [sflag:$0x7], $0x80, s11, s28, $0xb8;
	[tilespmem:$0x1F080] =	vst v63  }
0xeb: {  	_ =	swait.ge [sflag:s7], $0x2800  }
0xec: {  	s13 =	sld [smem:$0x7E9]  }
0xed: {  	[sflag:s7] =	ssyncset.done $0x0  }
0xee: {  	[sflag:s7] =	ssyncadd.s32 $0xFFFFD800  }
0xef: {  	[spmem:s2] =	stream.indirect.scatter.add.f32 [tilespmem:s31], [sflag:$0x8], $0x80, s13, s28, $0xb8;
	[tilespmem:$0x1F080] =	vst v63  }
0xf0: {  	_ =	swait.ge [sflag:s15], $0x2800  }
0xf1: {  	s14 =	sld [smem:$0x7EB]  }
0xf2: {  	[sflag:s15] =	ssyncset.done $0x0  }
0xf3: {  	[sflag:s15] =	ssyncadd.s32 $0xFFFFD800  }
0xf4: {  	[tilespmem:s24], [sflag:$0x1] =	stream.indirect.gather [hbm4b:s4+s28], $0x80, s14, s28, $0xb8;
	[tilespmem:$0x1F080] =	vst v63  }
0xf5: {  	_ =	swait.ge [sflag:s16], $0x2800  }
0xf6: {  	s11 =	sld [smem:$0x7EC]  }
0xf7: {  	[sflag:s16] =	ssyncset.done $0x0  }
0xf8: {  	[sflag:s16] =	ssyncadd.s32 $0xFFFFD800  }
0xf9: {  	[tilespmem:s29], [sflag:$0x2] =	stream.indirect.gather [hbm4b:s4+s28], $0x80, s11, s28, $0xb8;
	[tilespmem:$0x1F080] =	vst v63  }
0xfa: {  	_ =	swait.ge [sflag:s17], $0x2800  }
0xfb: {  	s13 =	sld [smem:$0x7EE]  }
0xfc: {  	[sflag:s17] =	ssyncset.done $0x0  }
0xfd: {  	[sflag:s17] =	ssyncadd.s32 $0xFFFFD800  }
0xfe: {  	[tilespmem:s30], [sflag:$0x3] =	stream.indirect.gather [hbm4b:s4+s28], $0x80, s13, s28, $0xb8;
	[tilespmem:$0x1F080] =	vst v63  }
0xff: {  	_ =	swait.ge [sflag:s18], $0x2800  }
0x100: {  	s14 =	sld [smem:$0x7EF]  }
0x101: {  	[sflag:s18] =	ssyncset.done $0x0  }
0x102: {  	[sflag:s18] =	ssyncadd.s32 $0xFFFFD800  }
0x103: {  	[tilespmem:s31], [sflag:$0x4] =	stream.indirect.gather [hbm4b:s4+s28], $0x80, s14, s28, $0xb8;
	[tilespmem:$0x1F080] =	vst v63  }
0x104: {  	_ =	swait.ge [sflag:s1], $0x2800  }
0x105: {  	s11 =	sld [smem:$0x7F1]  }
0x106: {  	[sflag:s1] =	ssyncset.done $0x0  }
0x107: {  	[sflag:s1] =	ssyncadd.s32 $0xFFFFD800  }
0x108: {  	[spmem:s2] =	stream.indirect.scatter.add.f32 [tilespmem:s24], [sflag:$0x5], $0x80, s11, s28, $0xb8;
	[tilespmem:$0x1F080] =	vst v63  }
0x109: {  	_ =	swait.ge [sflag:s0], $0x2800  }
0x10a: {  	s13 =	sld [smem:$0x7F2]  }
0x10b: {  	[sflag:s0] =	ssyncset.done $0x0  }
0x10c: {  	[sflag:s0] =	ssyncadd.s32 $0xFFFFD800  }
0x10d: {  	[spmem:s2] =	stream.indirect.scatter.add.f32 [tilespmem:s29], [sflag:$0x6], $0x80, s13, s28, $0xb8;
	[tilespmem:$0x1F080] =	vst v63  }
0x10e: {  	_ =	swait.ge [sflag:s5], $0x2800  }
0x10f: {  	s14 =	sld [smem:$0x7F4]  }
0x110: {  	[sflag:s5] =	ssyncset.done $0x0  }
0x111: {  	[sflag:s5] =	ssyncadd.s32 $0xFFFFD800  }
0x112: {  	[spmem:s2] =	stream.indirect.scatter.add.f32 [tilespmem:s30], [sflag:$0x7], $0x80, s14, s28, $0xb8;
	[tilespmem:$0x1F080] =	vst v63  }
0x113: {  	_ =	swait.ge [sflag:s7], $0x2800  }
0x114: {  	s11 =	sld [smem:$0x7F6]  }
0x115: {  	[sflag:s7] =	ssyncset.done $0x0  }
0x116: {  	[sflag:s7] =	ssyncadd.s32 $0xFFFFD800  }
0x117: {  	[spmem:s2] =	stream.indirect.scatter.add.f32 [tilespmem:s31], [sflag:$0x8], $0x80, s11, s28, $0xb8;
	[tilespmem:$0x1F080] =	vst v63  }
0x118: {  	_ =	swait.ge [sflag:s15], $0x2800  }
0x119: {  	s13 =	sld [smem:$0x7F7]  }
0x11a: {  	[sflag:s15] =	ssyncset.done $0x0  }
0x11b: {  	[sflag:s15] =	ssyncadd.s32 $0xFFFFD800  }
0x11c: {  	[tilespmem:s24], [sflag:$0x1] =	stream.indirect.gather [hbm4b:s4+s28], $0x80, s13, s28, $0xb8;
	[tilespmem:$0x1F080] =	vst v63  }
0x11d: {  	_ =	swait.ge [sflag:s16], $0x2800  }
0x11e: {  	s14 =	sld [smem:$0x7F8]  }
0x11f: {  	[sflag:s16] =	ssyncset.done $0x0  }
0x120: {  	[sflag:s16] =	ssyncadd.s32 $0xFFFFD800  }
0x121: {  	[tilespmem:s29], [sflag:$0x2] =	stream.indirect.gather [hbm4b:s4+s28], $0x80, s14, s28, $0xb8;
	[tilespmem:$0x1F080] =	vst v63  }
0x122: {  	_ =	swait.ge [sflag:s17], $0x2800  }
0x123: {  	[sflag:s17] =	ssyncset.done $0x0  }
0x124: {  	[sflag:s17] =	ssyncadd.s32 $0xFFFFD800  }
0x125: {  	[tilespmem:s30], [sflag:$0x3] =	stream.indirect.gather [hbm4b:s4+s28], $0x80, s19, s28, $0xb8;
	[tilespmem:$0x1F080] =	vst v63  }
0x126: {  	_ =	swait.ge [sflag:s18], $0x2800  }
0x127: {  	[sflag:s18] =	ssyncset.done $0x0  }
0x128: {  	[sflag:s18] =	ssyncadd.s32 $0xFFFFD800  }
0x129: {  	[tilespmem:s31], [sflag:$0x4] =	stream.indirect.gather [hbm4b:s4+s28], $0x80, s20, s28, $0xb8;
	[tilespmem:$0x1F080] =	vst v63  }
0x12a: {  	_ =	swait.ge [sflag:s1], $0x2800  }
0x12b: {  	[sflag:s1] =	ssyncset.done $0x0  }
0x12c: {  	[sflag:s1] =	ssyncadd.s32 $0xFFFFD800  }
0x12d: {  	[spmem:s2] =	stream.indirect.scatter.add.f32 [tilespmem:s24], [sflag:$0x5], $0x80, s21, s28, $0xb8;
	[tilespmem:$0x1F080] =	vst v63  }
0x12e: {  	_ =	swait.ge [sflag:s0], $0x2800  }
0x12f: {  	[sflag:s0] =	ssyncset.done $0x0  }
0x130: {  	[sflag:s0] =	ssyncadd.s32 $0xFFFFD800  }
0x131: {  	[spmem:s2] =	stream.indirect.scatter.add.f32 [tilespmem:s29], [sflag:$0x6], $0x80, s22, s28, $0xb8;
	[tilespmem:$0x1F080] =	vst v63  }
0x132: {  	_ =	swait.ge [sflag:s5], $0x2800  }
0x133: {  	[sflag:s5] =	ssyncset.done $0x0  }
0x134: {  	[sflag:s5] =	ssyncadd.s32 $0xFFFFD800  }
0x135: {  	[spmem:s2] =	stream.indirect.scatter.add.f32 [tilespmem:s30], [sflag:$0x7], $0x80, s6, s28, $0xb8;
	[tilespmem:$0x1F080] =	vst v63  }
0x136: {  	_ =	swait.ge [sflag:s7], $0x2800  }
0x137: {  	[sflag:s7] =	ssyncset.done $0x0  }
0x138: {  	[sflag:s7] =	ssyncadd.s32 $0xFFFFD800  }
0x139: {  	[spmem:s2] =	stream.indirect.scatter.add.f32 [tilespmem:s31], [sflag:$0x8], $0x80, s8, s28, $0xb8;
	[tilespmem:$0x1F080] =	vst v63  }
0x13a: {  	_ =	swait.ge [sflag:s15], $0x2800  }
0x13b: {  	[sflag:s15] =	ssyncset.done $0x0  }
0x13c: {  	[sflag:s15] =	ssyncadd.s32 $0xFFFFD800  }
0x13d: {  	[tilespmem:s24], [sflag:$0x1] =	stream.indirect.gather [hbm4b:s4+s28], $0x80, s9, s28, $0xb8;
	[tilespmem:$0x1F080] =	vst v63  }
0x13e: {  	_ =	swait.ge [sflag:s1], $0x2800  }
0x13f: {  	[sflag:s1] =	ssyncset.done $0x0  }
0x140: {  	[sflag:s1] =	ssyncadd.s32 $0xFFFFD800  }
0x141: {  	[spmem:s2] =	stream.indirect.scatter.add.f32 [tilespmem:s24], [sflag:$0x5], $0x80, s10, s28, $0xb8;
	[tilespmem:$0x1F080] =	vst v63  }
0x142: {  	_ =	swait.ge [sflag:s16], $0x2800  }
0x143: {  	[sflag:s16] =	ssyncset.done $0x0  }
0x144: {  	[sflag:s16] =	ssyncadd.s32 $0xFFFFD800  }
0x145: {  	_ =	swait.ge [sflag:s17], $0x2800  }
0x146: {  	[sflag:s17] =	ssyncset.done $0x0  }
0x147: {  	[sflag:s17] =	ssyncadd.s32 $0xFFFFD800  }
0x148: {  	_ =	swait.ge [sflag:s18], $0x2800  }
0x149: {  	[sflag:s18] =	ssyncset.done $0x0  }
0x14a: {  	[sflag:s18] =	ssyncadd.s32 $0xFFFFD800  }
0x14b: {  	s13 =	simm.s32 $0xFA;
	_ =	swait.ge [sflag:s15], $0x2800  }
0x14c: {  	s14 =	simm.s32 $0x1F4;
	s12 =	rddreg [dreg:$0x3];
	[sflag:s15] =	ssyncset.done $0x0  }
.LBB2_2:
0x14d: {  	[sflag:s15] =	ssyncadd.s32 $0xFFFFD800;
	s12 =	sadd.s32 s13, s12  }
0x14e: {  	[tilespmem:s3], [sflag:$0x9] =	stream.linear.gather [hbm4b:s12+s3], $0x7D0, $0x38;
	[tilespmem:$0x1F080] =	vst v63  }
0x14f: {  	_ =	swait.ge [sflag:s25], $0x7D0  }
0x150: {  	[sflag:s25] =	ssyncset.done $0x0  }
0x151: {  	s23 =	sadd.s32 $0x200, s23;
	[sflag:s25] =	ssyncadd.s32 $0xFFFFF830  }
0x152: {  	[tilespmem:s26], [sflag:$0x9] =	stream.linear.gather [hbm4b:s23+s3], $0xC80, $0x38;
	[tilespmem:$0x1F080] =	vst v63  }
0x153: {  	_ =	swait.ge [sflag:s25], $0xC80  }
0x154: {  	[sflag:s25] =	ssyncset.done $0x0  }
0x155: {  	[sflag:s25] =	ssyncadd.s32 $0xFFFFF380  }
0x156: {  	[tilespmem:s24], [sflag:$0x1] =	stream.indirect.gather [hbm4b:s4+s28], $0x80, s3, s28, $0xb8;
	[tilespmem:$0x1F080] =	vst v63  }
0x157: {  	s11 =	smov.u32 s14  }
0x158: {  	[tilespmem:s29], [sflag:$0x2] =	stream.indirect.gather [hbm4b:s4+s28], $0x80, s28, s28, $0xb8;
	[tilespmem:$0x1F080] =	vst v63  }
0x159: {  	s13 =	smov.u32 s11;
	s11 =	rddreg [dreg:$0x4]  }
0x15a: {  	[tilespmem:s30], [sflag:$0x3] =	stream.indirect.gather [hbm4b:s4+s28], $0x80, s11, s28, $0xb8;
	[tilespmem:$0x1F080] =	vst v63  }
0x15b: {  	s12 =	rddreg [dreg:$0x5]  }
0x15c: {  	[tilespmem:s31], [sflag:$0x4] =	stream.indirect.gather [hbm4b:s4+s28], $0x80, s12, s28, $0xb8;
	[tilespmem:$0x1F080] =	vst v63  }
0x15d: {  	_ =	swait.ge [sflag:s1], $0x2800  }
0x15e: {  	[sflag:s1] =	ssyncset.done $0x0  }
0x15f: {  	[sflag:s1] =	ssyncadd.s32 $0xFFFFD800  }
0x160: {  	[spmem:s2] =	stream.indirect.scatter.add.f32 [tilespmem:s24], [sflag:$0x5], $0x80, s26, s28, $0xb8;
	[tilespmem:$0x1F080] =	vst v63  }
0x161: {  	_ =	swait.ge [sflag:s0], $0x2800  }
0x162: {  	[sflag:s0] =	ssyncset.done $0x0  }
0x163: {  	s12 =	rddreg [dreg:$0x6];
	[sflag:s0] =	ssyncadd.s32 $0xFFFFD800  }
0x164: {  	[spmem:s2] =	stream.indirect.scatter.add.f32 [tilespmem:s29], [sflag:$0x6], $0x80, s12, s28, $0xb8;
	[tilespmem:$0x1F080] =	vst v63  }
0x165: {  	_ =	swait.ge [sflag:s5], $0x2800  }
0x166: {  	[sflag:s5] =	ssyncset.done $0x0  }
0x167: {  	s12 =	rddreg [dreg:$0x7];
	[sflag:s5] =	ssyncadd.s32 $0xFFFFD800  }
0x168: {  	[spmem:s2] =	stream.indirect.scatter.add.f32 [tilespmem:s30], [sflag:$0x7], $0x80, s12, s28, $0xb8;
	[tilespmem:$0x1F080] =	vst v63  }
0x169: {  	_ =	swait.ge [sflag:s7], $0x2800  }
0x16a: {  	[sflag:s7] =	ssyncset.done $0x0  }
0x16b: {  	s12 =	rddreg [dreg:$0x8];
	[sflag:s7] =	ssyncadd.s32 $0xFFFFD800  }
0x16c: {  	[spmem:s2] =	stream.indirect.scatter.add.f32 [tilespmem:s31], [sflag:$0x8], $0x80, s12, s28, $0xb8;
	[tilespmem:$0x1F080] =	vst v63  }
0x16d: {  	_ =	swait.ge [sflag:s15], $0x2800  }
0x16e: {  	[sflag:s15] =	ssyncset.done $0x0  }
0x16f: {  	s12 =	rddreg [dreg:$0x9];
	[sflag:s15] =	ssyncadd.s32 $0xFFFFD800  }
0x170: {  	[tilespmem:s24], [sflag:$0x1] =	stream.indirect.gather [hbm4b:s4+s28], $0x80, s12, s28, $0xb8;
	[tilespmem:$0x1F080] =	vst v63  }
0x171: {  	_ =	swait.ge [sflag:s16], $0x2800  }
0x172: {  	[sflag:s16] =	ssyncset.done $0x0  }
0x173: {  	s12 =	rddreg [dreg:$0xa];
	[sflag:s16] =	ssyncadd.s32 $0xFFFFD800  }
0x174: {  	[tilespmem:s29], [sflag:$0x2] =	stream.indirect.gather [hbm4b:s4+s28], $0x80, s12, s28, $0xb8;
	[tilespmem:$0x1F080] =	vst v63  }
0x175: {  	_ =	swait.ge [sflag:s17], $0x2800  }
0x176: {  	[sflag:s17] =	ssyncset.done $0x0  }
0x177: {  	s12 =	rddreg [dreg:$0xb];
	[sflag:s17] =	ssyncadd.s32 $0xFFFFD800  }
0x178: {  	[tilespmem:s30], [sflag:$0x3] =	stream.indirect.gather [hbm4b:s4+s28], $0x80, s12, s28, $0xb8;
	[tilespmem:$0x1F080] =	vst v63  }
0x179: {  	_ =	swait.ge [sflag:s18], $0x2800  }
0x17a: {  	[sflag:s18] =	ssyncset.done $0x0  }
0x17b: {  	s12 =	rddreg [dreg:$0xc];
	[sflag:s18] =	ssyncadd.s32 $0xFFFFD800  }
0x17c: {  	[tilespmem:s31], [sflag:$0x4] =	stream.indirect.gather [hbm4b:s4+s28], $0x80, s12, s28, $0xb8;
	[tilespmem:$0x1F080] =	vst v63  }
0x17d: {  	_ =	swait.ge [sflag:s1], $0x2800  }
0x17e: {  	[sflag:s1] =	ssyncset.done $0x0  }
0x17f: {  	s12 =	rddreg [dreg:$0xd];
	[sflag:s1] =	ssyncadd.s32 $0xFFFFD800  }
0x180: {  	[spmem:s2] =	stream.indirect.scatter.add.f32 [tilespmem:s24], [sflag:$0x5], $0x80, s12, s28, $0xb8;
	[tilespmem:$0x1F080] =	vst v63  }
0x181: {  	_ =	swait.ge [sflag:s0], $0x2800  }
0x182: {  	[sflag:s0] =	ssyncset.done $0x0  }
0x183: {  	s12 =	rddreg [dreg:$0xe];
	[sflag:s0] =	ssyncadd.s32 $0xFFFFD800  }
0x184: {  	[spmem:s2] =	stream.indirect.scatter.add.f32 [tilespmem:s29], [sflag:$0x6], $0x80, s12, s28, $0xb8;
	[tilespmem:$0x1F080] =	vst v63  }
0x185: {  	_ =	swait.ge [sflag:s5], $0x2800  }
0x186: {  	[sflag:s5] =	ssyncset.done $0x0  }
0x187: {  	s12 =	rddreg [dreg:$0xf];
	[sflag:s5] =	ssyncadd.s32 $0xFFFFD800  }
0x188: {  	[spmem:s2] =	stream.indirect.scatter.add.f32 [tilespmem:s30], [sflag:$0x7], $0x80, s12, s28, $0xb8;
	[tilespmem:$0x1F080] =	vst v63  }
0x189: {  	_ =	swait.ge [sflag:s7], $0x2800  }
0x18a: {  	[sflag:s7] =	ssyncset.done $0x0  }
0x18b: {  	s12 =	rddreg [dreg:$0x10];
	[sflag:s7] =	ssyncadd.s32 $0xFFFFD800  }
0x18c: {  	[spmem:s2] =	stream.indirect.scatter.add.f32 [tilespmem:s31], [sflag:$0x8], $0x80, s12, s28, $0xb8;
	[tilespmem:$0x1F080] =	vst v63  }
0x18d: {  	_ =	swait.ge [sflag:s15], $0x2800  }
0x18e: {  	[sflag:s15] =	ssyncset.done $0x0  }
0x18f: {  	s12 =	rddreg [dreg:$0x11];
	[sflag:s15] =	ssyncadd.s32 $0xFFFFD800  }
0x190: {  	[tilespmem:s24], [sflag:$0x1] =	stream.indirect.gather [hbm4b:s4+s28], $0x80, s12, s28, $0xb8;
	[tilespmem:$0x1F080] =	vst v63  }
0x191: {  	_ =	swait.ge [sflag:s16], $0x2800  }
0x192: {  	[sflag:s16] =	ssyncset.done $0x0  }
0x193: {  	s12 =	rddreg [dreg:$0x12];
	[sflag:s16] =	ssyncadd.s32 $0xFFFFD800  }
0x194: {  	[tilespmem:s29], [sflag:$0x2] =	stream.indirect.gather [hbm4b:s4+s28], $0x80, s12, s28, $0xb8;
	[tilespmem:$0x1F080] =	vst v63  }
0x195: {  	_ =	swait.ge [sflag:s17], $0x2800  }
0x196: {  	[sflag:s17] =	ssyncset.done $0x0  }
0x197: {  	s12 =	rddreg [dreg:$0x13];
	[sflag:s17] =	ssyncadd.s32 $0xFFFFD800  }
0x198: {  	[tilespmem:s30], [sflag:$0x3] =	stream.indirect.gather [hbm4b:s4+s28], $0x80, s12, s28, $0xb8;
	[tilespmem:$0x1F080] =	vst v63  }
0x199: {  	_ =	swait.ge [sflag:s18], $0x2800  }
0x19a: {  	[sflag:s18] =	ssyncset.done $0x0  }
0x19b: {  	s12 =	rddreg [dreg:$0x14];
	[sflag:s18] =	ssyncadd.s32 $0xFFFFD800  }
0x19c: {  	[tilespmem:s31], [sflag:$0x4] =	stream.indirect.gather [hbm4b:s4+s28], $0x80, s12, s28, $0xb8;
	[tilespmem:$0x1F080] =	vst v63  }
0x19d: {  	_ =	swait.ge [sflag:s1], $0x2800  }
0x19e: {  	[sflag:s1] =	ssyncset.done $0x0  }
0x19f: {  	s12 =	rddreg [dreg:$0x15];
	[sflag:s1] =	ssyncadd.s32 $0xFFFFD800  }
0x1a0: {  	[spmem:s2] =	stream.indirect.scatter.add.f32 [tilespmem:s24], [sflag:$0x5], $0x80, s12, s28, $0xb8;
	[tilespmem:$0x1F080] =	vst v63  }
0x1a1: {  	_ =	swait.ge [sflag:s0], $0x2800  }
0x1a2: {  	[sflag:s0] =	ssyncset.done $0x0  }
0x1a3: {  	s12 =	rddreg [dreg:$0x16];
	[sflag:s0] =	ssyncadd.s32 $0xFFFFD800  }
0x1a4: {  	[spmem:s2] =	stream.indirect.scatter.add.f32 [tilespmem:s29], [sflag:$0x6], $0x80, s12, s28, $0xb8;
	[tilespmem:$0x1F080] =	vst v63  }
0x1a5: {  	_ =	swait.ge [sflag:s5], $0x2800  }
0x1a6: {  	[sflag:s5] =	ssyncset.done $0x0  }
0x1a7: {  	s12 =	rddreg [dreg:$0x17];
	[sflag:s5] =	ssyncadd.s32 $0xFFFFD800  }
0x1a8: {  	[spmem:s2] =	stream.indirect.scatter.add.f32 [tilespmem:s30], [sflag:$0x7], $0x80, s12, s28, $0xb8;
	[tilespmem:$0x1F080] =	vst v63  }
0x1a9: {  	_ =	swait.ge [sflag:s7], $0x2800  }
0x1aa: {  	[sflag:s7] =	ssyncset.done $0x0  }
0x1ab: {  	s12 =	rddreg [dreg:$0x18];
	[sflag:s7] =	ssyncadd.s32 $0xFFFFD800  }
0x1ac: {  	[spmem:s2] =	stream.indirect.scatter.add.f32 [tilespmem:s31], [sflag:$0x8], $0x80, s12, s28, $0xb8;
	[tilespmem:$0x1F080] =	vst v63  }
0x1ad: {  	_ =	swait.ge [sflag:s15], $0x2800  }
0x1ae: {  	[sflag:s15] =	ssyncset.done $0x0  }
0x1af: {  	s12 =	rddreg [dreg:$0x19];
	[sflag:s15] =	ssyncadd.s32 $0xFFFFD800  }
0x1b0: {  	[tilespmem:s24], [sflag:$0x1] =	stream.indirect.gather [hbm4b:s4+s28], $0x80, s12, s28, $0xb8;
	[tilespmem:$0x1F080] =	vst v63  }
0x1b1: {  	_ =	swait.ge [sflag:s16], $0x2800  }
0x1b2: {  	[sflag:s16] =	ssyncset.done $0x0  }
0x1b3: {  	s12 =	rddreg [dreg:$0x1a];
	[sflag:s16] =	ssyncadd.s32 $0xFFFFD800  }
0x1b4: {  	[tilespmem:s29], [sflag:$0x2] =	stream.indirect.gather [hbm4b:s4+s28], $0x80, s12, s28, $0xb8;
	[tilespmem:$0x1F080] =	vst v63  }
0x1b5: {  	_ =	swait.ge [sflag:s17], $0x2800  }
0x1b6: {  	[sflag:s17] =	ssyncset.done $0x0  }
0x1b7: {  	s12 =	rddreg [dreg:$0x1b];
	[sflag:s17] =	ssyncadd.s32 $0xFFFFD800  }
0x1b8: {  	[tilespmem:s30], [sflag:$0x3] =	stream.indirect.gather [hbm4b:s4+s28], $0x80, s12, s28, $0xb8;
	[tilespmem:$0x1F080] =	vst v63  }
0x1b9: {  	_ =	swait.ge [sflag:s18], $0x2800  }
0x1ba: {  	[sflag:s18] =	ssyncset.done $0x0  }
0x1bb: {  	s12 =	rddreg [dreg:$0x1c];
	[sflag:s18] =	ssyncadd.s32 $0xFFFFD800  }
0x1bc: {  	[tilespmem:s31], [sflag:$0x4] =	stream.indirect.gather [hbm4b:s4+s28], $0x80, s12, s28, $0xb8;
	[tilespmem:$0x1F080] =	vst v63  }
0x1bd: {  	_ =	swait.ge [sflag:s1], $0x2800  }
0x1be: {  	[sflag:s1] =	ssyncset.done $0x0  }
0x1bf: {  	s12 =	rddreg [dreg:$0x1d];
	[sflag:s1] =	ssyncadd.s32 $0xFFFFD800  }
0x1c0: {  	[spmem:s2] =	stream.indirect.scatter.add.f32 [tilespmem:s24], [sflag:$0x5], $0x80, s12, s28, $0xb8;
	[tilespmem:$0x1F080] =	vst v63  }
0x1c1: {  	_ =	swait.ge [sflag:s0], $0x2800  }
0x1c2: {  	[sflag:s0] =	ssyncset.done $0x0  }
0x1c3: {  	s12 =	rddreg [dreg:$0x1e];
	[sflag:s0] =	ssyncadd.s32 $0xFFFFD800  }
0x1c4: {  	[spmem:s2] =	stream.indirect.scatter.add.f32 [tilespmem:s29], [sflag:$0x6], $0x80, s12, s28, $0xb8;
	[tilespmem:$0x1F080] =	vst v63  }
0x1c5: {  	_ =	swait.ge [sflag:s5], $0x2800  }
0x1c6: {  	[sflag:s5] =	ssyncset.done $0x0  }
0x1c7: {  	s12 =	rddreg [dreg:$0x1f];
	[sflag:s5] =	ssyncadd.s32 $0xFFFFD800  }
0x1c8: {  	[spmem:s2] =	stream.indirect.scatter.add.f32 [tilespmem:s30], [sflag:$0x7], $0x80, s12, s28, $0xb8;
	[tilespmem:$0x1F080] =	vst v63  }
0x1c9: {  	_ =	swait.ge [sflag:s7], $0x2800  }
0x1ca: {  	s12 =	sld [smem:$0x7E9]  }
0x1cb: {  	[sflag:s7] =	ssyncset.done $0x0  }
0x1cc: {  	[sflag:s7] =	ssyncadd.s32 $0xFFFFD800  }
0x1cd: {  	[spmem:s2] =	stream.indirect.scatter.add.f32 [tilespmem:s31], [sflag:$0x8], $0x80, s12, s28, $0xb8;
	[tilespmem:$0x1F080] =	vst v63  }
0x1ce: {  	_ =	swait.ge [sflag:s15], $0x2800  }
0x1cf: {  	s12 =	sld [smem:$0x7EB]  }
0x1d0: {  	[sflag:s15] =	ssyncset.done $0x0  }
0x1d1: {  	[sflag:s15] =	ssyncadd.s32 $0xFFFFD800  }
0x1d2: {  	[tilespmem:s24], [sflag:$0x1] =	stream.indirect.gather [hbm4b:s4+s28], $0x80, s12, s28, $0xb8;
	[tilespmem:$0x1F080] =	vst v63  }
0x1d3: {  	_ =	swait.ge [sflag:s16], $0x2800  }
0x1d4: {  	s12 =	sld [smem:$0x7EC]  }
0x1d5: {  	[sflag:s16] =	ssyncset.done $0x0  }
0x1d6: {  	[sflag:s16] =	ssyncadd.s32 $0xFFFFD800  }
0x1d7: {  	[tilespmem:s29], [sflag:$0x2] =	stream.indirect.gather [hbm4b:s4+s28], $0x80, s12, s28, $0xb8;
	[tilespmem:$0x1F080] =	vst v63  }
0x1d8: {  	_ =	swait.ge [sflag:s17], $0x2800  }
0x1d9: {  	s12 =	sld [smem:$0x7EE]  }
0x1da: {  	[sflag:s17] =	ssyncset.done $0x0  }
0x1db: {  	[sflag:s17] =	ssyncadd.s32 $0xFFFFD800  }
0x1dc: {  	[tilespmem:s30], [sflag:$0x3] =	stream.indirect.gather [hbm4b:s4+s28], $0x80, s12, s28, $0xb8;
	[tilespmem:$0x1F080] =	vst v63  }
0x1dd: {  	_ =	swait.ge [sflag:s18], $0x2800  }
0x1de: {  	s12 =	sld [smem:$0x7EF]  }
0x1df: {  	[sflag:s18] =	ssyncset.done $0x0  }
0x1e0: {  	[sflag:s18] =	ssyncadd.s32 $0xFFFFD800  }
0x1e1: {  	[tilespmem:s31], [sflag:$0x4] =	stream.indirect.gather [hbm4b:s4+s28], $0x80, s12, s28, $0xb8;
	[tilespmem:$0x1F080] =	vst v63  }
0x1e2: {  	_ =	swait.ge [sflag:s1], $0x2800  }
0x1e3: {  	s12 =	sld [smem:$0x7F1]  }
0x1e4: {  	[sflag:s1] =	ssyncset.done $0x0  }
0x1e5: {  	[sflag:s1] =	ssyncadd.s32 $0xFFFFD800  }
0x1e6: {  	[spmem:s2] =	stream.indirect.scatter.add.f32 [tilespmem:s24], [sflag:$0x5], $0x80, s12, s28, $0xb8;
	[tilespmem:$0x1F080] =	vst v63  }
0x1e7: {  	_ =	swait.ge [sflag:s0], $0x2800  }
0x1e8: {  	s12 =	sld [smem:$0x7F2]  }
0x1e9: {  	[sflag:s0] =	ssyncset.done $0x0  }
0x1ea: {  	[sflag:s0] =	ssyncadd.s32 $0xFFFFD800  }
0x1eb: {  	[spmem:s2] =	stream.indirect.scatter.add.f32 [tilespmem:s29], [sflag:$0x6], $0x80, s12, s28, $0xb8;
	[tilespmem:$0x1F080] =	vst v63  }
0x1ec: {  	_ =	swait.ge [sflag:s5], $0x2800  }
0x1ed: {  	s12 =	sld [smem:$0x7F4]  }
0x1ee: {  	[sflag:s5] =	ssyncset.done $0x0  }
0x1ef: {  	[sflag:s5] =	ssyncadd.s32 $0xFFFFD800  }
0x1f0: {  	[spmem:s2] =	stream.indirect.scatter.add.f32 [tilespmem:s30], [sflag:$0x7], $0x80, s12, s28, $0xb8;
	[tilespmem:$0x1F080] =	vst v63  }
0x1f1: {  	_ =	swait.ge [sflag:s7], $0x2800  }
0x1f2: {  	s12 =	sld [smem:$0x7F6]  }
0x1f3: {  	[sflag:s7] =	ssyncset.done $0x0  }
0x1f4: {  	[sflag:s7] =	ssyncadd.s32 $0xFFFFD800  }
0x1f5: {  	[spmem:s2] =	stream.indirect.scatter.add.f32 [tilespmem:s31], [sflag:$0x8], $0x80, s12, s28, $0xb8;
	[tilespmem:$0x1F080] =	vst v63  }
0x1f6: {  	_ =	swait.ge [sflag:s15], $0x2800  }
0x1f7: {  	s12 =	sld [smem:$0x7F7]  }
0x1f8: {  	[sflag:s15] =	ssyncset.done $0x0  }
0x1f9: {  	[sflag:s15] =	ssyncadd.s32 $0xFFFFD800  }
0x1fa: {  	[tilespmem:s24], [sflag:$0x1] =	stream.indirect.gather [hbm4b:s4+s28], $0x80, s12, s28, $0xb8;
	[tilespmem:$0x1F080] =	vst v63  }
0x1fb: {  	_ =	swait.ge [sflag:s16], $0x2800  }
0x1fc: {  	s12 =	sld [smem:$0x7F8]  }
0x1fd: {  	[sflag:s16] =	ssyncset.done $0x0  }
0x1fe: {  	[sflag:s16] =	ssyncadd.s32 $0xFFFFD800  }
0x1ff: {  	[tilespmem:s29], [sflag:$0x2] =	stream.indirect.gather [hbm4b:s4+s28], $0x80, s12, s28, $0xb8;
	[tilespmem:$0x1F080] =	vst v63  }
0x200: {  	_ =	swait.ge [sflag:s17], $0x2800  }
0x201: {  	[sflag:s17] =	ssyncset.done $0x0  }
0x202: {  	[sflag:s17] =	ssyncadd.s32 $0xFFFFD800  }
0x203: {  	[tilespmem:s30], [sflag:$0x3] =	stream.indirect.gather [hbm4b:s4+s28], $0x80, s19, s28, $0xb8;
	[tilespmem:$0x1F080] =	vst v63  }
0x204: {  	_ =	swait.ge [sflag:s18], $0x2800  }
0x205: {  	[sflag:s18] =	ssyncset.done $0x0  }
0x206: {  	[sflag:s18] =	ssyncadd.s32 $0xFFFFD800  }
0x207: {  	[tilespmem:s31], [sflag:$0x4] =	stream.indirect.gather [hbm4b:s4+s28], $0x80, s20, s28, $0xb8;
	[tilespmem:$0x1F080] =	vst v63  }
0x208: {  	_ =	swait.ge [sflag:s1], $0x2800  }
0x209: {  	[sflag:s1] =	ssyncset.done $0x0  }
0x20a: {  	[sflag:s1] =	ssyncadd.s32 $0xFFFFD800  }
0x20b: {  	[spmem:s2] =	stream.indirect.scatter.add.f32 [tilespmem:s24], [sflag:$0x5], $0x80, s21, s28, $0xb8;
	[tilespmem:$0x1F080] =	vst v63  }
0x20c: {  	_ =	swait.ge [sflag:s0], $0x2800  }
0x20d: {  	[sflag:s0] =	ssyncset.done $0x0  }
0x20e: {  	[sflag:s0] =	ssyncadd.s32 $0xFFFFD800  }
0x20f: {  	[spmem:s2] =	stream.indirect.scatter.add.f32 [tilespmem:s29], [sflag:$0x6], $0x80, s22, s28, $0xb8;
	[tilespmem:$0x1F080] =	vst v63  }
0x210: {  	_ =	swait.ge [sflag:s5], $0x2800  }
0x211: {  	[sflag:s5] =	ssyncset.done $0x0  }
0x212: {  	[sflag:s5] =	ssyncadd.s32 $0xFFFFD800  }
0x213: {  	[spmem:s2] =	stream.indirect.scatter.add.f32 [tilespmem:s30], [sflag:$0x7], $0x80, s6, s28, $0xb8;
	[tilespmem:$0x1F080] =	vst v63  }
0x214: {  	_ =	swait.ge [sflag:s7], $0x2800  }
0x215: {  	[sflag:s7] =	ssyncset.done $0x0  }
0x216: {  	[sflag:s7] =	ssyncadd.s32 $0xFFFFD800  }
0x217: {  	[spmem:s2] =	stream.indirect.scatter.add.f32 [tilespmem:s31], [sflag:$0x8], $0x80, s8, s28, $0xb8;
	[tilespmem:$0x1F080] =	vst v63  }
0x218: {  	_ =	swait.ge [sflag:s15], $0x2800  }
0x219: {  	[sflag:s15] =	ssyncset.done $0x0  }
0x21a: {  	[sflag:s15] =	ssyncadd.s32 $0xFFFFD800  }
0x21b: {  	[tilespmem:s24], [sflag:$0x1] =	stream.indirect.gather [hbm4b:s4+s28], $0x80, s9, s28, $0xb8;
	[tilespmem:$0x1F080] =	vst v63  }
0x21c: {  	_ =	swait.ge [sflag:s1], $0x2800  }
0x21d: {  	[sflag:s1] =	ssyncset.done $0x0  }
0x21e: {  	[sflag:s1] =	ssyncadd.s32 $0xFFFFD800  }
0x21f: {  	[spmem:s2] =	stream.indirect.scatter.add.f32 [tilespmem:s24], [sflag:$0x5], $0x80, s10, s28, $0xb8;
	[tilespmem:$0x1F080] =	vst v63  }
0x220: {  	_ =	swait.ge [sflag:s16], $0x2800  }
0x221: {  	[sflag:s16] =	ssyncset.done $0x0  }
0x222: {  	[sflag:s16] =	ssyncadd.s32 $0xFFFFD800  }
0x223: {  	_ =	swait.ge [sflag:s17], $0x2800  }
0x224: {  	[sflag:s17] =	ssyncset.done $0x0  }
0x225: {  	p0 =	sne.s32 s14, $0x3E8;
	[sflag:s17] =	ssyncadd.s32 $0xFFFFD800  }
.Ltmp0:
0x226: {  	_ =	swait.ge [sflag:s18], $0x2800;
	(pc) =	sbr.rel @p0 .LBB2_2-.Ltmp0, $4  }
0x227: {  	[sflag:s18] =	ssyncset.done $0x0  }
0x228: {  	[sflag:s18] =	ssyncadd.s32 $0xFFFFD800  }
0x229: {  	_ =	swait.ge [sflag:s15], $0x2800  }
0x22a: {  	s14 =	sadd.s32 $0xFA, s14;
	s12 =	rddreg [dreg:$0x3];
	[sflag:s15] =	ssyncset.done $0x0  }
0x22b: {  	s11 =	sadd.s32 s13, s12;
	[sflag:s15] =	ssyncadd.s32 $0xFFFFD800  }
0x22c: {  	[tilespmem:s3], [sflag:$0x9] =	stream.linear.gather [hbm4b:s11+s3], $0x7D0, $0x38;
	[tilespmem:$0x1F080] =	vst v63  }
0x22d: {  	_ =	swait.ge [sflag:s25], $0x7D0  }
0x22e: {  	[sflag:s25] =	ssyncset.done $0x0  }
0x22f: {  	s13 =	sadd.s32 $0x200, s23;
	[sflag:s25] =	ssyncadd.s32 $0xFFFFF830  }
0x230: {  	[tilespmem:s26], [sflag:$0x9] =	stream.linear.gather [hbm4b:s13+s3], $0xC80, $0x38;
	[tilespmem:$0x1F080] =	vst v63  }
0x231: {  	_ =	swait.ge [sflag:s25], $0xC80  }
0x232: {  	[sflag:s25] =	ssyncset.done $0x0  }
0x233: {  	[sflag:s25] =	ssyncadd.s32 $0xFFFFF380  }
0x234: {  	[tilespmem:s24], [sflag:$0x1] =	stream.indirect.gather [hbm4b:s4+s28], $0x80, s3, s28, $0xb8;
	[tilespmem:$0x1F080] =	vst v63  }
0x235: {  	_ = 	snop  }
0x236: {  	[tilespmem:s29], [sflag:$0x2] =	stream.indirect.gather [hbm4b:s4+s28], $0x80, s28, s28, $0xb8;
	[tilespmem:$0x1F080] =	vst v63  }
0x237: {  	s14 =	rddreg [dreg:$0x4]  }
0x238: {  	[tilespmem:s30], [sflag:$0x3] =	stream.indirect.gather [hbm4b:s4+s28], $0x80, s14, s28, $0xb8;
	[tilespmem:$0x1F080] =	vst v63  }
0x239: {  	s23 =	rddreg [dreg:$0x5]  }
0x23a: {  	[tilespmem:s31], [sflag:$0x4] =	stream.indirect.gather [hbm4b:s4+s28], $0x80, s23, s28, $0xb8;
	[tilespmem:$0x1F080] =	vst v63  }
0x23b: {  	_ =	swait.ge [sflag:s1], $0x2800  }
0x23c: {  	[sflag:s1] =	ssyncset.done $0x0  }
0x23d: {  	[sflag:s1] =	ssyncadd.s32 $0xFFFFD800  }
0x23e: {  	[spmem:s2] =	stream.indirect.scatter.add.f32 [tilespmem:s24], [sflag:$0x5], $0x80, s26, s28, $0xb8;
	[tilespmem:$0x1F080] =	vst v63  }
0x23f: {  	_ =	swait.ge [sflag:s0], $0x2800  }
0x240: {  	[sflag:s0] =	ssyncset.done $0x0  }
0x241: {  	s13 =	rddreg [dreg:$0x6];
	[sflag:s0] =	ssyncadd.s32 $0xFFFFD800  }
0x242: {  	[spmem:s2] =	stream.indirect.scatter.add.f32 [tilespmem:s29], [sflag:$0x6], $0x80, s13, s28, $0xb8;
	[tilespmem:$0x1F080] =	vst v63  }
0x243: {  	_ =	swait.ge [sflag:s5], $0x2800  }
0x244: {  	[sflag:s5] =	ssyncset.done $0x0  }
0x245: {  	s14 =	rddreg [dreg:$0x7];
	[sflag:s5] =	ssyncadd.s32 $0xFFFFD800  }
0x246: {  	[spmem:s2] =	stream.indirect.scatter.add.f32 [tilespmem:s30], [sflag:$0x7], $0x80, s14, s28, $0xb8;
	[tilespmem:$0x1F080] =	vst v63  }
0x247: {  	_ =	swait.ge [sflag:s7], $0x2800  }
0x248: {  	[sflag:s7] =	ssyncset.done $0x0  }
0x249: {  	s23 =	rddreg [dreg:$0x8];
	[sflag:s7] =	ssyncadd.s32 $0xFFFFD800  }
0x24a: {  	[spmem:s2] =	stream.indirect.scatter.add.f32 [tilespmem:s31], [sflag:$0x8], $0x80, s23, s28, $0xb8;
	[tilespmem:$0x1F080] =	vst v63  }
0x24b: {  	_ =	swait.ge [sflag:s15], $0x2800  }
0x24c: {  	[sflag:s15] =	ssyncset.done $0x0  }
0x24d: {  	s12 =	rddreg [dreg:$0x9];
	[sflag:s15] =	ssyncadd.s32 $0xFFFFD800  }
0x24e: {  	[tilespmem:s24], [sflag:$0x1] =	stream.indirect.gather [hbm4b:s4+s28], $0x80, s12, s28, $0xb8;
	[tilespmem:$0x1F080] =	vst v63  }
0x24f: {  	_ =	swait.ge [sflag:s16], $0x2800  }
0x250: {  	[sflag:s16] =	ssyncset.done $0x0  }
0x251: {  	s13 =	rddreg [dreg:$0xa];
	[sflag:s16] =	ssyncadd.s32 $0xFFFFD800  }
0x252: {  	[tilespmem:s29], [sflag:$0x2] =	stream.indirect.gather [hbm4b:s4+s28], $0x80, s13, s28, $0xb8;
	[tilespmem:$0x1F080] =	vst v63  }
0x253: {  	_ =	swait.ge [sflag:s17], $0x2800  }
0x254: {  	[sflag:s17] =	ssyncset.done $0x0  }
0x255: {  	s14 =	rddreg [dreg:$0xb];
	[sflag:s17] =	ssyncadd.s32 $0xFFFFD800  }
0x256: {  	[tilespmem:s30], [sflag:$0x3] =	stream.indirect.gather [hbm4b:s4+s28], $0x80, s14, s28, $0xb8;
	[tilespmem:$0x1F080] =	vst v63  }
0x257: {  	_ =	swait.ge [sflag:s18], $0x2800  }
0x258: {  	[sflag:s18] =	ssyncset.done $0x0  }
0x259: {  	s23 =	rddreg [dreg:$0xc];
	[sflag:s18] =	ssyncadd.s32 $0xFFFFD800  }
0x25a: {  	[tilespmem:s31], [sflag:$0x4] =	stream.indirect.gather [hbm4b:s4+s28], $0x80, s23, s28, $0xb8;
	[tilespmem:$0x1F080] =	vst v63  }
0x25b: {  	_ =	swait.ge [sflag:s1], $0x2800  }
0x25c: {  	[sflag:s1] =	ssyncset.done $0x0  }
0x25d: {  	s12 =	rddreg [dreg:$0xd];
	[sflag:s1] =	ssyncadd.s32 $0xFFFFD800  }
0x25e: {  	[spmem:s2] =	stream.indirect.scatter.add.f32 [tilespmem:s24], [sflag:$0x5], $0x80, s12, s28, $0xb8;
	[tilespmem:$0x1F080] =	vst v63  }
0x25f: {  	_ =	swait.ge [sflag:s0], $0x2800  }
0x260: {  	[sflag:s0] =	ssyncset.done $0x0  }
0x261: {  	s13 =	rddreg [dreg:$0xe];
	[sflag:s0] =	ssyncadd.s32 $0xFFFFD800  }
0x262: {  	[spmem:s2] =	stream.indirect.scatter.add.f32 [tilespmem:s29], [sflag:$0x6], $0x80, s13, s28, $0xb8;
	[tilespmem:$0x1F080] =	vst v63  }
0x263: {  	_ =	swait.ge [sflag:s5], $0x2800  }
0x264: {  	[sflag:s5] =	ssyncset.done $0x0  }
0x265: {  	s14 =	rddreg [dreg:$0xf];
	[sflag:s5] =	ssyncadd.s32 $0xFFFFD800  }
0x266: {  	[spmem:s2] =	stream.indirect.scatter.add.f32 [tilespmem:s30], [sflag:$0x7], $0x80, s14, s28, $0xb8;
	[tilespmem:$0x1F080] =	vst v63  }
0x267: {  	_ =	swait.ge [sflag:s7], $0x2800  }
0x268: {  	[sflag:s7] =	ssyncset.done $0x0  }
0x269: {  	s23 =	rddreg [dreg:$0x10];
	[sflag:s7] =	ssyncadd.s32 $0xFFFFD800  }
0x26a: {  	[spmem:s2] =	stream.indirect.scatter.add.f32 [tilespmem:s31], [sflag:$0x8], $0x80, s23, s28, $0xb8;
	[tilespmem:$0x1F080] =	vst v63  }
0x26b: {  	_ =	swait.ge [sflag:s15], $0x2800  }
0x26c: {  	[sflag:s15] =	ssyncset.done $0x0  }
0x26d: {  	s12 =	rddreg [dreg:$0x11];
	[sflag:s15] =	ssyncadd.s32 $0xFFFFD800  }
0x26e: {  	[tilespmem:s24], [sflag:$0x1] =	stream.indirect.gather [hbm4b:s4+s28], $0x80, s12, s28, $0xb8;
	[tilespmem:$0x1F080] =	vst v63  }
0x26f: {  	_ =	swait.ge [sflag:s16], $0x2800  }
0x270: {  	[sflag:s16] =	ssyncset.done $0x0  }
0x271: {  	s13 =	rddreg [dreg:$0x12];
	[sflag:s16] =	ssyncadd.s32 $0xFFFFD800  }
0x272: {  	[tilespmem:s29], [sflag:$0x2] =	stream.indirect.gather [hbm4b:s4+s28], $0x80, s13, s28, $0xb8;
	[tilespmem:$0x1F080] =	vst v63  }
0x273: {  	_ =	swait.ge [sflag:s17], $0x2800  }
0x274: {  	[sflag:s17] =	ssyncset.done $0x0  }
0x275: {  	s14 =	rddreg [dreg:$0x13];
	[sflag:s17] =	ssyncadd.s32 $0xFFFFD800  }
0x276: {  	[tilespmem:s30], [sflag:$0x3] =	stream.indirect.gather [hbm4b:s4+s28], $0x80, s14, s28, $0xb8;
	[tilespmem:$0x1F080] =	vst v63  }
0x277: {  	_ =	swait.ge [sflag:s18], $0x2800  }
0x278: {  	[sflag:s18] =	ssyncset.done $0x0  }
0x279: {  	s23 =	rddreg [dreg:$0x14];
	[sflag:s18] =	ssyncadd.s32 $0xFFFFD800  }
0x27a: {  	[tilespmem:s31], [sflag:$0x4] =	stream.indirect.gather [hbm4b:s4+s28], $0x80, s23, s28, $0xb8;
	[tilespmem:$0x1F080] =	vst v63  }
0x27b: {  	_ =	swait.ge [sflag:s1], $0x2800  }
0x27c: {  	[sflag:s1] =	ssyncset.done $0x0  }
0x27d: {  	s12 =	rddreg [dreg:$0x15];
	[sflag:s1] =	ssyncadd.s32 $0xFFFFD800  }
0x27e: {  	[spmem:s2] =	stream.indirect.scatter.add.f32 [tilespmem:s24], [sflag:$0x5], $0x80, s12, s28, $0xb8;
	[tilespmem:$0x1F080] =	vst v63  }
0x27f: {  	_ =	swait.ge [sflag:s0], $0x2800  }
0x280: {  	[sflag:s0] =	ssyncset.done $0x0  }
0x281: {  	s13 =	rddreg [dreg:$0x16];
	[sflag:s0] =	ssyncadd.s32 $0xFFFFD800  }
0x282: {  	[spmem:s2] =	stream.indirect.scatter.add.f32 [tilespmem:s29], [sflag:$0x6], $0x80, s13, s28, $0xb8;
	[tilespmem:$0x1F080] =	vst v63  }
0x283: {  	_ =	swait.ge [sflag:s5], $0x2800  }
0x284: {  	[sflag:s5] =	ssyncset.done $0x0  }
0x285: {  	s14 =	rddreg [dreg:$0x17];
	[sflag:s5] =	ssyncadd.s32 $0xFFFFD800  }
0x286: {  	[spmem:s2] =	stream.indirect.scatter.add.f32 [tilespmem:s30], [sflag:$0x7], $0x80, s14, s28, $0xb8;
	[tilespmem:$0x1F080] =	vst v63  }
0x287: {  	_ =	swait.ge [sflag:s7], $0x2800  }
0x288: {  	[sflag:s7] =	ssyncset.done $0x0  }
0x289: {  	s23 =	rddreg [dreg:$0x18];
	[sflag:s7] =	ssyncadd.s32 $0xFFFFD800  }
0x28a: {  	[spmem:s2] =	stream.indirect.scatter.add.f32 [tilespmem:s31], [sflag:$0x8], $0x80, s23, s28, $0xb8;
	[tilespmem:$0x1F080] =	vst v63  }
0x28b: {  	_ =	swait.ge [sflag:s15], $0x2800  }
0x28c: {  	[sflag:s15] =	ssyncset.done $0x0  }
0x28d: {  	s12 =	rddreg [dreg:$0x19];
	[sflag:s15] =	ssyncadd.s32 $0xFFFFD800  }
0x28e: {  	[tilespmem:s24], [sflag:$0x1] =	stream.indirect.gather [hbm4b:s4+s28], $0x80, s12, s28, $0xb8;
	[tilespmem:$0x1F080] =	vst v63  }
0x28f: {  	_ =	swait.ge [sflag:s16], $0x2800  }
0x290: {  	[sflag:s16] =	ssyncset.done $0x0  }
0x291: {  	s13 =	rddreg [dreg:$0x1a];
	[sflag:s16] =	ssyncadd.s32 $0xFFFFD800  }
0x292: {  	[tilespmem:s29], [sflag:$0x2] =	stream.indirect.gather [hbm4b:s4+s28], $0x80, s13, s28, $0xb8;
	[tilespmem:$0x1F080] =	vst v63  }
0x293: {  	_ =	swait.ge [sflag:s17], $0x2800  }
0x294: {  	[sflag:s17] =	ssyncset.done $0x0  }
0x295: {  	s14 =	rddreg [dreg:$0x1b];
	[sflag:s17] =	ssyncadd.s32 $0xFFFFD800  }
0x296: {  	[tilespmem:s30], [sflag:$0x3] =	stream.indirect.gather [hbm4b:s4+s28], $0x80, s14, s28, $0xb8;
	[tilespmem:$0x1F080] =	vst v63  }
0x297: {  	_ =	swait.ge [sflag:s18], $0x2800  }
0x298: {  	[sflag:s18] =	ssyncset.done $0x0  }
0x299: {  	s23 =	rddreg [dreg:$0x1c];
	[sflag:s18] =	ssyncadd.s32 $0xFFFFD800  }
0x29a: {  	[tilespmem:s31], [sflag:$0x4] =	stream.indirect.gather [hbm4b:s4+s28], $0x80, s23, s28, $0xb8;
	[tilespmem:$0x1F080] =	vst v63  }
0x29b: {  	_ =	swait.ge [sflag:s1], $0x2800  }
0x29c: {  	[sflag:s1] =	ssyncset.done $0x0  }
0x29d: {  	s12 =	rddreg [dreg:$0x1d];
	[sflag:s1] =	ssyncadd.s32 $0xFFFFD800  }
0x29e: {  	[spmem:s2] =	stream.indirect.scatter.add.f32 [tilespmem:s24], [sflag:$0x5], $0x80, s12, s28, $0xb8;
	[tilespmem:$0x1F080] =	vst v63  }
0x29f: {  	_ =	swait.ge [sflag:s0], $0x2800  }
0x2a0: {  	[sflag:s0] =	ssyncset.done $0x0  }
0x2a1: {  	s13 =	rddreg [dreg:$0x1e];
	[sflag:s0] =	ssyncadd.s32 $0xFFFFD800  }
0x2a2: {  	[spmem:s2] =	stream.indirect.scatter.add.f32 [tilespmem:s29], [sflag:$0x6], $0x80, s13, s28, $0xb8;
	[tilespmem:$0x1F080] =	vst v63  }
0x2a3: {  	_ =	swait.ge [sflag:s5], $0x2800  }
0x2a4: {  	[sflag:s5] =	ssyncset.done $0x0  }
0x2a5: {  	s14 =	rddreg [dreg:$0x1f];
	[sflag:s5] =	ssyncadd.s32 $0xFFFFD800  }
0x2a6: {  	[spmem:s2] =	stream.indirect.scatter.add.f32 [tilespmem:s30], [sflag:$0x7], $0x80, s14, s28, $0xb8;
	[tilespmem:$0x1F080] =	vst v63  }
0x2a7: {  	_ =	swait.ge [sflag:s7], $0x2800  }
0x2a8: {  	s23 =	sld [smem:$0x7E9]  }
0x2a9: {  	[sflag:s7] =	ssyncset.done $0x0  }
0x2aa: {  	[sflag:s7] =	ssyncadd.s32 $0xFFFFD800  }
0x2ab: {  	[spmem:s2] =	stream.indirect.scatter.add.f32 [tilespmem:s31], [sflag:$0x8], $0x80, s23, s28, $0xb8;
	[tilespmem:$0x1F080] =	vst v63  }
0x2ac: {  	_ =	swait.ge [sflag:s15], $0x2800  }
0x2ad: {  	s12 =	sld [smem:$0x7EB]  }
0x2ae: {  	[sflag:s15] =	ssyncset.done $0x0  }
0x2af: {  	[sflag:s15] =	ssyncadd.s32 $0xFFFFD800  }
0x2b0: {  	[tilespmem:s24], [sflag:$0x1] =	stream.indirect.gather [hbm4b:s4+s28], $0x80, s12, s28, $0xb8;
	[tilespmem:$0x1F080] =	vst v63  }
0x2b1: {  	_ =	swait.ge [sflag:s16], $0x2800  }
0x2b2: {  	s13 =	sld [smem:$0x7EC]  }
0x2b3: {  	[sflag:s16] =	ssyncset.done $0x0  }
0x2b4: {  	[sflag:s16] =	ssyncadd.s32 $0xFFFFD800  }
0x2b5: {  	[tilespmem:s29], [sflag:$0x2] =	stream.indirect.gather [hbm4b:s4+s28], $0x80, s13, s28, $0xb8;
	[tilespmem:$0x1F080] =	vst v63  }
0x2b6: {  	_ =	swait.ge [sflag:s17], $0x2800  }
0x2b7: {  	s14 =	sld [smem:$0x7EE]  }
0x2b8: {  	[sflag:s17] =	ssyncset.done $0x0  }
0x2b9: {  	[sflag:s17] =	ssyncadd.s32 $0xFFFFD800  }
0x2ba: {  	[tilespmem:s30], [sflag:$0x3] =	stream.indirect.gather [hbm4b:s4+s28], $0x80, s14, s28, $0xb8;
	[tilespmem:$0x1F080] =	vst v63  }
0x2bb: {  	_ =	swait.ge [sflag:s18], $0x2800  }
0x2bc: {  	s23 =	sld [smem:$0x7EF]  }
0x2bd: {  	[sflag:s18] =	ssyncset.done $0x0  }
0x2be: {  	[sflag:s18] =	ssyncadd.s32 $0xFFFFD800  }
0x2bf: {  	[tilespmem:s31], [sflag:$0x4] =	stream.indirect.gather [hbm4b:s4+s28], $0x80, s23, s28, $0xb8;
	[tilespmem:$0x1F080] =	vst v63  }
0x2c0: {  	_ =	swait.ge [sflag:s1], $0x2800  }
0x2c1: {  	s12 =	sld [smem:$0x7F1]  }
0x2c2: {  	[sflag:s1] =	ssyncset.done $0x0  }
0x2c3: {  	[sflag:s1] =	ssyncadd.s32 $0xFFFFD800  }
0x2c4: {  	[spmem:s2] =	stream.indirect.scatter.add.f32 [tilespmem:s24], [sflag:$0x5], $0x80, s12, s28, $0xb8;
	[tilespmem:$0x1F080] =	vst v63  }
0x2c5: {  	_ =	swait.ge [sflag:s0], $0x2800  }
0x2c6: {  	s13 =	sld [smem:$0x7F2]  }
0x2c7: {  	[sflag:s0] =	ssyncset.done $0x0  }
0x2c8: {  	[sflag:s0] =	ssyncadd.s32 $0xFFFFD800  }
0x2c9: {  	[spmem:s2] =	stream.indirect.scatter.add.f32 [tilespmem:s29], [sflag:$0x6], $0x80, s13, s28, $0xb8;
	[tilespmem:$0x1F080] =	vst v63  }
0x2ca: {  	_ =	swait.ge [sflag:s5], $0x2800  }
0x2cb: {  	s14 =	sld [smem:$0x7F4]  }
0x2cc: {  	[sflag:s5] =	ssyncset.done $0x0  }
0x2cd: {  	[sflag:s5] =	ssyncadd.s32 $0xFFFFD800  }
0x2ce: {  	[spmem:s2] =	stream.indirect.scatter.add.f32 [tilespmem:s30], [sflag:$0x7], $0x80, s14, s28, $0xb8;
	[tilespmem:$0x1F080] =	vst v63  }
0x2cf: {  	_ =	swait.ge [sflag:s7], $0x2800  }
0x2d0: {  	s23 =	sld [smem:$0x7F6]  }
0x2d1: {  	[sflag:s7] =	ssyncset.done $0x0  }
0x2d2: {  	[sflag:s7] =	ssyncadd.s32 $0xFFFFD800  }
0x2d3: {  	[spmem:s2] =	stream.indirect.scatter.add.f32 [tilespmem:s31], [sflag:$0x8], $0x80, s23, s28, $0xb8;
	[tilespmem:$0x1F080] =	vst v63  }
0x2d4: {  	_ =	swait.ge [sflag:s15], $0x2800  }
0x2d5: {  	s12 =	sld [smem:$0x7F7]  }
0x2d6: {  	[sflag:s15] =	ssyncset.done $0x0  }
0x2d7: {  	[sflag:s15] =	ssyncadd.s32 $0xFFFFD800  }
0x2d8: {  	[tilespmem:s24], [sflag:$0x1] =	stream.indirect.gather [hbm4b:s4+s28], $0x80, s12, s28, $0xb8;
	[tilespmem:$0x1F080] =	vst v63  }
0x2d9: {  	_ =	swait.ge [sflag:s16], $0x2800  }
0x2da: {  	s13 =	sld [smem:$0x7F8]  }
0x2db: {  	[sflag:s16] =	ssyncset.done $0x0  }
0x2dc: {  	[sflag:s16] =	ssyncadd.s32 $0xFFFFD800  }
0x2dd: {  	[tilespmem:s29], [sflag:$0x2] =	stream.indirect.gather [hbm4b:s4+s28], $0x80, s13, s28, $0xb8;
	[tilespmem:$0x1F080] =	vst v63  }
0x2de: {  	_ =	swait.ge [sflag:s17], $0x2800  }
0x2df: {  	[sflag:s17] =	ssyncset.done $0x0  }
0x2e0: {  	[sflag:s17] =	ssyncadd.s32 $0xFFFFD800  }
0x2e1: {  	[tilespmem:s30], [sflag:$0x3] =	stream.indirect.gather [hbm4b:s4+s28], $0x80, s19, s28, $0xb8;
	[tilespmem:$0x1F080] =	vst v63  }
0x2e2: {  	_ =	swait.ge [sflag:s18], $0x2800  }
0x2e3: {  	[sflag:s18] =	ssyncset.done $0x0  }
0x2e4: {  	[sflag:s18] =	ssyncadd.s32 $0xFFFFD800  }
0x2e5: {  	[tilespmem:s31], [sflag:$0x4] =	stream.indirect.gather [hbm4b:s4+s28], $0x80, s20, s28, $0xb8;
	[tilespmem:$0x1F080] =	vst v63  }
0x2e6: {  	_ =	swait.ge [sflag:s1], $0x2800  }
0x2e7: {  	[sflag:s1] =	ssyncset.done $0x0  }
0x2e8: {  	[sflag:s1] =	ssyncadd.s32 $0xFFFFD800  }
0x2e9: {  	[spmem:s2] =	stream.indirect.scatter.add.f32 [tilespmem:s24], [sflag:$0x5], $0x80, s21, s28, $0xb8;
	[tilespmem:$0x1F080] =	vst v63  }
0x2ea: {  	_ =	swait.ge [sflag:s0], $0x2800  }
0x2eb: {  	[sflag:s0] =	ssyncset.done $0x0  }
0x2ec: {  	[sflag:s0] =	ssyncadd.s32 $0xFFFFD800  }
0x2ed: {  	[spmem:s2] =	stream.indirect.scatter.add.f32 [tilespmem:s29], [sflag:$0x6], $0x80, s22, s28, $0xb8;
	[tilespmem:$0x1F080] =	vst v63  }
0x2ee: {  	_ =	swait.ge [sflag:s5], $0x2800  }
0x2ef: {  	[sflag:s5] =	ssyncset.done $0x0  }
0x2f0: {  	[sflag:s5] =	ssyncadd.s32 $0xFFFFD800  }
0x2f1: {  	[spmem:s2] =	stream.indirect.scatter.add.f32 [tilespmem:s30], [sflag:$0x7], $0x80, s6, s28, $0xb8;
	[tilespmem:$0x1F080] =	vst v63  }
0x2f2: {  	_ =	swait.ge [sflag:s7], $0x2800  }
0x2f3: {  	[sflag:s7] =	ssyncset.done $0x0  }
0x2f4: {  	[sflag:s7] =	ssyncadd.s32 $0xFFFFD800  }
0x2f5: {  	[spmem:s2] =	stream.indirect.scatter.add.f32 [tilespmem:s31], [sflag:$0x8], $0x80, s8, s28, $0xb8;
	[tilespmem:$0x1F080] =	vst v63  }
0x2f6: {  	_ =	swait.ge [sflag:s15], $0x2800  }
0x2f7: {  	[sflag:s15] =	ssyncset.done $0x0  }
0x2f8: {  	[sflag:s15] =	ssyncadd.s32 $0xFFFFD800  }
0x2f9: {  	[tilespmem:s24], [sflag:$0x1] =	stream.indirect.gather [hbm4b:s4+s28], $0x80, s9, s28, $0xb8;
	[tilespmem:$0x1F080] =	vst v63  }
0x2fa: {  	_ =	swait.ge [sflag:s1], $0x2800  }
0x2fb: {  	[sflag:s1] =	ssyncset.done $0x0  }
0x2fc: {  	[sflag:s1] =	ssyncadd.s32 $0xFFFFD800  }
0x2fd: {  	[spmem:s2] =	stream.indirect.scatter.add.f32 [tilespmem:s24], [sflag:$0x5], $0x80, s10, s28, $0xb8;
	[tilespmem:$0x1F080] =	vst v63  }
0x2fe: {  	_ =	swait.ge [sflag:s16], $0x2800  }
0x2ff: {  	[sflag:s16] =	ssyncset.done $0x0  }
0x300: {  	[sflag:s16] =	ssyncadd.s32 $0xFFFFD800  }
0x301: {  	_ =	swait.ge [sflag:s17], $0x2800  }
0x302: {  	[sflag:s17] =	ssyncset.done $0x0  }
0x303: {  	[sflag:s17] =	ssyncadd.s32 $0xFFFFD800  }
0x304: {  	_ =	swait.ge [sflag:s18], $0x2800  }
0x305: {  	[sflag:s18] =	ssyncset.done $0x0  }
0x306: {  	[sflag:s18] =	ssyncadd.s32 $0xFFFFD800  }
0x307: {  	_ =	swait.ge [sflag:s15], $0x2800  }
0x308: {  	[sflag:s15] =	ssyncset.done $0x0  }
0x309: {  	[sflag:s15] =	ssyncadd.s32 $0xFFFFD800  }
0x30a: {  	[bflag:$0x0] =	sbarrier.arrive $0xFFFF  }
0x30b: {  	s14 =	sld [smem:$0x7E0];
	_ =	sdelay $0x2  }
0x30c: {  	[tilespmem:s24], [sflag:$0x9] =	stream.linear.gather [spmem:s14], $0x2800, $0x38;
	[tilespmem:$0x1F080] =	vst v63  }
0x30d: {  	_ =	swait.ge [sflag:s25], $0x2800  }
0x30e: {  	s23 =	sld [smem:$0x7E5]  }
0x30f: {  	[sflag:s25] =	ssyncset.done $0x0  }
0x310: {  	[sflag:s25] =	ssyncadd.s32 $0xFFFFD800  }
0x311: {  	[hbm4b:s23+s3] =	stream.linear.scatter [tilespmem:s24], [sflag:$0x9], $0x2800, $0x38;
	[tilespmem:$0x1F080] =	vst v63  }
0x312: {  	_ =	swait.ge [sflag:s25], $0x2800  }
0x313: {  	s12 =	sld [smem:$0x7FA]  }
0x314: {  	[sflag:s25] =	ssyncset.done $0x0  }
0x315: {  	[sflag:s25] =	ssyncadd.s32 $0xFFFFD800  }
0x316: {  	[tilespmem:s24], [sflag:$0x9] =	stream.linear.gather [spmem:s12], $0x2800, $0x38;
	[tilespmem:$0x1F080] =	vst v63  }
0x317: {  	_ =	swait.ge [sflag:s25], $0x2800  }
0x318: {  	s13 =	sld [smem:$0x7E6]  }
0x319: {  	[sflag:s25] =	ssyncset.done $0x0  }
0x31a: {  	[sflag:s25] =	ssyncadd.s32 $0xFFFFD800  }
0x31b: {  	[hbm4b:s13+s3] =	stream.linear.scatter [tilespmem:s24], [sflag:$0x9], $0x2800, $0x38;
	[tilespmem:$0x1F080] =	vst v63  }
0x31c: {  	_ =	swait.ge [sflag:s25], $0x2800  }
0x31d: {  	s13 =	sld [smem:$0x7FB]  }
0x31e: {  	[sflag:s25] =	ssyncset.done $0x0  }
0x31f: {  	[sflag:s25] =	ssyncadd.s32 $0xFFFFD800  }
0x320: {  	[tilespmem:s24], [sflag:$0x9] =	stream.linear.gather [spmem:s13], $0x2800, $0x38;
	[tilespmem:$0x1F080] =	vst v63  }
0x321: {  	_ =	swait.ge [sflag:s25], $0x2800  }
0x322: {  	s14 =	sld [smem:$0x7E7]  }
0x323: {  	[sflag:s25] =	ssyncset.done $0x0  }
0x324: {  	[sflag:s25] =	ssyncadd.s32 $0xFFFFD800  }
0x325: {  	[hbm4b:s14+s3] =	stream.linear.scatter [tilespmem:s24], [sflag:$0x9], $0x2800, $0x38;
	[tilespmem:$0x1F080] =	vst v63  }
0x326: {  	_ =	swait.ge [sflag:s25], $0x2800  }
0x327: {  	s12 =	sld [smem:$0x7FC]  }
0x328: {  	[sflag:s25] =	ssyncset.done $0x0  }
0x329: {  	[sflag:s25] =	ssyncadd.s32 $0xFFFFD800  }
0x32a: {  	[tilespmem:s24], [sflag:$0x9] =	stream.linear.gather [spmem:s12], $0x2800, $0x38;
	[tilespmem:$0x1F080] =	vst v63  }
0x32b: {  	_ =	swait.ge [sflag:s25], $0x2800  }
0x32c: {  	s23 =	sld [smem:$0x7E8]  }
0x32d: {  	[sflag:s25] =	ssyncset.done $0x0  }
0x32e: {  	[sflag:s25] =	ssyncadd.s32 $0xFFFFD800  }
0x32f: {  	[hbm4b:s23+s3] =	stream.linear.scatter [tilespmem:s24], [sflag:$0x9], $0x2800, $0x38;
	[tilespmem:$0x1F080] =	vst v63  }
0x330: {  	_ =	swait.ge [sflag:s25], $0x2800  }
0x331: {  	s14 =	sld [smem:$0x7E2]  }
0x332: {  	[sflag:s25] =	ssyncset.done $0x0  }
0x333: {  	[sflag:s25] =	ssyncadd.s32 $0xFFFFD800  }
0x334: {  	[tilespmem:s24], [sflag:$0x9] =	stream.linear.gather [spmem:s14], $0x2800, $0x38;
	[tilespmem:$0x1F080] =	vst v63  }
0x335: {  	_ =	swait.ge [sflag:s25], $0x2800  }
0x336: {  	s23 =	sld [smem:$0x7EA]  }
0x337: {  	[sflag:s25] =	ssyncset.done $0x0  }
0x338: {  	[sflag:s25] =	ssyncadd.s32 $0xFFFFD800  }
0x339: {  	[hbm4b:s23+s3] =	stream.linear.scatter [tilespmem:s24], [sflag:$0x9], $0x2800, $0x38;
	[tilespmem:$0x1F080] =	vst v63  }
0x33a: {  	_ =	swait.ge [sflag:s25], $0x2800  }
0x33b: {  	s14 =	sld [smem:$0x7E3]  }
0x33c: {  	[sflag:s25] =	ssyncset.done $0x0  }
0x33d: {  	[sflag:s25] =	ssyncadd.s32 $0xFFFFD800  }
0x33e: {  	[tilespmem:s24], [sflag:$0x9] =	stream.linear.gather [spmem:s14], $0x2800, $0x38;
	[tilespmem:$0x1F080] =	vst v63  }
0x33f: {  	_ =	swait.ge [sflag:s25], $0x2800  }
0x340: {  	s23 =	sld [smem:$0x7ED]  }
0x341: {  	[sflag:s25] =	ssyncset.done $0x0  }
0x342: {  	[sflag:s25] =	ssyncadd.s32 $0xFFFFD800  }
0x343: {  	[hbm4b:s23+s3] =	stream.linear.scatter [tilespmem:s24], [sflag:$0x9], $0x2800, $0x38;
	[tilespmem:$0x1F080] =	vst v63  }
0x344: {  	_ =	swait.ge [sflag:s25], $0x2800  }
0x345: {  	s14 =	sld [smem:$0x7E4]  }
0x346: {  	[sflag:s25] =	ssyncset.done $0x0  }
0x347: {  	[sflag:s25] =	ssyncadd.s32 $0xFFFFD800  }
0x348: {  	[tilespmem:s24], [sflag:$0x9] =	stream.linear.gather [spmem:s14], $0x2800, $0x38;
	[tilespmem:$0x1F080] =	vst v63  }
0x349: {  	_ =	swait.ge [sflag:s25], $0x2800  }
0x34a: {  	s23 =	sld [smem:$0x7F0]  }
0x34b: {  	[sflag:s25] =	ssyncset.done $0x0  }
0x34c: {  	[sflag:s25] =	ssyncadd.s32 $0xFFFFD800  }
0x34d: {  	[hbm4b:s23+s3] =	stream.linear.scatter [tilespmem:s24], [sflag:$0x9], $0x2800, $0x38;
	[tilespmem:$0x1F080] =	vst v63  }
0x34e: {  	_ =	swait.ge [sflag:s25], $0x2800  }
0x34f: {  	s23 =	sld [smem:$0x7FD]  }
0x350: {  	[sflag:s25] =	ssyncset.done $0x0  }
0x351: {  	[sflag:s25] =	ssyncadd.s32 $0xFFFFD800  }
0x352: {  	[tilespmem:s24], [sflag:$0x9] =	stream.linear.gather [spmem:s23], $0x2800, $0x38;
	[tilespmem:$0x1F080] =	vst v63  }
0x353: {  	_ =	swait.ge [sflag:s25], $0x2800  }
0x354: {  	s14 =	sld [smem:$0x7F3]  }
0x355: {  	[sflag:s25] =	ssyncset.done $0x0  }
0x356: {  	[sflag:s25] =	ssyncadd.s32 $0xFFFFD800  }
0x357: {  	[hbm4b:s14+s3] =	stream.linear.scatter [tilespmem:s24], [sflag:$0x9], $0x2800, $0x38;
	[tilespmem:$0x1F080] =	vst v63  }
0x358: {  	_ =	swait.ge [sflag:s25], $0x2800  }
0x359: {  	s14 =	sld [smem:$0x7F9]  }
0x35a: {  	s11 =	sld [smem:$0x7E1];
	_ =	sdelay $0x1  }
0x35b: {  	s14 =	sadd.s32 $0x1, s14  }
0x35c: {  	p0 =	sne.s32 s14, s11  }
.Ltmp1:
0x35d: {  	_ = 	snop;
	(pc) =	sbr.rel @p0 .LBB2_1-.Ltmp1, $3  }
0x35e: {  	_ =	sdelay $0x1  }
0x35f: {  	[sflag:s25] =	ssyncset.done $0x0;
	[smem:$0x7F9] =	sst s14  }
0x360: {  	[sflag:s25] =	ssyncadd.s32 $0xFFFFD800;
	s14 =	smov.u32 s12;
	s12 =	sld [smem:$0x7FA]  }
0x361: {  	_ =	sfence.sel $0x180000  }
0x362: {  	[bflag:$0x0] =	sbarrier.arrive $0xFFFF  }
0x363: {  	_ =	strace $0x9000004A  }
0x364: {  	s0 =	stileid.u32;
	[bflag:$0x2] =	sbarrier.arrive $0xFFFF  }
0x365: {  	p0 =	sne.s32 s0, $0x0;
	s0 =	rddreg [dreg:$0x2]  }
0x366: {  	s0 =	sadd.s32 @!p0 $0x100000, s0  }
0x367: {  	[sflag:s0] =	ssyncadd.tile.s32 @!p0 $0x1;
	_ =	shalt  }
.Lfunc_end2:
_tile_overlayer_lowered:
.L_overlay_start_2:
0x368: {  	(tag) =	ssettag $0x2  }
0x369: {  	s0 =	rddreg [dreg:$0x0];
	s2 =	stileid.u32  }
0x36a: {  	s1 =	rddreg [dreg:$0x1];
	p0 =	sne.s32 s2, $0x0  }
0x36b: {  	s3 =	rddreg [dreg:$0x2];
	[bflag:$0x3] =	sbarrier.arrive $0xFFFF;
	s2 =	simm.s32 @!p0 $0x1C09  }
0x36c: {  	[timem:s3], [sflag:s2] =	dma.local @!p0 [hbm:s0], s1  }
0x36d: {  	s0 =	simm.s32 @!p0 $0x9  }
0x36e: {  	_ =	swait.ge @!p0 [sflag:s0], s1  }
0x36f: {  	s1 =	ssub.s32 @!p0 $0x0, s1;
	[sflag:s0] =	ssyncset.done @!p0 $0x0  }
0x370: {  	[sflag:s0] =	ssyncadd.s32 @!p0 s1  }
0x371: {  	[bflag:$0x3] =	sbarrier.arrive $0xFFFF  }
0x372: {  	_ =	shalt  }

</sc_bundles>
